<compile_context>
chip_gen: v7x
topology: tpu7x:2x2x1
jax: 0.10.2.dev20260603
libtpu: 0.0.44.dev20260713+nightly
codegen_flags: <defaults>
</compile_context>

<pallas_src>
import functools

import numpy as np

import jax
import jax.numpy as jnp
from jax import lax
from jax.experimental import pallas as pl
from jax.experimental.pallas import tpu as pltpu
from jax.experimental.pallas import tpu_sc as plsc

N = 10000
E = 320000
D = 128
H = D // 2
L = 3

NC = 2
NS = 16
C = 128
E_TILE = E // NS
CHUNKS = 158
T = CHUNKS * C
N_PAD = 10240
RPT = N_PAD // NS

BN = 1280
GRID = N_PAD // BN



def _dot(a, b):
    return jnp.dot(a, b, preferred_element_type=jnp.float32)


def _write_halves(ref, full):
    ref[0] = full[:, :H].astype(jnp.bfloat16)
    ref[1] = full[:, H:].astype(jnp.bfloat16)


def _proj_body(x_ref, win_ref, bin_ref, a_ref, bm_ref, b_ref, p_ref, q_ref):
    h = jnp.maximum(_dot(x_ref[...], win_ref[...]) + bin_ref[...], 0.0)
    _write_halves(p_ref, _dot(h, a_ref[...]) + bm_ref[...])
    _write_halves(q_ref, _dot(h, b_ref[...]))


def _mid_body(parts_ref, wl_ref, bl_ref, a_ref, bm_ref, b_ref, p_ref, q_ref):
    aggr = jnp.concatenate([parts_ref[0], parts_ref[1]], axis=-1)
    h = jnp.maximum(_dot(aggr, wl_ref[...]) + bl_ref[...], 0.0)
    _write_halves(p_ref, _dot(h, a_ref[...]) + bm_ref[...])
    _write_halves(q_ref, _dot(h, b_ref[...]))


def _final_body(parts_ref, wl_ref, bl_ref, o_ref):
    i = pl.program_id(0)
    aggr = jnp.concatenate([parts_ref[0], parts_ref[1]], axis=-1)
    h = jnp.maximum(_dot(aggr, wl_ref[...]) + bl_ref[...], 0.0)
    rows = lax.broadcasted_iota(jnp.int32, (BN, 1), 0) + i * BN
    h = jnp.where(rows < N, h, 0.0)
    s = jnp.sum(h, axis=0, keepdims=True) * (1.0 / N)

    @pl.when(i == 0)
    def _():
        o_ref[...] = s

    @pl.when(i > 0)
    def _():
        o_ref[...] = o_ref[...] + s


_row_spec = pl.BlockSpec((BN, D), lambda i: (i, 0))
_half_spec = pl.BlockSpec((NC, BN, H), lambda i: (0, i, 0))
_w_spec = pl.BlockSpec((D, D), lambda i: (0, 0))
_b_spec = pl.BlockSpec((1, D), lambda i: (0, 0))
_halves_bf16 = jax.ShapeDtypeStruct((NC, N_PAD, H), jnp.bfloat16)

_proj_call = pl.pallas_call(
    _proj_body,
    grid=(GRID,),
    in_specs=[_row_spec, _w_spec, _b_spec, _w_spec, _b_spec, _w_spec],
    out_specs=[_half_spec, _half_spec],
    out_shape=[_halves_bf16, _halves_bf16],
)

_mid_call = pl.pallas_call(
    _mid_body,
    grid=(GRID,),
    in_specs=[_half_spec, _w_spec, _b_spec, _w_spec, _b_spec, _w_spec],
    out_specs=[_half_spec, _half_spec],
    out_shape=[_halves_bf16, _halves_bf16],
)

_final_call = pl.pallas_call(
    _final_body,
    grid=(GRID,),
    in_specs=[_half_spec, _w_spec, _b_spec],
    out_specs=pl.BlockSpec((1, D), lambda i: (0, 0)),
    out_shape=jax.ShapeDtypeStruct((1, D), jnp.float32),
)



_sc_mesh = plsc.VectorSubcoreMesh(core_axis_name="c", subcore_axis_name="s")


@functools.partial(
    pl.kernel,
    mesh=_sc_mesh,
    out_type=jax.ShapeDtypeStruct((NC, N_PAD, H), jnp.float32),
    scratch_types=[
        pltpu.VMEM((CHUNKS, C), jnp.int32),
        pltpu.VMEM((CHUNKS, C), jnp.int32),
        pltpu.VMEM((C, H), jnp.bfloat16),
        pltpu.VMEM((C, H), jnp.bfloat16),
        pltpu.VMEM((C, H), jnp.bfloat16),
        pltpu.VMEM((C, H), jnp.bfloat16),
        pltpu.VMEM((C, H), jnp.float32),
        pltpu.VMEM((C, H), jnp.float32),
        pltpu.VMEM_SHARED((N_PAD, H), jnp.float32),
        pltpu.SemaphoreType.DMA,
        pltpu.SemaphoreType.DMA,
        pltpu.SemaphoreType.DMA,
    ],
    compiler_params=pltpu.CompilerParams(use_tc_tiling_on_sc=False,
                                         needs_layout_passes=False),
)
def _edge_call(dst_hbm, src_hbm, p_hbm, q_hbm, zeros_hbm, out_hbm,
               dst_v, src_v, pg0, qg0, pg1, qg1, mg0, mg1, aggr,
               sem0, sem1, ssem):
    cid = lax.axis_index("c")
    sid = lax.axis_index("s")

    pltpu.sync_copy(dst_hbm.at[sid], dst_v)
    pltpu.sync_copy(src_hbm.at[sid], src_v)
    pltpu.sync_copy(zeros_hbm, aggr.at[pl.ds(sid * RPT, RPT)])
    plsc.subcore_barrier()

    p_half = p_hbm.at[cid]
    q_half = q_hbm.at[cid]
    gbufs = ((pg0, qg0, sem0), (pg1, qg1, sem1))
    mbufs = (mg0, mg1)

    def issue(c, pg, qg, sem):
        pltpu.async_copy(p_half.at[dst_v.at[c]], pg, sem)
        pltpu.async_copy(q_half.at[src_v.at[c]], qg, sem)

    for b in range(2):
        issue(b, *gbufs[b])

    @pl.loop(0, CHUNKS, step=2)
    def _(c0):
        for b in range(2):
            c = c0 + b
            pg, qg, sem = gbufs[b]
            mg = mbufs[b]
            pltpu.make_async_copy(p_half.at[dst_v.at[c]], pg, sem).wait()
            pltpu.make_async_copy(q_half.at[src_v.at[c]], qg, sem).wait()

            @plsc.parallel_loop(0, C, unroll=4)
            def _(r):
                for k in range(H // 32):
                    m = jnp.maximum(pg[r, pl.ds(k * 32, 32)]
                                    + qg[r, pl.ds(k * 32, 32)], 0.0)
                    ma, mb = plsc.unpack(
                        m, format=plsc.PackFormat.INTERLEAVED,
                        preferred_element_type=jnp.float32)
                    mg[r, pl.ds(k * 32, 16)] = ma
                    mg[r, pl.ds(k * 32 + 16, 16)] = mb

            @pl.when(c + 2 < CHUNKS)
            def _():
                issue(c + 2, pg, qg, sem)

            @pl.when(c >= 1)
            def _():
                pltpu.make_async_copy(mbufs[1 - b],
                                      aggr.at[dst_v.at[c - 1]], ssem).wait()

            pltpu.async_copy(mg, aggr.at[dst_v.at[c]], ssem, add=True)

    pltpu.make_async_copy(mbufs[1], aggr.at[dst_v.at[CHUNKS - 1]], ssem).wait()
    plsc.subcore_barrier()
    pltpu.sync_copy(aggr.at[pl.ds(sid * RPT, RPT)],
                    out_hbm.at[cid, pl.ds(sid * RPT, RPT)])



def kernel(x, edge_index, W_in, b_in, W_msg, b_msg, W_lin, b_lin):
    src = edge_index[0].astype(jnp.int32)
    dst = edge_index[1].astype(jnp.int32)
    dst_r = jnp.pad(dst.reshape(NS, E_TILE), ((0, 0), (0, T - E_TILE)),
                    constant_values=N).reshape(NS, CHUNKS, C)
    src_r = jnp.pad(src.reshape(NS, E_TILE), ((0, 0), (0, T - E_TILE)),
                    constant_values=0).reshape(NS, CHUNKS, C)
    x_pad = jnp.pad(x, ((0, N_PAD - N), (0, 0)))
    zeros = jnp.zeros((RPT, H), jnp.float32)

    A = W_msg[:, :D, :]
    B = W_msg[:, D:, :]
    b_msg2 = b_msg.reshape(L, 1, D)
    b_lin2 = b_lin.reshape(L, 1, D)
    perm = np.empty(D, np.int32)
    for base in range(0, D, 32):
        for j in range(16):
            perm[base + j] = base + 2 * j
            perm[base + 16 + j] = base + 2 * j + 1
    W_lin = W_lin[:, perm, :]

    P, Q = _proj_call(x_pad, W_in, b_in.reshape(1, D), A[0], b_msg2[0], B[0])
    for l in range(L):
        parts = _edge_call(dst_r, src_r, P, Q, zeros)
        if l < L - 1:
            P, Q = _mid_call(parts, W_lin[l], b_lin2[l],
                             A[l + 1], b_msg2[l + 1], B[l + 1])
        else:
            out = _final_call(parts, W_lin[l], b_lin2[l])
    return out

# --- scband reference (transcript-rebuilt; emitter-appended) ---
"""Pipeline reference for scband-simple-gnnencoder-35287451304146 (READ-ONLY COPY).

The authoritative reference and input builder live on the scoring server;
editing this copy changes nothing except your own understanding.
"""

import jax, jax.numpy as jnp
import numpy as np

N = 10000
E = 320000
D = 128
L = 3


def setup_inputs(seed: int = 0) -> dict:
    key = jax.random.key(seed)
    ks = jax.random.split(key, 9)
    x = jax.random.normal(ks[0], (N, D), dtype=jnp.float32)
    edge_index = jax.random.randint(ks[1], (2, E), 0, N).astype(jnp.int64)
    s_in = 1.0 / np.sqrt(D)
    s_msg = 1.0 / np.sqrt(2 * D)
    W_in = jax.random.uniform(ks[2], (D, D), jnp.float32, -s_in, s_in)
    b_in = jax.random.uniform(ks[3], (D,), jnp.float32, -s_in, s_in)
    W_msg = jax.random.uniform(ks[4], (L, 2 * D, D), jnp.float32, -s_msg, s_msg)
    b_msg = jax.random.uniform(ks[5], (L, D), jnp.float32, -s_msg, s_msg)
    W_lin = jax.random.uniform(ks[6], (L, D, D), jnp.float32, -s_in, s_in)
    b_lin = jax.random.uniform(ks[7], (L, D), jnp.float32, -s_in, s_in)
    return {"x": x, "edge_index": edge_index, "W_in": W_in, "b_in": b_in,
            "W_msg": W_msg, "b_msg": b_msg, "W_lin": W_lin, "b_lin": b_lin}


def reference(x, edge_index, W_in, b_in, W_msg, b_msg, W_lin, b_lin):
    # input projection
    h = jax.nn.relu(x @ W_in + b_in)
    src = edge_index[0]  # source nodes (x_j)
    dst = edge_index[1]  # destination nodes (x_i), aggregation target
    for l in range(L):
        x_i = jnp.take(h, dst, axis=0)
        x_j = jnp.take(h, src, axis=0)
        m = jnp.concatenate([x_i, x_j], axis=-1)
        m = jax.nn.relu(m @ W_msg[l] + b_msg[l])
        aggr = jax.ops.segment_sum(m, dst, num_segments=N)
        h = jax.nn.relu(aggr @ W_lin[l] + b_lin[l])
    # batch is None -> global mean pool over all nodes
    return h.mean(axis=0, keepdims=True)

if __name__ == "__main__":
    import jax
    _d = setup_inputs()
    print(jax.jit(kernel)(*tuple(_d.values())))

</pallas_src>

<mosaic_0001>
#map = affine_map<(d0, d1) -> (0, 0, 0)>
#map1 = affine_map<(d0, d1) -> (0, 0)>
module attributes {stable_mosaic.version = 14 : i64} {
  func.func @_edge_call(%arg0: i32, %arg1: i32, %arg2: memref<16x158x128xi32, #tpu.memory_space<hbm>>, %arg3: memref<16x158x128xi32, #tpu.memory_space<hbm>>, %arg4: memref<2x10240x64xbf16, #tpu.memory_space<hbm>>, %arg5: memref<2x10240x64xbf16, #tpu.memory_space<hbm>>, %arg6: memref<640x64xf32, #tpu.memory_space<hbm>>, %arg7: memref<2x10240x64xf32, #tpu.memory_space<hbm>>, %arg8: memref<158x128xi32, #tpu.memory_space<vmem>>, %arg9: memref<158x128xi32, #tpu.memory_space<vmem>>, %arg10: memref<128x64xbf16, #tpu.memory_space<vmem>>, %arg11: memref<128x64xbf16, #tpu.memory_space<vmem>>, %arg12: memref<128x64xbf16, #tpu.memory_space<vmem>>, %arg13: memref<128x64xbf16, #tpu.memory_space<vmem>>, %arg14: memref<128x64xf32, #tpu.memory_space<vmem>>, %arg15: memref<128x64xf32, #tpu.memory_space<vmem>>, %arg16: memref<10240x64xf32, #tpu.memory_space<vmem_shared>>, %arg17: memref<!tpu.dma_semaphore, #tpu.memory_space<semaphore_mem>>, %arg18: memref<!tpu.dma_semaphore, #tpu.memory_space<semaphore_mem>>, %arg19: memref<!tpu.dma_semaphore, #tpu.memory_space<semaphore_mem>>) attributes {dimension_semantics = [#tpu.dimension_semantics<core_parallel>, #tpu.dimension_semantics<subcore_parallel>], iteration_bounds = array<i64: 2, 16>, scalar_prefetch = 0 : i64, scratch_operands = 12 : i64, tpu.core_type = #tpu.core_type<sc_vector_subcore>, window_params = [{transform_indices = #map}, {transform_indices = #map}, {transform_indices = #map}, {transform_indices = #map}, {transform_indices = #map1}, {transform_indices = #map}]} {
    "tpu.region"() ({
      %run_scoped3A = tpu.sem_alloc : memref<!tpu.dma_semaphore, #tpu.memory_space<semaphore_mem>>
      %dma_start3A_59 = arith.constant 0 : i32
      %dma_start3A_60 = arith.constant 0 : i32
      %dma_start3A_61 = tpu.memref_slice %arg2[%arg1, %dma_start3A_59, %dma_start3A_60] : memref<16x158x128xi32, #tpu.memory_space<hbm>> -> memref<1x158x128xi32, #tpu.memory_space<hbm>>
      %dma_start3A_62 = tpu.memref_squeeze %dma_start3A_61 : memref<1x158x128xi32, #tpu.memory_space<hbm>> -> memref<158x128xi32, #tpu.memory_space<hbm>>
      %dma_start3A_63 = arith.constant 0 : i32
      %dma_start3A_64 = arith.constant 0 : i32
      %dma_start3A_65 = tpu.memref_slice %arg2[%arg1, %dma_start3A_63, %dma_start3A_64] : memref<16x158x128xi32, #tpu.memory_space<hbm>> -> memref<1x158x128xi32, #tpu.memory_space<hbm>>
      %dma_start3A_66 = tpu.memref_squeeze %dma_start3A_65 : memref<1x158x128xi32, #tpu.memory_space<hbm>> -> memref<158x128xi32, #tpu.memory_space<hbm>>
      tpu.enqueue_dma source(%dma_start3A_66 : memref<158x128xi32, #tpu.memory_space<hbm>>) target(%arg8 : memref<158x128xi32, #tpu.memory_space<vmem>>) target_semaphore(%run_scoped3A : memref<!tpu.dma_semaphore, #tpu.memory_space<semaphore_mem>>)
      %dma_wait3A_67 = arith.constant 0 : i32
      %dma_wait3A_68 = arith.constant 0 : i32
      %dma_wait3A_69 = tpu.memref_slice %arg2[%arg1, %dma_wait3A_67, %dma_wait3A_68] : memref<16x158x128xi32, #tpu.memory_space<hbm>> -> memref<1x158x128xi32, #tpu.memory_space<hbm>>
      %dma_wait3A_70 = tpu.memref_squeeze %dma_wait3A_69 : memref<1x158x128xi32, #tpu.memory_space<hbm>> -> memref<158x128xi32, #tpu.memory_space<hbm>>
      %dma_wait3A_71 = arith.constant 0 : i32
      %dma_wait3A_72 = arith.constant 0 : i32
      %dma_wait3A_73 = tpu.memref_slice %arg2[%arg1, %dma_wait3A_71, %dma_wait3A_72] : memref<16x158x128xi32, #tpu.memory_space<hbm>> -> memref<1x158x128xi32, #tpu.memory_space<hbm>>
      %dma_wait3A_74 = tpu.memref_squeeze %dma_wait3A_73 : memref<1x158x128xi32, #tpu.memory_space<hbm>> -> memref<158x128xi32, #tpu.memory_space<hbm>>
      tpu.wait_dma2 semaphore(%run_scoped3A : memref<!tpu.dma_semaphore, #tpu.memory_space<semaphore_mem>>) src(%dma_wait3A_74 : memref<158x128xi32, #tpu.memory_space<hbm>>) dst(%arg8 : memref<158x128xi32, #tpu.memory_space<vmem>>)
      tpu.yield
    }) : () -> ()
    "tpu.region"() ({
      %run_scoped3A = tpu.sem_alloc : memref<!tpu.dma_semaphore, #tpu.memory_space<semaphore_mem>>
      %dma_start3A_59 = arith.constant 0 : i32
      %dma_start3A_60 = arith.constant 0 : i32
      %dma_start3A_61 = tpu.memref_slice %arg3[%arg1, %dma_start3A_59, %dma_start3A_60] : memref<16x158x128xi32, #tpu.memory_space<hbm>> -> memref<1x158x128xi32, #tpu.memory_space<hbm>>
      %dma_start3A_62 = tpu.memref_squeeze %dma_start3A_61 : memref<1x158x128xi32, #tpu.memory_space<hbm>> -> memref<158x128xi32, #tpu.memory_space<hbm>>
      %dma_start3A_63 = arith.constant 0 : i32
      %dma_start3A_64 = arith.constant 0 : i32
      %dma_start3A_65 = tpu.memref_slice %arg3[%arg1, %dma_start3A_63, %dma_start3A_64] : memref<16x158x128xi32, #tpu.memory_space<hbm>> -> memref<1x158x128xi32, #tpu.memory_space<hbm>>
      %dma_start3A_66 = tpu.memref_squeeze %dma_start3A_65 : memref<1x158x128xi32, #tpu.memory_space<hbm>> -> memref<158x128xi32, #tpu.memory_space<hbm>>
      tpu.enqueue_dma source(%dma_start3A_66 : memref<158x128xi32, #tpu.memory_space<hbm>>) target(%arg9 : memref<158x128xi32, #tpu.memory_space<vmem>>) target_semaphore(%run_scoped3A : memref<!tpu.dma_semaphore, #tpu.memory_space<semaphore_mem>>)
      %dma_wait3A_67 = arith.constant 0 : i32
      %dma_wait3A_68 = arith.constant 0 : i32
      %dma_wait3A_69 = tpu.memref_slice %arg3[%arg1, %dma_wait3A_67, %dma_wait3A_68] : memref<16x158x128xi32, #tpu.memory_space<hbm>> -> memref<1x158x128xi32, #tpu.memory_space<hbm>>
      %dma_wait3A_70 = tpu.memref_squeeze %dma_wait3A_69 : memref<1x158x128xi32, #tpu.memory_space<hbm>> -> memref<158x128xi32, #tpu.memory_space<hbm>>
      %dma_wait3A_71 = arith.constant 0 : i32
      %dma_wait3A_72 = arith.constant 0 : i32
      %dma_wait3A_73 = tpu.memref_slice %arg3[%arg1, %dma_wait3A_71, %dma_wait3A_72] : memref<16x158x128xi32, #tpu.memory_space<hbm>> -> memref<1x158x128xi32, #tpu.memory_space<hbm>>
      %dma_wait3A_74 = tpu.memref_squeeze %dma_wait3A_73 : memref<1x158x128xi32, #tpu.memory_space<hbm>> -> memref<158x128xi32, #tpu.memory_space<hbm>>
      tpu.wait_dma2 semaphore(%run_scoped3A : memref<!tpu.dma_semaphore, #tpu.memory_space<semaphore_mem>>) src(%dma_wait3A_74 : memref<158x128xi32, #tpu.memory_space<hbm>>) dst(%arg9 : memref<158x128xi32, #tpu.memory_space<vmem>>)
      tpu.yield
    }) : () -> ()
    %mul3A = arith.constant 640 : i32
    %mul3A_0 = arith.muli %arg1, %mul3A : i32
    "tpu.region"() ({
      %run_scoped3A = tpu.sem_alloc : memref<!tpu.dma_semaphore, #tpu.memory_space<semaphore_mem>>
      %dma_start3A_59 = arith.constant 0 : i32
      %dma_start3A_60 = tpu.memref_slice %arg16[%mul3A_0, %dma_start3A_59] : memref<10240x64xf32, #tpu.memory_space<vmem_shared>> -> memref<640x64xf32, #tpu.memory_space<vmem_shared>>
      tpu.enqueue_dma source(%arg6 : memref<640x64xf32, #tpu.memory_space<hbm>>) target(%dma_start3A_60 : memref<640x64xf32, #tpu.memory_space<vmem_shared>>) target_semaphore(%run_scoped3A : memref<!tpu.dma_semaphore, #tpu.memory_space<semaphore_mem>>)
      %dma_wait3A_61 = arith.constant 0 : i32
      %dma_wait3A_62 = tpu.memref_slice %arg16[%mul3A_0, %dma_wait3A_61] : memref<10240x64xf32, #tpu.memory_space<vmem_shared>> -> memref<640x64xf32, #tpu.memory_space<vmem_shared>>
      tpu.wait_dma2 semaphore(%run_scoped3A : memref<!tpu.dma_semaphore, #tpu.memory_space<semaphore_mem>>) src(%arg6 : memref<640x64xf32, #tpu.memory_space<hbm>>) dst(%dma_wait3A_62 : memref<640x64xf32, #tpu.memory_space<vmem_shared>>)
      tpu.yield
    }) : () -> ()
    %barrier3A = arith.constant 0 : index
    tpu.barrier barrier_id(%barrier3A)
    %dma_start3A = arith.constant 0 : i32
    %dma_start3A_1 = arith.constant 0 : i32
    %dma_start3A_2 = tpu.memref_slice %arg8[%dma_start3A, %dma_start3A_1] : memref<158x128xi32, #tpu.memory_space<vmem>> -> memref<1x128xi32, #tpu.memory_space<vmem>>
    %dma_start3A_3 = tpu.memref_squeeze %dma_start3A_2 : memref<1x128xi32, #tpu.memory_space<vmem>> -> memref<128xi32, #tpu.memory_space<vmem>>
    %dma_start3A_4 = arith.constant 0 : i32
    %dma_start3A_5 = arith.constant 0 : i32
    %dma_start3A_6 = tpu.memref_slice %arg4[%arg0, %dma_start3A_4, %dma_start3A_5] : memref<2x10240x64xbf16, #tpu.memory_space<hbm>> -> memref<1x10240x64xbf16, #tpu.memory_space<hbm>>
    %dma_start3A_7 = tpu.memref_squeeze %dma_start3A_6 : memref<1x10240x64xbf16, #tpu.memory_space<hbm>> -> memref<10240x64xbf16, #tpu.memory_space<hbm>>
    %dma_start3A_8 = arith.constant 0 : i32
    %dma_start3A_9 = arith.constant 0 : i32
    %dma_start3A_10 = tpu.memref_slice %dma_start3A_7[%dma_start3A_8, %dma_start3A_9] : memref<10240x64xbf16, #tpu.memory_space<hbm>> -> memref<10240x64xbf16, #tpu.memory_space<hbm>>
    tpu.enqueue_indirect_dma source(%dma_start3A_10 : memref<10240x64xbf16, #tpu.memory_space<hbm>>) target(%arg10 : memref<128x64xbf16, #tpu.memory_space<vmem>>) offsets(%dma_start3A_3 : memref<128xi32, #tpu.memory_space<vmem>>) semaphore(%arg17 : memref<!tpu.dma_semaphore, #tpu.memory_space<semaphore_mem>>)
    %dma_start3A_11 = arith.constant 0 : i32
    %dma_start3A_12 = arith.constant 0 : i32
    %dma_start3A_13 = tpu.memref_slice %arg9[%dma_start3A_11, %dma_start3A_12] : memref<158x128xi32, #tpu.memory_space<vmem>> -> memref<1x128xi32, #tpu.memory_space<vmem>>
    %dma_start3A_14 = tpu.memref_squeeze %dma_start3A_13 : memref<1x128xi32, #tpu.memory_space<vmem>> -> memref<128xi32, #tpu.memory_space<vmem>>
    %dma_start3A_15 = arith.constant 0 : i32
    %dma_start3A_16 = arith.constant 0 : i32
    %dma_start3A_17 = tpu.memref_slice %arg5[%arg0, %dma_start3A_15, %dma_start3A_16] : memref<2x10240x64xbf16, #tpu.memory_space<hbm>> -> memref<1x10240x64xbf16, #tpu.memory_space<hbm>>
    %dma_start3A_18 = tpu.memref_squeeze %dma_start3A_17 : memref<1x10240x64xbf16, #tpu.memory_space<hbm>> -> memref<10240x64xbf16, #tpu.memory_space<hbm>>
    %dma_start3A_19 = arith.constant 0 : i32
    %dma_start3A_20 = arith.constant 0 : i32
    %dma_start3A_21 = tpu.memref_slice %dma_start3A_18[%dma_start3A_19, %dma_start3A_20] : memref<10240x64xbf16, #tpu.memory_space<hbm>> -> memref<10240x64xbf16, #tpu.memory_space<hbm>>
    tpu.enqueue_indirect_dma source(%dma_start3A_21 : memref<10240x64xbf16, #tpu.memory_space<hbm>>) target(%arg11 : memref<128x64xbf16, #tpu.memory_space<vmem>>) offsets(%dma_start3A_14 : memref<128xi32, #tpu.memory_space<vmem>>) semaphore(%arg17 : memref<!tpu.dma_semaphore, #tpu.memory_space<semaphore_mem>>)
    %dma_start3A_22 = arith.constant 1 : i32
    %dma_start3A_23 = arith.constant 0 : i32
    %dma_start3A_24 = tpu.memref_slice %arg8[%dma_start3A_22, %dma_start3A_23] : memref<158x128xi32, #tpu.memory_space<vmem>> -> memref<1x128xi32, #tpu.memory_space<vmem>>
    %dma_start3A_25 = tpu.memref_squeeze %dma_start3A_24 : memref<1x128xi32, #tpu.memory_space<vmem>> -> memref<128xi32, #tpu.memory_space<vmem>>
    %dma_start3A_26 = arith.constant 0 : i32
    %dma_start3A_27 = arith.constant 0 : i32
    %dma_start3A_28 = tpu.memref_slice %arg4[%arg0, %dma_start3A_26, %dma_start3A_27] : memref<2x10240x64xbf16, #tpu.memory_space<hbm>> -> memref<1x10240x64xbf16, #tpu.memory_space<hbm>>
    %dma_start3A_29 = tpu.memref_squeeze %dma_start3A_28 : memref<1x10240x64xbf16, #tpu.memory_space<hbm>> -> memref<10240x64xbf16, #tpu.memory_space<hbm>>
    %dma_start3A_30 = arith.constant 0 : i32
    %dma_start3A_31 = arith.constant 0 : i32
    %dma_start3A_32 = tpu.memref_slice %dma_start3A_29[%dma_start3A_30, %dma_start3A_31] : memref<10240x64xbf16, #tpu.memory_space<hbm>> -> memref<10240x64xbf16, #tpu.memory_space<hbm>>
    tpu.enqueue_indirect_dma source(%dma_start3A_32 : memref<10240x64xbf16, #tpu.memory_space<hbm>>) target(%arg12 : memref<128x64xbf16, #tpu.memory_space<vmem>>) offsets(%dma_start3A_25 : memref<128xi32, #tpu.memory_space<vmem>>) semaphore(%arg18 : memref<!tpu.dma_semaphore, #tpu.memory_space<semaphore_mem>>)
    %dma_start3A_33 = arith.constant 1 : i32
    %dma_start3A_34 = arith.constant 0 : i32
    %dma_start3A_35 = tpu.memref_slice %arg9[%dma_start3A_33, %dma_start3A_34] : memref<158x128xi32, #tpu.memory_space<vmem>> -> memref<1x128xi32, #tpu.memory_space<vmem>>
    %dma_start3A_36 = tpu.memref_squeeze %dma_start3A_35 : memref<1x128xi32, #tpu.memory_space<vmem>> -> memref<128xi32, #tpu.memory_space<vmem>>
    %dma_start3A_37 = arith.constant 0 : i32
    %dma_start3A_38 = arith.constant 0 : i32
    %dma_start3A_39 = tpu.memref_slice %arg5[%arg0, %dma_start3A_37, %dma_start3A_38] : memref<2x10240x64xbf16, #tpu.memory_space<hbm>> -> memref<1x10240x64xbf16, #tpu.memory_space<hbm>>
    %dma_start3A_40 = tpu.memref_squeeze %dma_start3A_39 : memref<1x10240x64xbf16, #tpu.memory_space<hbm>> -> memref<10240x64xbf16, #tpu.memory_space<hbm>>
    %dma_start3A_41 = arith.constant 0 : i32
    %dma_start3A_42 = arith.constant 0 : i32
    %dma_start3A_43 = tpu.memref_slice %dma_start3A_40[%dma_start3A_41, %dma_start3A_42] : memref<10240x64xbf16, #tpu.memory_space<hbm>> -> memref<10240x64xbf16, #tpu.memory_space<hbm>>
    tpu.enqueue_indirect_dma source(%dma_start3A_43 : memref<10240x64xbf16, #tpu.memory_space<hbm>>) target(%arg13 : memref<128x64xbf16, #tpu.memory_space<vmem>>) offsets(%dma_start3A_36 : memref<128xi32, #tpu.memory_space<vmem>>) semaphore(%arg18 : memref<!tpu.dma_semaphore, #tpu.memory_space<semaphore_mem>>)
    %scan3A = arith.constant 0 : i32
    %scan3A_44 = arith.constant 79 : i32
    %scan3A_45 = arith.addi %scan3A, %scan3A_44 : i32
    %scan3A_46 = arith.constant 1 : i32
    scf.for %scan3A_59 = %scan3A to %scan3A_45 step %scan3A_46  : i32 {
      %mul3A_60 = arith.constant 2 : i32
      %mul3A_61 = arith.muli %scan3A_59, %mul3A_60 : i32
      %add3A = arith.constant 0 : i32
      %add3A_62 = arith.addi %add3A, %mul3A_61 : i32
      %add3A_63 = arith.constant 0 : i32
      %add3A_64 = arith.addi %add3A_62, %add3A_63 : i32
      %dma_wait3A_65 = arith.constant 0 : i32
      %dma_wait3A_66 = tpu.memref_slice %arg8[%add3A_64, %dma_wait3A_65] : memref<158x128xi32, #tpu.memory_space<vmem>> -> memref<1x128xi32, #tpu.memory_space<vmem>>
      %dma_wait3A_67 = tpu.memref_squeeze %dma_wait3A_66 : memref<1x128xi32, #tpu.memory_space<vmem>> -> memref<128xi32, #tpu.memory_space<vmem>>
      %dma_wait3A_68 = arith.constant 0 : i32
      %dma_wait3A_69 = arith.constant 0 : i32
      %dma_wait3A_70 = tpu.memref_slice %arg4[%arg0, %dma_wait3A_68, %dma_wait3A_69] : memref<2x10240x64xbf16, #tpu.memory_space<hbm>> -> memref<1x10240x64xbf16, #tpu.memory_space<hbm>>
      %dma_wait3A_71 = tpu.memref_squeeze %dma_wait3A_70 : memref<1x10240x64xbf16, #tpu.memory_space<hbm>> -> memref<10240x64xbf16, #tpu.memory_space<hbm>>
      %dma_wait3A_72 = arith.constant 0 : i32
      %dma_wait3A_73 = arith.constant 0 : i32
      %dma_wait3A_74 = tpu.memref_slice %dma_wait3A_71[%dma_wait3A_72, %dma_wait3A_73] : memref<10240x64xbf16, #tpu.memory_space<hbm>> -> memref<10240x64xbf16, #tpu.memory_space<hbm>>
      tpu.wait_indirect_dma semaphore(%arg17 : memref<!tpu.dma_semaphore, #tpu.memory_space<semaphore_mem>>) src(%dma_wait3A_74 : memref<10240x64xbf16, #tpu.memory_space<hbm>>) dst(%arg10 : memref<128x64xbf16, #tpu.memory_space<vmem>>)
      %dma_wait3A_75 = arith.constant 0 : i32
      %dma_wait3A_76 = tpu.memref_slice %arg9[%add3A_64, %dma_wait3A_75] : memref<158x128xi32, #tpu.memory_space<vmem>> -> memref<1x128xi32, #tpu.memory_space<vmem>>
      %dma_wait3A_77 = tpu.memref_squeeze %dma_wait3A_76 : memref<1x128xi32, #tpu.memory_space<vmem>> -> memref<128xi32, #tpu.memory_space<vmem>>
      %dma_wait3A_78 = arith.constant 0 : i32
      %dma_wait3A_79 = arith.constant 0 : i32
      %dma_wait3A_80 = tpu.memref_slice %arg5[%arg0, %dma_wait3A_78, %dma_wait3A_79] : memref<2x10240x64xbf16, #tpu.memory_space<hbm>> -> memref<1x10240x64xbf16, #tpu.memory_space<hbm>>
      %dma_wait3A_81 = tpu.memref_squeeze %dma_wait3A_80 : memref<1x10240x64xbf16, #tpu.memory_space<hbm>> -> memref<10240x64xbf16, #tpu.memory_space<hbm>>
      %dma_wait3A_82 = arith.constant 0 : i32
      %dma_wait3A_83 = arith.constant 0 : i32
      %dma_wait3A_84 = tpu.memref_slice %dma_wait3A_81[%dma_wait3A_82, %dma_wait3A_83] : memref<10240x64xbf16, #tpu.memory_space<hbm>> -> memref<10240x64xbf16, #tpu.memory_space<hbm>>
      tpu.wait_indirect_dma semaphore(%arg17 : memref<!tpu.dma_semaphore, #tpu.memory_space<semaphore_mem>>) src(%dma_wait3A_84 : memref<10240x64xbf16, #tpu.memory_space<hbm>>) dst(%arg11 : memref<128x64xbf16, #tpu.memory_space<vmem>>)
      %parallel_loop3A = arith.constant 0 : i32
      %parallel_loop3A_85 = arith.constant 128 : i32
      %parallel_loop3A_86 = arith.constant 1 : i32
      scf.for %parallel_loop3A_144 = %parallel_loop3A to %parallel_loop3A_85 step %parallel_loop3A_86  : i32 {
        %parallel_loop3A_145 = arith.index_cast %parallel_loop3A_144 : i32 to index
        %parallel_loop3A_146 = arith.constant 0 : index
        %parallel_loop3A_147 = tpu.vector_load %arg10[%parallel_loop3A_145, %parallel_loop3A_146] {strides = array<i32>} : memref<128x64xbf16, #tpu.memory_space<vmem>>, vector<32xbf16>,
        %parallel_loop3A_148 = arith.index_cast %parallel_loop3A_144 : i32 to index
        %parallel_loop3A_149 = arith.constant 0 : index
        %parallel_loop3A_150 = tpu.vector_load %arg11[%parallel_loop3A_148, %parallel_loop3A_149] {strides = array<i32>} : memref<128x64xbf16, #tpu.memory_space<vmem>>, vector<32xbf16>,
        %parallel_loop3A_151 = arith.addf %parallel_loop3A_147, %parallel_loop3A_150 : vector<32xbf16>
        %parallel_loop3A_152 = arith.constant 0.000000e+00 : bf16
        %parallel_loop3A_153 = vector.broadcast %parallel_loop3A_152 : bf16 to vector<32xbf16>
        %parallel_loop3A_154 = arith.maximumf %parallel_loop3A_151, %parallel_loop3A_153 : vector<32xbf16>
        %parallel_loop3A_155 = tpu.unpack_subelements %parallel_loop3A_154, 0 {pack_format = #tpu.pack_format<interleaved>} : vector<32xbf16> -> vector<16xf32>
        %parallel_loop3A_156 = tpu.unpack_subelements %parallel_loop3A_154, 1 {pack_format = #tpu.pack_format<interleaved>} : vector<32xbf16> -> vector<16xf32>
        %parallel_loop3A_157 = arith.index_cast %parallel_loop3A_144 : i32 to index
        %parallel_loop3A_158 = arith.constant 0 : index
        %parallel_loop3A_159 = tpu.vector_load %arg14[%parallel_loop3A_157, %parallel_loop3A_158] {strides = array<i32>} : memref<128x64xf32, #tpu.memory_space<vmem>>, vector<16xf32>,
        tpu.vector_store %arg14[%parallel_loop3A_157, %parallel_loop3A_158], %parallel_loop3A_155 {strides = array<i32>} : memref<128x64xf32, #tpu.memory_space<vmem>>, vector<16xf32>,
        %parallel_loop3A_160 = arith.index_cast %parallel_loop3A_144 : i32 to index
        %parallel_loop3A_161 = arith.constant 16 : index
        %parallel_loop3A_162 = tpu.vector_load %arg14[%parallel_loop3A_160, %parallel_loop3A_161] {strides = array<i32>} : memref<128x64xf32, #tpu.memory_space<vmem>>, vector<16xf32>,
        tpu.vector_store %arg14[%parallel_loop3A_160, %parallel_loop3A_161], %parallel_loop3A_156 {strides = array<i32>} : memref<128x64xf32, #tpu.memory_space<vmem>>, vector<16xf32>,
        %parallel_loop3A_163 = arith.index_cast %parallel_loop3A_144 : i32 to index
        %parallel_loop3A_164 = arith.constant 32 : index
        %parallel_loop3A_165 = tpu.vector_load %arg10[%parallel_loop3A_163, %parallel_loop3A_164] {strides = array<i32>} : memref<128x64xbf16, #tpu.memory_space<vmem>>, vector<32xbf16>,
        %parallel_loop3A_166 = arith.index_cast %parallel_loop3A_144 : i32 to index
        %parallel_loop3A_167 = arith.constant 32 : index
        %parallel_loop3A_168 = tpu.vector_load %arg11[%parallel_loop3A_166, %parallel_loop3A_167] {strides = array<i32>} : memref<128x64xbf16, #tpu.memory_space<vmem>>, vector<32xbf16>,
        %parallel_loop3A_169 = arith.addf %parallel_loop3A_165, %parallel_loop3A_168 : vector<32xbf16>
        %parallel_loop3A_170 = arith.constant 0.000000e+00 : bf16
        %parallel_loop3A_171 = vector.broadcast %parallel_loop3A_170 : bf16 to vector<32xbf16>
        %parallel_loop3A_172 = arith.maximumf %parallel_loop3A_169, %parallel_loop3A_171 : vector<32xbf16>
        %parallel_loop3A_173 = tpu.unpack_subelements %parallel_loop3A_172, 0 {pack_format = #tpu.pack_format<interleaved>} : vector<32xbf16> -> vector<16xf32>
        %parallel_loop3A_174 = tpu.unpack_subelements %parallel_loop3A_172, 1 {pack_format = #tpu.pack_format<interleaved>} : vector<32xbf16> -> vector<16xf32>
        %parallel_loop3A_175 = arith.index_cast %parallel_loop3A_144 : i32 to index
        %parallel_loop3A_176 = arith.constant 32 : index
        %parallel_loop3A_177 = tpu.vector_load %arg14[%parallel_loop3A_175, %parallel_loop3A_176] {strides = array<i32>} : memref<128x64xf32, #tpu.memory_space<vmem>>, vector<16xf32>,
        tpu.vector_store %arg14[%parallel_loop3A_175, %parallel_loop3A_176], %parallel_loop3A_173 {strides = array<i32>} : memref<128x64xf32, #tpu.memory_space<vmem>>, vector<16xf32>,
        %parallel_loop3A_178 = arith.index_cast %parallel_loop3A_144 : i32 to index
        %parallel_loop3A_179 = arith.constant 48 : index
        %parallel_loop3A_180 = tpu.vector_load %arg14[%parallel_loop3A_178, %parallel_loop3A_179] {strides = array<i32>} : memref<128x64xf32, #tpu.memory_space<vmem>>, vector<16xf32>,
        tpu.vector_store %arg14[%parallel_loop3A_178, %parallel_loop3A_179], %parallel_loop3A_174 {strides = array<i32>} : memref<128x64xf32, #tpu.memory_space<vmem>>, vector<16xf32>,
      } {sc.loop_unroll_factor = 4 : i64, sc.parallel_access}
      %add3A_87 = arith.constant 2 : i32
      %add3A_88 = arith.addi %add3A_64, %add3A_87 : i32
      %lt3A = arith.constant 158 : i32
      %lt3A_89 = arith.cmpi slt, %add3A_88, %lt3A : i32
      %convert_element_type3A = arith.extui %lt3A_89 : i1 to i32
      %cond3A = arith.constant 0 : i32
      %cond3A_90 = arith.cmpi ne, %convert_element_type3A, %cond3A : i32
      scf.if %cond3A_90 {
        %add3A_144 = arith.constant 2 : i32
        %add3A_145 = arith.addi %add3A_64, %add3A_144 : i32
        %dma_start3A_146 = arith.constant 0 : i32
        %dma_start3A_147 = tpu.memref_slice %arg8[%add3A_145, %dma_start3A_146] : memref<158x128xi32, #tpu.memory_space<vmem>> -> memref<1x128xi32, #tpu.memory_space<vmem>>
        %dma_start3A_148 = tpu.memref_squeeze %dma_start3A_147 : memref<1x128xi32, #tpu.memory_space<vmem>> -> memref<128xi32, #tpu.memory_space<vmem>>
        %dma_start3A_149 = arith.constant 0 : i32
        %dma_start3A_150 = arith.constant 0 : i32
        %dma_start3A_151 = tpu.memref_slice %arg4[%arg0, %dma_start3A_149, %dma_start3A_150] : memref<2x10240x64xbf16, #tpu.memory_space<hbm>> -> memref<1x10240x64xbf16, #tpu.memory_space<hbm>>
        %dma_start3A_152 = tpu.memref_squeeze %dma_start3A_151 : memref<1x10240x64xbf16, #tpu.memory_space<hbm>> -> memref<10240x64xbf16, #tpu.memory_space<hbm>>
        %dma_start3A_153 = arith.constant 0 : i32
        %dma_start3A_154 = arith.constant 0 : i32
        %dma_start3A_155 = tpu.memref_slice %dma_start3A_152[%dma_start3A_153, %dma_start3A_154] : memref<10240x64xbf16, #tpu.memory_space<hbm>> -> memref<10240x64xbf16, #tpu.memory_space<hbm>>
        tpu.enqueue_indirect_dma source(%dma_start3A_155 : memref<10240x64xbf16, #tpu.memory_space<hbm>>) target(%arg10 : memref<128x64xbf16, #tpu.memory_space<vmem>>) offsets(%dma_start3A_148 : memref<128xi32, #tpu.memory_space<vmem>>) semaphore(%arg17 : memref<!tpu.dma_semaphore, #tpu.memory_space<semaphore_mem>>)
        %dma_start3A_156 = arith.constant 0 : i32
        %dma_start3A_157 = tpu.memref_slice %arg9[%add3A_145, %dma_start3A_156] : memref<158x128xi32, #tpu.memory_space<vmem>> -> memref<1x128xi32, #tpu.memory_space<vmem>>
        %dma_start3A_158 = tpu.memref_squeeze %dma_start3A_157 : memref<1x128xi32, #tpu.memory_space<vmem>> -> memref<128xi32, #tpu.memory_space<vmem>>
        %dma_start3A_159 = arith.constant 0 : i32
        %dma_start3A_160 = arith.constant 0 : i32
        %dma_start3A_161 = tpu.memref_slice %arg5[%arg0, %dma_start3A_159, %dma_start3A_160] : memref<2x10240x64xbf16, #tpu.memory_space<hbm>> -> memref<1x10240x64xbf16, #tpu.memory_space<hbm>>
        %dma_start3A_162 = tpu.memref_squeeze %dma_start3A_161 : memref<1x10240x64xbf16, #tpu.memory_space<hbm>> -> memref<10240x64xbf16, #tpu.memory_space<hbm>>
        %dma_start3A_163 = arith.constant 0 : i32
        %dma_start3A_164 = arith.constant 0 : i32
        %dma_start3A_165 = tpu.memref_slice %dma_start3A_162[%dma_start3A_163, %dma_start3A_164] : memref<10240x64xbf16, #tpu.memory_space<hbm>> -> memref<10240x64xbf16, #tpu.memory_space<hbm>>
        tpu.enqueue_indirect_dma source(%dma_start3A_165 : memref<10240x64xbf16, #tpu.memory_space<hbm>>) target(%arg11 : memref<128x64xbf16, #tpu.memory_space<vmem>>) offsets(%dma_start3A_158 : memref<128xi32, #tpu.memory_space<vmem>>) semaphore(%arg17 : memref<!tpu.dma_semaphore, #tpu.memory_space<semaphore_mem>>)
      } else {
      }
      %ge3A = arith.constant 1 : i32
      %ge3A_91 = arith.cmpi sge, %add3A_64, %ge3A : i32
      %convert_element_type3A_92 = arith.extui %ge3A_91 : i1 to i32
      %cond3A_93 = arith.constant 0 : i32
      %cond3A_94 = arith.cmpi ne, %convert_element_type3A_92, %cond3A_93 : i32
      scf.if %cond3A_94 {
        %sub3A = arith.constant 1 : i32
        %sub3A_144 = arith.subi %add3A_64, %sub3A : i32
        %dma_wait3A_145 = arith.constant 0 : i32
        %dma_wait3A_146 = tpu.memref_slice %arg8[%sub3A_144, %dma_wait3A_145] : memref<158x128xi32, #tpu.memory_space<vmem>> -> memref<1x128xi32, #tpu.memory_space<vmem>>
        %dma_wait3A_147 = tpu.memref_squeeze %dma_wait3A_146 : memref<1x128xi32, #tpu.memory_space<vmem>> -> memref<128xi32, #tpu.memory_space<vmem>>
        %dma_wait3A_148 = arith.constant 0 : i32
        %dma_wait3A_149 = arith.constant 0 : i32
        %dma_wait3A_150 = tpu.memref_slice %arg16[%dma_wait3A_148, %dma_wait3A_149] : memref<10240x64xf32, #tpu.memory_space<vmem_shared>> -> memref<10240x64xf32, #tpu.memory_space<vmem_shared>>
        tpu.wait_indirect_dma semaphore(%arg19 : memref<!tpu.dma_semaphore, #tpu.memory_space<semaphore_mem>>) src(%arg15 : memref<128x64xf32, #tpu.memory_space<vmem>>) dst(%dma_wait3A_150 : memref<10240x64xf32, #tpu.memory_space<vmem_shared>>)
      } else {
      }
      %dma_start3A_95 = arith.constant 0 : i32
      %dma_start3A_96 = tpu.memref_slice %arg8[%add3A_64, %dma_start3A_95] : memref<158x128xi32, #tpu.memory_space<vmem>> -> memref<1x128xi32, #tpu.memory_space<vmem>>
      %dma_start3A_97 = tpu.memref_squeeze %dma_start3A_96 : memref<1x128xi32, #tpu.memory_space<vmem>> -> memref<128xi32, #tpu.memory_space<vmem>>
      %dma_start3A_98 = arith.constant 0 : i32
      %dma_start3A_99 = arith.constant 0 : i32
      %dma_start3A_100 = tpu.memref_slice %arg16[%dma_start3A_98, %dma_start3A_99] : memref<10240x64xf32, #tpu.memory_space<vmem_shared>> -> memref<10240x64xf32, #tpu.memory_space<vmem_shared>>
      tpu.enqueue_indirect_dma source(%arg14 : memref<128x64xf32, #tpu.memory_space<vmem>>) target(%dma_start3A_100 : memref<10240x64xf32, #tpu.memory_space<vmem_shared>>) offsets(%dma_start3A_97 : memref<128xi32, #tpu.memory_space<vmem>>) semaphore(%arg19 : memref<!tpu.dma_semaphore, #tpu.memory_space<semaphore_mem>>) {add = true}
      %add3A_101 = arith.constant 1 : i32
      %add3A_102 = arith.addi %add3A_62, %add3A_101 : i32
      %dma_wait3A_103 = arith.constant 0 : i32
      %dma_wait3A_104 = tpu.memref_slice %arg8[%add3A_102, %dma_wait3A_103] : memref<158x128xi32, #tpu.memory_space<vmem>> -> memref<1x128xi32, #tpu.memory_space<vmem>>
      %dma_wait3A_105 = tpu.memref_squeeze %dma_wait3A_104 : memref<1x128xi32, #tpu.memory_space<vmem>> -> memref<128xi32, #tpu.memory_space<vmem>>
      %dma_wait3A_106 = arith.constant 0 : i32
      %dma_wait3A_107 = arith.constant 0 : i32
      %dma_wait3A_108 = tpu.memref_slice %arg4[%arg0, %dma_wait3A_106, %dma_wait3A_107] : memref<2x10240x64xbf16, #tpu.memory_space<hbm>> -> memref<1x10240x64xbf16, #tpu.memory_space<hbm>>
      %dma_wait3A_109 = tpu.memref_squeeze %dma_wait3A_108 : memref<1x10240x64xbf16, #tpu.memory_space<hbm>> -> memref<10240x64xbf16, #tpu.memory_space<hbm>>
      %dma_wait3A_110 = arith.constant 0 : i32
      %dma_wait3A_111 = arith.constant 0 : i32
      %dma_wait3A_112 = tpu.memref_slice %dma_wait3A_109[%dma_wait3A_110, %dma_wait3A_111] : memref<10240x64xbf16, #tpu.memory_space<hbm>> -> memref<10240x64xbf16, #tpu.memory_space<hbm>>
      tpu.wait_indirect_dma semaphore(%arg18 : memref<!tpu.dma_semaphore, #tpu.memory_space<semaphore_mem>>) src(%dma_wait3A_112 : memref<10240x64xbf16, #tpu.memory_space<hbm>>) dst(%arg12 : memref<128x64xbf16, #tpu.memory_space<vmem>>)
      %dma_wait3A_113 = arith.constant 0 : i32
      %dma_wait3A_114 = tpu.memref_slice %arg9[%add3A_102, %dma_wait3A_113] : memref<158x128xi32, #tpu.memory_space<vmem>> -> memref<1x128xi32, #tpu.memory_space<vmem>>
      %dma_wait3A_115 = tpu.memref_squeeze %dma_wait3A_114 : memref<1x128xi32, #tpu.memory_space<vmem>> -> memref<128xi32, #tpu.memory_space<vmem>>
      %dma_wait3A_116 = arith.constant 0 : i32
      %dma_wait3A_117 = arith.constant 0 : i32
      %dma_wait3A_118 = tpu.memref_slice %arg5[%arg0, %dma_wait3A_116, %dma_wait3A_117] : memref<2x10240x64xbf16, #tpu.memory_space<hbm>> -> memref<1x10240x64xbf16, #tpu.memory_space<hbm>>
      %dma_wait3A_119 = tpu.memref_squeeze %dma_wait3A_118 : memref<1x10240x64xbf16, #tpu.memory_space<hbm>> -> memref<10240x64xbf16, #tpu.memory_space<hbm>>
      %dma_wait3A_120 = arith.constant 0 : i32
      %dma_wait3A_121 = arith.constant 0 : i32
      %dma_wait3A_122 = tpu.memref_slice %dma_wait3A_119[%dma_wait3A_120, %dma_wait3A_121] : memref<10240x64xbf16, #tpu.memory_space<hbm>> -> memref<10240x64xbf16, #tpu.memory_space<hbm>>
      tpu.wait_indirect_dma semaphore(%arg18 : memref<!tpu.dma_semaphore, #tpu.memory_space<semaphore_mem>>) src(%dma_wait3A_122 : memref<10240x64xbf16, #tpu.memory_space<hbm>>) dst(%arg13 : memref<128x64xbf16, #tpu.memory_space<vmem>>)
      %parallel_loop3A_123 = arith.constant 0 : i32
      %parallel_loop3A_124 = arith.constant 128 : i32
      %parallel_loop3A_125 = arith.constant 1 : i32
      scf.for %parallel_loop3A_144 = %parallel_loop3A_123 to %parallel_loop3A_124 step %parallel_loop3A_125  : i32 {
        %parallel_loop3A_145 = arith.index_cast %parallel_loop3A_144 : i32 to index
        %parallel_loop3A_146 = arith.constant 0 : index
        %parallel_loop3A_147 = tpu.vector_load %arg12[%parallel_loop3A_145, %parallel_loop3A_146] {strides = array<i32>} : memref<128x64xbf16, #tpu.memory_space<vmem>>, vector<32xbf16>,
        %parallel_loop3A_148 = arith.index_cast %parallel_loop3A_144 : i32 to index
        %parallel_loop3A_149 = arith.constant 0 : index
        %parallel_loop3A_150 = tpu.vector_load %arg13[%parallel_loop3A_148, %parallel_loop3A_149] {strides = array<i32>} : memref<128x64xbf16, #tpu.memory_space<vmem>>, vector<32xbf16>,
        %parallel_loop3A_151 = arith.addf %parallel_loop3A_147, %parallel_loop3A_150 : vector<32xbf16>
        %parallel_loop3A_152 = arith.constant 0.000000e+00 : bf16
        %parallel_loop3A_153 = vector.broadcast %parallel_loop3A_152 : bf16 to vector<32xbf16>
        %parallel_loop3A_154 = arith.maximumf %parallel_loop3A_151, %parallel_loop3A_153 : vector<32xbf16>
        %parallel_loop3A_155 = tpu.unpack_subelements %parallel_loop3A_154, 0 {pack_format = #tpu.pack_format<interleaved>} : vector<32xbf16> -> vector<16xf32>
        %parallel_loop3A_156 = tpu.unpack_subelements %parallel_loop3A_154, 1 {pack_format = #tpu.pack_format<interleaved>} : vector<32xbf16> -> vector<16xf32>
        %parallel_loop3A_157 = arith.index_cast %parallel_loop3A_144 : i32 to index
        %parallel_loop3A_158 = arith.constant 0 : index
        %parallel_loop3A_159 = tpu.vector_load %arg15[%parallel_loop3A_157, %parallel_loop3A_158] {strides = array<i32>} : memref<128x64xf32, #tpu.memory_space<vmem>>, vector<16xf32>,
        tpu.vector_store %arg15[%parallel_loop3A_157, %parallel_loop3A_158], %parallel_loop3A_155 {strides = array<i32>} : memref<128x64xf32, #tpu.memory_space<vmem>>, vector<16xf32>,
        %parallel_loop3A_160 = arith.index_cast %parallel_loop3A_144 : i32 to index
        %parallel_loop3A_161 = arith.constant 16 : index
        %parallel_loop3A_162 = tpu.vector_load %arg15[%parallel_loop3A_160, %parallel_loop3A_161] {strides = array<i32>} : memref<128x64xf32, #tpu.memory_space<vmem>>, vector<16xf32>,
        tpu.vector_store %arg15[%parallel_loop3A_160, %parallel_loop3A_161], %parallel_loop3A_156 {strides = array<i32>} : memref<128x64xf32, #tpu.memory_space<vmem>>, vector<16xf32>,
        %parallel_loop3A_163 = arith.index_cast %parallel_loop3A_144 : i32 to index
        %parallel_loop3A_164 = arith.constant 32 : index
        %parallel_loop3A_165 = tpu.vector_load %arg12[%parallel_loop3A_163, %parallel_loop3A_164] {strides = array<i32>} : memref<128x64xbf16, #tpu.memory_space<vmem>>, vector<32xbf16>,
        %parallel_loop3A_166 = arith.index_cast %parallel_loop3A_144 : i32 to index
        %parallel_loop3A_167 = arith.constant 32 : index
        %parallel_loop3A_168 = tpu.vector_load %arg13[%parallel_loop3A_166, %parallel_loop3A_167] {strides = array<i32>} : memref<128x64xbf16, #tpu.memory_space<vmem>>, vector<32xbf16>,
        %parallel_loop3A_169 = arith.addf %parallel_loop3A_165, %parallel_loop3A_168 : vector<32xbf16>
        %parallel_loop3A_170 = arith.constant 0.000000e+00 : bf16
        %parallel_loop3A_171 = vector.broadcast %parallel_loop3A_170 : bf16 to vector<32xbf16>
        %parallel_loop3A_172 = arith.maximumf %parallel_loop3A_169, %parallel_loop3A_171 : vector<32xbf16>
        %parallel_loop3A_173 = tpu.unpack_subelements %parallel_loop3A_172, 0 {pack_format = #tpu.pack_format<interleaved>} : vector<32xbf16> -> vector<16xf32>
        %parallel_loop3A_174 = tpu.unpack_subelements %parallel_loop3A_172, 1 {pack_format = #tpu.pack_format<interleaved>} : vector<32xbf16> -> vector<16xf32>
        %parallel_loop3A_175 = arith.index_cast %parallel_loop3A_144 : i32 to index
        %parallel_loop3A_176 = arith.constant 32 : index
        %parallel_loop3A_177 = tpu.vector_load %arg15[%parallel_loop3A_175, %parallel_loop3A_176] {strides = array<i32>} : memref<128x64xf32, #tpu.memory_space<vmem>>, vector<16xf32>,
        tpu.vector_store %arg15[%parallel_loop3A_175, %parallel_loop3A_176], %parallel_loop3A_173 {strides = array<i32>} : memref<128x64xf32, #tpu.memory_space<vmem>>, vector<16xf32>,
        %parallel_loop3A_178 = arith.index_cast %parallel_loop3A_144 : i32 to index
        %parallel_loop3A_179 = arith.constant 48 : index
        %parallel_loop3A_180 = tpu.vector_load %arg15[%parallel_loop3A_178, %parallel_loop3A_179] {strides = array<i32>} : memref<128x64xf32, #tpu.memory_space<vmem>>, vector<16xf32>,
        tpu.vector_store %arg15[%parallel_loop3A_178, %parallel_loop3A_179], %parallel_loop3A_174 {strides = array<i32>} : memref<128x64xf32, #tpu.memory_space<vmem>>, vector<16xf32>,
      } {sc.loop_unroll_factor = 4 : i64, sc.parallel_access}
      %add3A_126 = arith.constant 2 : i32
      %add3A_127 = arith.addi %add3A_102, %add3A_126 : i32
      %lt3A_128 = arith.constant 158 : i32
      %lt3A_129 = arith.cmpi slt, %add3A_127, %lt3A_128 : i32
      %convert_element_type3A_130 = arith.extui %lt3A_129 : i1 to i32
      %cond3A_131 = arith.constant 0 : i32
      %cond3A_132 = arith.cmpi ne, %convert_element_type3A_130, %cond3A_131 : i32
      scf.if %cond3A_132 {
        %add3A_144 = arith.constant 2 : i32
        %add3A_145 = arith.addi %add3A_102, %add3A_144 : i32
        %dma_start3A_146 = arith.constant 0 : i32
        %dma_start3A_147 = tpu.memref_slice %arg8[%add3A_145, %dma_start3A_146] : memref<158x128xi32, #tpu.memory_space<vmem>> -> memref<1x128xi32, #tpu.memory_space<vmem>>
        %dma_start3A_148 = tpu.memref_squeeze %dma_start3A_147 : memref<1x128xi32, #tpu.memory_space<vmem>> -> memref<128xi32, #tpu.memory_space<vmem>>
        %dma_start3A_149 = arith.constant 0 : i32
        %dma_start3A_150 = arith.constant 0 : i32
        %dma_start3A_151 = tpu.memref_slice %arg4[%arg0, %dma_start3A_149, %dma_start3A_150] : memref<2x10240x64xbf16, #tpu.memory_space<hbm>> -> memref<1x10240x64xbf16, #tpu.memory_space<hbm>>
        %dma_start3A_152 = tpu.memref_squeeze %dma_start3A_151 : memref<1x10240x64xbf16, #tpu.memory_space<hbm>> -> memref<10240x64xbf16, #tpu.memory_space<hbm>>
        %dma_start3A_153 = arith.constant 0 : i32
        %dma_start3A_154 = arith.constant 0 : i32
        %dma_start3A_155 = tpu.memref_slice %dma_start3A_152[%dma_start3A_153, %dma_start3A_154] : memref<10240x64xbf16, #tpu.memory_space<hbm>> -> memref<10240x64xbf16, #tpu.memory_space<hbm>>
        tpu.enqueue_indirect_dma source(%dma_start3A_155 : memref<10240x64xbf16, #tpu.memory_space<hbm>>) target(%arg12 : memref<128x64xbf16, #tpu.memory_space<vmem>>) offsets(%dma_start3A_148 : memref<128xi32, #tpu.memory_space<vmem>>) semaphore(%arg18 : memref<!tpu.dma_semaphore, #tpu.memory_space<semaphore_mem>>)
        %dma_start3A_156 = arith.constant 0 : i32
        %dma_start3A_157 = tpu.memref_slice %arg9[%add3A_145, %dma_start3A_156] : memref<158x128xi32, #tpu.memory_space<vmem>> -> memref<1x128xi32, #tpu.memory_space<vmem>>
        %dma_start3A_158 = tpu.memref_squeeze %dma_start3A_157 : memref<1x128xi32, #tpu.memory_space<vmem>> -> memref<128xi32, #tpu.memory_space<vmem>>
        %dma_start3A_159 = arith.constant 0 : i32
        %dma_start3A_160 = arith.constant 0 : i32
        %dma_start3A_161 = tpu.memref_slice %arg5[%arg0, %dma_start3A_159, %dma_start3A_160] : memref<2x10240x64xbf16, #tpu.memory_space<hbm>> -> memref<1x10240x64xbf16, #tpu.memory_space<hbm>>
        %dma_start3A_162 = tpu.memref_squeeze %dma_start3A_161 : memref<1x10240x64xbf16, #tpu.memory_space<hbm>> -> memref<10240x64xbf16, #tpu.memory_space<hbm>>
        %dma_start3A_163 = arith.constant 0 : i32
        %dma_start3A_164 = arith.constant 0 : i32
        %dma_start3A_165 = tpu.memref_slice %dma_start3A_162[%dma_start3A_163, %dma_start3A_164] : memref<10240x64xbf16, #tpu.memory_space<hbm>> -> memref<10240x64xbf16, #tpu.memory_space<hbm>>
        tpu.enqueue_indirect_dma source(%dma_start3A_165 : memref<10240x64xbf16, #tpu.memory_space<hbm>>) target(%arg13 : memref<128x64xbf16, #tpu.memory_space<vmem>>) offsets(%dma_start3A_158 : memref<128xi32, #tpu.memory_space<vmem>>) semaphore(%arg18 : memref<!tpu.dma_semaphore, #tpu.memory_space<semaphore_mem>>)
      } else {
      }
      %ge3A_133 = arith.constant 1 : i32
      %ge3A_134 = arith.cmpi sge, %add3A_102, %ge3A_133 : i32
      %convert_element_type3A_135 = arith.extui %ge3A_134 : i1 to i32
      %cond3A_136 = arith.constant 0 : i32
      %cond3A_137 = arith.cmpi ne, %convert_element_type3A_135, %cond3A_136 : i32
      scf.if %cond3A_137 {
        %sub3A = arith.constant 1 : i32
        %sub3A_144 = arith.subi %add3A_102, %sub3A : i32
        %dma_wait3A_145 = arith.constant 0 : i32
        %dma_wait3A_146 = tpu.memref_slice %arg8[%sub3A_144, %dma_wait3A_145] : memref<158x128xi32, #tpu.memory_space<vmem>> -> memref<1x128xi32, #tpu.memory_space<vmem>>
        %dma_wait3A_147 = tpu.memref_squeeze %dma_wait3A_146 : memref<1x128xi32, #tpu.memory_space<vmem>> -> memref<128xi32, #tpu.memory_space<vmem>>
        %dma_wait3A_148 = arith.constant 0 : i32
        %dma_wait3A_149 = arith.constant 0 : i32
        %dma_wait3A_150 = tpu.memref_slice %arg16[%dma_wait3A_148, %dma_wait3A_149] : memref<10240x64xf32, #tpu.memory_space<vmem_shared>> -> memref<10240x64xf32, #tpu.memory_space<vmem_shared>>
        tpu.wait_indirect_dma semaphore(%arg19 : memref<!tpu.dma_semaphore, #tpu.memory_space<semaphore_mem>>) src(%arg14 : memref<128x64xf32, #tpu.memory_space<vmem>>) dst(%dma_wait3A_150 : memref<10240x64xf32, #tpu.memory_space<vmem_shared>>)
      } else {
      }
      %dma_start3A_138 = arith.constant 0 : i32
      %dma_start3A_139 = tpu.memref_slice %arg8[%add3A_102, %dma_start3A_138] : memref<158x128xi32, #tpu.memory_space<vmem>> -> memref<1x128xi32, #tpu.memory_space<vmem>>
      %dma_start3A_140 = tpu.memref_squeeze %dma_start3A_139 : memref<1x128xi32, #tpu.memory_space<vmem>> -> memref<128xi32, #tpu.memory_space<vmem>>
      %dma_start3A_141 = arith.constant 0 : i32
      %dma_start3A_142 = arith.constant 0 : i32
      %dma_start3A_143 = tpu.memref_slice %arg16[%dma_start3A_141, %dma_start3A_142] : memref<10240x64xf32, #tpu.memory_space<vmem_shared>> -> memref<10240x64xf32, #tpu.memory_space<vmem_shared>>
      tpu.enqueue_indirect_dma source(%arg15 : memref<128x64xf32, #tpu.memory_space<vmem>>) target(%dma_start3A_143 : memref<10240x64xf32, #tpu.memory_space<vmem_shared>>) offsets(%dma_start3A_140 : memref<128xi32, #tpu.memory_space<vmem>>) semaphore(%arg19 : memref<!tpu.dma_semaphore, #tpu.memory_space<semaphore_mem>>) {add = true}
    }
    %scan3A_47 = arith.constant 79 : i32
    %dma_wait3A = arith.constant 157 : i32
    %dma_wait3A_48 = arith.constant 0 : i32
    %dma_wait3A_49 = tpu.memref_slice %arg8[%dma_wait3A, %dma_wait3A_48] : memref<158x128xi32, #tpu.memory_space<vmem>> -> memref<1x128xi32, #tpu.memory_space<vmem>>
    %dma_wait3A_50 = tpu.memref_squeeze %dma_wait3A_49 : memref<1x128xi32, #tpu.memory_space<vmem>> -> memref<128xi32, #tpu.memory_space<vmem>>
    %dma_wait3A_51 = arith.constant 0 : i32
    %dma_wait3A_52 = arith.constant 0 : i32
    %dma_wait3A_53 = tpu.memref_slice %arg16[%dma_wait3A_51, %dma_wait3A_52] : memref<10240x64xf32, #tpu.memory_space<vmem_shared>> -> memref<10240x64xf32, #tpu.memory_space<vmem_shared>>
    tpu.wait_indirect_dma semaphore(%arg19 : memref<!tpu.dma_semaphore, #tpu.memory_space<semaphore_mem>>) src(%arg15 : memref<128x64xf32, #tpu.memory_space<vmem>>) dst(%dma_wait3A_53 : memref<10240x64xf32, #tpu.memory_space<vmem_shared>>)
    %barrier3A_54 = arith.constant 0 : index
    tpu.barrier barrier_id(%barrier3A_54)
    %mul3A_55 = arith.constant 640 : i32
    %mul3A_56 = arith.muli %arg1, %mul3A_55 : i32
    %mul3A_57 = arith.constant 640 : i32
    %mul3A_58 = arith.muli %arg1, %mul3A_57 : i32
    "tpu.region"() ({
      %run_scoped3A = tpu.sem_alloc : memref<!tpu.dma_semaphore, #tpu.memory_space<semaphore_mem>>
      %dma_start3A_59 = arith.constant 0 : i32
      %dma_start3A_60 = tpu.memref_slice %arg7[%arg0, %mul3A_58, %dma_start3A_59] : memref<2x10240x64xf32, #tpu.memory_space<hbm>> -> memref<1x640x64xf32, #tpu.memory_space<hbm>>
      %dma_start3A_61 = tpu.memref_squeeze %dma_start3A_60 : memref<1x640x64xf32, #tpu.memory_space<hbm>> -> memref<640x64xf32, #tpu.memory_space<hbm>>
      %dma_start3A_62 = arith.constant 0 : i32
      %dma_start3A_63 = tpu.memref_slice %arg16[%mul3A_56, %dma_start3A_62] : memref<10240x64xf32, #tpu.memory_space<vmem_shared>> -> memref<640x64xf32, #tpu.memory_space<vmem_shared>>
      tpu.enqueue_dma source(%dma_start3A_63 : memref<640x64xf32, #tpu.memory_space<vmem_shared>>) target(%dma_start3A_61 : memref<640x64xf32, #tpu.memory_space<hbm>>) target_semaphore(%run_scoped3A : memref<!tpu.dma_semaphore, #tpu.memory_space<semaphore_mem>>)
      %dma_wait3A_64 = arith.constant 0 : i32
      %dma_wait3A_65 = tpu.memref_slice %arg7[%arg0, %mul3A_58, %dma_wait3A_64] : memref<2x10240x64xf32, #tpu.memory_space<hbm>> -> memref<1x640x64xf32, #tpu.memory_space<hbm>>
      %dma_wait3A_66 = tpu.memref_squeeze %dma_wait3A_65 : memref<1x640x64xf32, #tpu.memory_space<hbm>> -> memref<640x64xf32, #tpu.memory_space<hbm>>
      %dma_wait3A_67 = arith.constant 0 : i32
      %dma_wait3A_68 = tpu.memref_slice %arg16[%mul3A_56, %dma_wait3A_67] : memref<10240x64xf32, #tpu.memory_space<vmem_shared>> -> memref<640x64xf32, #tpu.memory_space<vmem_shared>>
      tpu.wait_dma2 semaphore(%run_scoped3A : memref<!tpu.dma_semaphore, #tpu.memory_space<semaphore_mem>>) src(%dma_wait3A_68 : memref<640x64xf32, #tpu.memory_space<vmem_shared>>) dst(%dma_wait3A_66 : memref<640x64xf32, #tpu.memory_space<hbm>>)
      tpu.yield
    }) : () -> ()
    return
  }
}

#map = affine_map<(d0, d1) -> (0, 0, 0)>
#map1 = affine_map<(d0, d1) -> (0, 0)>
module attributes {stable_mosaic.version = 14 : i64} {
  func.func @_edge_call(%arg0: i32, %arg1: i32, %arg2: memref<16x158x128xi32, #tpu.memory_space<hbm>>, %arg3: memref<16x158x128xi32, #tpu.memory_space<hbm>>, %arg4: memref<2x10240x64xbf16, #tpu.memory_space<hbm>>, %arg5: memref<2x10240x64xbf16, #tpu.memory_space<hbm>>, %arg6: memref<640x64xf32, #tpu.memory_space<hbm>>, %arg7: memref<2x10240x64xf32, #tpu.memory_space<hbm>>, %arg8: memref<158x128xi32, #tpu.memory_space<vmem>>, %arg9: memref<158x128xi32, #tpu.memory_space<vmem>>, %arg10: memref<128x64xbf16, #tpu.memory_space<vmem>>, %arg11: memref<128x64xbf16, #tpu.memory_space<vmem>>, %arg12: memref<128x64xbf16, #tpu.memory_space<vmem>>, %arg13: memref<128x64xbf16, #tpu.memory_space<vmem>>, %arg14: memref<128x64xf32, #tpu.memory_space<vmem>>, %arg15: memref<128x64xf32, #tpu.memory_space<vmem>>, %arg16: memref<10240x64xf32, #tpu.memory_space<vmem_shared>>, %arg17: memref<!tpu.dma_semaphore, #tpu.memory_space<semaphore_mem>>, %arg18: memref<!tpu.dma_semaphore, #tpu.memory_space<semaphore_mem>>, %arg19: memref<!tpu.dma_semaphore, #tpu.memory_space<semaphore_mem>>) attributes {dimension_semantics = [#tpu.dimension_semantics<core_parallel>, #tpu.dimension_semantics<subcore_parallel>], iteration_bounds = array<i64: 2, 16>, scalar_prefetch = 0 : i64, scratch_operands = 12 : i64, tpu.core_type = #tpu.core_type<sc_vector_subcore>, window_params = [{transform_indices = #map}, {transform_indices = #map}, {transform_indices = #map}, {transform_indices = #map}, {transform_indices = #map1}, {transform_indices = #map}]} {
    "tpu.region"() ({
      %run_scoped3A = tpu.sem_alloc : memref<!tpu.dma_semaphore, #tpu.memory_space<semaphore_mem>>
      %dma_start3A_59 = arith.constant 0 : i32
      %dma_start3A_60 = arith.constant 0 : i32
      %dma_start3A_61 = tpu.memref_slice %arg2[%arg1, %dma_start3A_59, %dma_start3A_60] : memref<16x158x128xi32, #tpu.memory_space<hbm>> -> memref<1x158x128xi32, #tpu.memory_space<hbm>>
      %dma_start3A_62 = tpu.memref_squeeze %dma_start3A_61 : memref<1x158x128xi32, #tpu.memory_space<hbm>> -> memref<158x128xi32, #tpu.memory_space<hbm>>
      %dma_start3A_63 = arith.constant 0 : i32
      %dma_start3A_64 = arith.constant 0 : i32
      %dma_start3A_65 = tpu.memref_slice %arg2[%arg1, %dma_start3A_63, %dma_start3A_64] : memref<16x158x128xi32, #tpu.memory_space<hbm>> -> memref<1x158x128xi32, #tpu.memory_space<hbm>>
      %dma_start3A_66 = tpu.memref_squeeze %dma_start3A_65 : memref<1x158x128xi32, #tpu.memory_space<hbm>> -> memref<158x128xi32, #tpu.memory_space<hbm>>
      tpu.enqueue_dma source(%dma_start3A_66 : memref<158x128xi32, #tpu.memory_space<hbm>>) target(%arg8 : memref<158x128xi32, #tpu.memory_space<vmem>>) target_semaphore(%run_scoped3A : memref<!tpu.dma_semaphore, #tpu.memory_space<semaphore_mem>>)
      %dma_wait3A_67 = arith.constant 0 : i32
      %dma_wait3A_68 = arith.constant 0 : i32
      %dma_wait3A_69 = tpu.memref_slice %arg2[%arg1, %dma_wait3A_67, %dma_wait3A_68] : memref<16x158x128xi32, #tpu.memory_space<hbm>> -> memref<1x158x128xi32, #tpu.memory_space<hbm>>
      %dma_wait3A_70 = tpu.memref_squeeze %dma_wait3A_69 : memref<1x158x128xi32, #tpu.memory_space<hbm>> -> memref<158x128xi32, #tpu.memory_space<hbm>>
      %dma_wait3A_71 = arith.constant 0 : i32
      %dma_wait3A_72 = arith.constant 0 : i32
      %dma_wait3A_73 = tpu.memref_slice %arg2[%arg1, %dma_wait3A_71, %dma_wait3A_72] : memref<16x158x128xi32, #tpu.memory_space<hbm>> -> memref<1x158x128xi32, #tpu.memory_space<hbm>>
      %dma_wait3A_74 = tpu.memref_squeeze %dma_wait3A_73 : memref<1x158x128xi32, #tpu.memory_space<hbm>> -> memref<158x128xi32, #tpu.memory_space<hbm>>
      tpu.wait_dma2 semaphore(%run_scoped3A : memref<!tpu.dma_semaphore, #tpu.memory_space<semaphore_mem>>) src(%dma_wait3A_74 : memref<158x128xi32, #tpu.memory_space<hbm>>) dst(%arg8 : memref<158x128xi32, #tpu.memory_space<vmem>>)
      tpu.yield
    }) : () -> ()
    "tpu.region"() ({
      %run_scoped3A = tpu.sem_alloc : memref<!tpu.dma_semaphore, #tpu.memory_space<semaphore_mem>>
      %dma_start3A_59 = arith.constant 0 : i32
      %dma_start3A_60 = arith.constant 0 : i32
      %dma_start3A_61 = tpu.memref_slice %arg3[%arg1, %dma_start3A_59, %dma_start3A_60] : memref<16x158x128xi32, #tpu.memory_space<hbm>> -> memref<1x158x128xi32, #tpu.memory_space<hbm>>
      %dma_start3A_62 = tpu.memref_squeeze %dma_start3A_61 : memref<1x158x128xi32, #tpu.memory_space<hbm>> -> memref<158x128xi32, #tpu.memory_space<hbm>>
      %dma_start3A_63 = arith.constant 0 : i32
      %dma_start3A_64 = arith.constant 0 : i32
      %dma_start3A_65 = tpu.memref_slice %arg3[%arg1, %dma_start3A_63, %dma_start3A_64] : memref<16x158x128xi32, #tpu.memory_space<hbm>> -> memref<1x158x128xi32, #tpu.memory_space<hbm>>
      %dma_start3A_66 = tpu.memref_squeeze %dma_start3A_65 : memref<1x158x128xi32, #tpu.memory_space<hbm>> -> memref<158x128xi32, #tpu.memory_space<hbm>>
      tpu.enqueue_dma source(%dma_start3A_66 : memref<158x128xi32, #tpu.memory_space<hbm>>) target(%arg9 : memref<158x128xi32, #tpu.memory_space<vmem>>) target_semaphore(%run_scoped3A : memref<!tpu.dma_semaphore, #tpu.memory_space<semaphore_mem>>)
      %dma_wait3A_67 = arith.constant 0 : i32
      %dma_wait3A_68 = arith.constant 0 : i32
      %dma_wait3A_69 = tpu.memref_slice %arg3[%arg1, %dma_wait3A_67, %dma_wait3A_68] : memref<16x158x128xi32, #tpu.memory_space<hbm>> -> memref<1x158x128xi32, #tpu.memory_space<hbm>>
      %dma_wait3A_70 = tpu.memref_squeeze %dma_wait3A_69 : memref<1x158x128xi32, #tpu.memory_space<hbm>> -> memref<158x128xi32, #tpu.memory_space<hbm>>
      %dma_wait3A_71 = arith.constant 0 : i32
      %dma_wait3A_72 = arith.constant 0 : i32
      %dma_wait3A_73 = tpu.memref_slice %arg3[%arg1, %dma_wait3A_71, %dma_wait3A_72] : memref<16x158x128xi32, #tpu.memory_space<hbm>> -> memref<1x158x128xi32, #tpu.memory_space<hbm>>
      %dma_wait3A_74 = tpu.memref_squeeze %dma_wait3A_73 : memref<1x158x128xi32, #tpu.memory_space<hbm>> -> memref<158x128xi32, #tpu.memory_space<hbm>>
      tpu.wait_dma2 semaphore(%run_scoped3A : memref<!tpu.dma_semaphore, #tpu.memory_space<semaphore_mem>>) src(%dma_wait3A_74 : memref<158x128xi32, #tpu.memory_space<hbm>>) dst(%arg9 : memref<158x128xi32, #tpu.memory_space<vmem>>)
      tpu.yield
    }) : () -> ()
    %mul3A = arith.constant 640 : i32
    %mul3A_0 = arith.muli %arg1, %mul3A : i32
    "tpu.region"() ({
      %run_scoped3A = tpu.sem_alloc : memref<!tpu.dma_semaphore, #tpu.memory_space<semaphore_mem>>
      %dma_start3A_59 = arith.constant 0 : i32
      %dma_start3A_60 = tpu.memref_slice %arg16[%mul3A_0, %dma_start3A_59] : memref<10240x64xf32, #tpu.memory_space<vmem_shared>> -> memref<640x64xf32, #tpu.memory_space<vmem_shared>>
      tpu.enqueue_dma source(%arg6 : memref<640x64xf32, #tpu.memory_space<hbm>>) target(%dma_start3A_60 : memref<640x64xf32, #tpu.memory_space<vmem_shared>>) target_semaphore(%run_scoped3A : memref<!tpu.dma_semaphore, #tpu.memory_space<semaphore_mem>>)
      %dma_wait3A_61 = arith.constant 0 : i32
      %dma_wait3A_62 = tpu.memref_slice %arg16[%mul3A_0, %dma_wait3A_61] : memref<10240x64xf32, #tpu.memory_space<vmem_shared>> -> memref<640x64xf32, #tpu.memory_space<vmem_shared>>
      tpu.wait_dma2 semaphore(%run_scoped3A : memref<!tpu.dma_semaphore, #tpu.memory_space<semaphore_mem>>) src(%arg6 : memref<640x64xf32, #tpu.memory_space<hbm>>) dst(%dma_wait3A_62 : memref<640x64xf32, #tpu.memory_space<vmem_shared>>)
      tpu.yield
    }) : () -> ()
    %barrier3A = arith.constant 0 : index
    tpu.barrier barrier_id(%barrier3A)
    %dma_start3A = arith.constant 0 : i32
    %dma_start3A_1 = arith.constant 0 : i32
    %dma_start3A_2 = tpu.memref_slice %arg8[%dma_start3A, %dma_start3A_1] : memref<158x128xi32, #tpu.memory_space<vmem>> -> memref<1x128xi32, #tpu.memory_space<vmem>>
    %dma_start3A_3 = tpu.memref_squeeze %dma_start3A_2 : memref<1x128xi32, #tpu.memory_space<vmem>> -> memref<128xi32, #tpu.memory_space<vmem>>
    %dma_start3A_4 = arith.constant 0 : i32
    %dma_start3A_5 = arith.constant 0 : i32
    %dma_start3A_6 = tpu.memref_slice %arg4[%arg0, %dma_start3A_4, %dma_start3A_5] : memref<2x10240x64xbf16, #tpu.memory_space<hbm>> -> memref<1x10240x64xbf16, #tpu.memory_space<hbm>>
    %dma_start3A_7 = tpu.memref_squeeze %dma_start3A_6 : memref<1x10240x64xbf16, #tpu.memory_space<hbm>> -> memref<10240x64xbf16, #tpu.memory_space<hbm>>
    %dma_start3A_8 = arith.constant 0 : i32
    %dma_start3A_9 = arith.constant 0 : i32
    %dma_start3A_10 = tpu.memref_slice %dma_start3A_7[%dma_start3A_8, %dma_start3A_9] : memref<10240x64xbf16, #tpu.memory_space<hbm>> -> memref<10240x64xbf16, #tpu.memory_space<hbm>>
    tpu.enqueue_indirect_dma source(%dma_start3A_10 : memref<10240x64xbf16, #tpu.memory_space<hbm>>) target(%arg10 : memref<128x64xbf16, #tpu.memory_space<vmem>>) offsets(%dma_start3A_3 : memref<128xi32, #tpu.memory_space<vmem>>) semaphore(%arg17 : memref<!tpu.dma_semaphore, #tpu.memory_space<semaphore_mem>>)
    %dma_start3A_11 = arith.constant 0 : i32
    %dma_start3A_12 = arith.constant 0 : i32
    %dma_start3A_13 = tpu.memref_slice %arg9[%dma_start3A_11, %dma_start3A_12] : memref<158x128xi32, #tpu.memory_space<vmem>> -> memref<1x128xi32, #tpu.memory_space<vmem>>
    %dma_start3A_14 = tpu.memref_squeeze %dma_start3A_13 : memref<1x128xi32, #tpu.memory_space<vmem>> -> memref<128xi32, #tpu.memory_space<vmem>>
    %dma_start3A_15 = arith.constant 0 : i32
    %dma_start3A_16 = arith.constant 0 : i32
    %dma_start3A_17 = tpu.memref_slice %arg5[%arg0, %dma_start3A_15, %dma_start3A_16] : memref<2x10240x64xbf16, #tpu.memory_space<hbm>> -> memref<1x10240x64xbf16, #tpu.memory_space<hbm>>
    %dma_start3A_18 = tpu.memref_squeeze %dma_start3A_17 : memref<1x10240x64xbf16, #tpu.memory_space<hbm>> -> memref<10240x64xbf16, #tpu.memory_space<hbm>>
    %dma_start3A_19 = arith.constant 0 : i32
    %dma_start3A_20 = arith.constant 0 : i32
    %dma_start3A_21 = tpu.memref_slice %dma_start3A_18[%dma_start3A_19, %dma_start3A_20] : memref<10240x64xbf16, #tpu.memory_space<hbm>> -> memref<10240x64xbf16, #tpu.memory_space<hbm>>
    tpu.enqueue_indirect_dma source(%dma_start3A_21 : memref<10240x64xbf16, #tpu.memory_space<hbm>>) target(%arg11 : memref<128x64xbf16, #tpu.memory_space<vmem>>) offsets(%dma_start3A_14 : memref<128xi32, #tpu.memory_space<vmem>>) semaphore(%arg17 : memref<!tpu.dma_semaphore, #tpu.memory_space<semaphore_mem>>)
    %dma_start3A_22 = arith.constant 1 : i32
    %dma_start3A_23 = arith.constant 0 : i32
    %dma_start3A_24 = tpu.memref_slice %arg8[%dma_start3A_22, %dma_start3A_23] : memref<158x128xi32, #tpu.memory_space<vmem>> -> memref<1x128xi32, #tpu.memory_space<vmem>>
    %dma_start3A_25 = tpu.memref_squeeze %dma_start3A_24 : memref<1x128xi32, #tpu.memory_space<vmem>> -> memref<128xi32, #tpu.memory_space<vmem>>
    %dma_start3A_26 = arith.constant 0 : i32
    %dma_start3A_27 = arith.constant 0 : i32
    %dma_start3A_28 = tpu.memref_slice %arg4[%arg0, %dma_start3A_26, %dma_start3A_27] : memref<2x10240x64xbf16, #tpu.memory_space<hbm>> -> memref<1x10240x64xbf16, #tpu.memory_space<hbm>>
    %dma_start3A_29 = tpu.memref_squeeze %dma_start3A_28 : memref<1x10240x64xbf16, #tpu.memory_space<hbm>> -> memref<10240x64xbf16, #tpu.memory_space<hbm>>
    %dma_start3A_30 = arith.constant 0 : i32
    %dma_start3A_31 = arith.constant 0 : i32
    %dma_start3A_32 = tpu.memref_slice %dma_start3A_29[%dma_start3A_30, %dma_start3A_31] : memref<10240x64xbf16, #tpu.memory_space<hbm>> -> memref<10240x64xbf16, #tpu.memory_space<hbm>>
    tpu.enqueue_indirect_dma source(%dma_start3A_32 : memref<10240x64xbf16, #tpu.memory_space<hbm>>) target(%arg12 : memref<128x64xbf16, #tpu.memory_space<vmem>>) offsets(%dma_start3A_25 : memref<128xi32, #tpu.memory_space<vmem>>) semaphore(%arg18 : memref<!tpu.dma_semaphore, #tpu.memory_space<semaphore_mem>>)
    %dma_start3A_33 = arith.constant 1 : i32
    %dma_start3A_34 = arith.constant 0 : i32
    %dma_start3A_35 = tpu.memref_slice %arg9[%dma_start3A_33, %dma_start3A_34] : memref<158x128xi32, #tpu.memory_space<vmem>> -> memref<1x128xi32, #tpu.memory_space<vmem>>
    %dma_start3A_36 = tpu.memref_squeeze %dma_start3A_35 : memref<1x128xi32, #tpu.memory_space<vmem>> -> memref<128xi32, #tpu.memory_space<vmem>>
    %dma_start3A_37 = arith.constant 0 : i32
    %dma_start3A_38 = arith.constant 0 : i32
    %dma_start3A_39 = tpu.memref_slice %arg5[%arg0, %dma_start3A_37, %dma_start3A_38] : memref<2x10240x64xbf16, #tpu.memory_space<hbm>> -> memref<1x10240x64xbf16, #tpu.memory_space<hbm>>
    %dma_start3A_40 = tpu.memref_squeeze %dma_start3A_39 : memref<1x10240x64xbf16, #tpu.memory_space<hbm>> -> memref<10240x64xbf16, #tpu.memory_space<hbm>>
    %dma_start3A_41 = arith.constant 0 : i32
    %dma_start3A_42 = arith.constant 0 : i32
    %dma_start3A_43 = tpu.memref_slice %dma_start3A_40[%dma_start3A_41, %dma_start3A_42] : memref<10240x64xbf16, #tpu.memory_space<hbm>> -> memref<10240x64xbf16, #tpu.memory_space<hbm>>
    tpu.enqueue_indirect_dma source(%dma_start3A_43 : memref<10240x64xbf16, #tpu.memory_space<hbm>>) target(%arg13 : memref<128x64xbf16, #tpu.memory_space<vmem>>) offsets(%dma_start3A_36 : memref<128xi32, #tpu.memory_space<vmem>>) semaphore(%arg18 : memref<!tpu.dma_semaphore, #tpu.memory_space<semaphore_mem>>)
    %scan3A = arith.constant 0 : i32
    %scan3A_44 = arith.constant 79 : i32
    %scan3A_45 = arith.addi %scan3A, %scan3A_44 : i32
    %scan3A_46 = arith.constant 1 : i32
    scf.for %scan3A_59 = %scan3A to %scan3A_45 step %scan3A_46  : i32 {
      %mul3A_60 = arith.constant 2 : i32
      %mul3A_61 = arith.muli %scan3A_59, %mul3A_60 : i32
      %add3A = arith.constant 0 : i32
      %add3A_62 = arith.addi %add3A, %mul3A_61 : i32
      %add3A_63 = arith.constant 0 : i32
      %add3A_64 = arith.addi %add3A_62, %add3A_63 : i32
      %dma_wait3A_65 = arith.constant 0 : i32
      %dma_wait3A_66 = tpu.memref_slice %arg8[%add3A_64, %dma_wait3A_65] : memref<158x128xi32, #tpu.memory_space<vmem>> -> memref<1x128xi32, #tpu.memory_space<vmem>>
      %dma_wait3A_67 = tpu.memref_squeeze %dma_wait3A_66 : memref<1x128xi32, #tpu.memory_space<vmem>> -> memref<128xi32, #tpu.memory_space<vmem>>
      %dma_wait3A_68 = arith.constant 0 : i32
      %dma_wait3A_69 = arith.constant 0 : i32
      %dma_wait3A_70 = tpu.memref_slice %arg4[%arg0, %dma_wait3A_68, %dma_wait3A_69] : memref<2x10240x64xbf16, #tpu.memory_space<hbm>> -> memref<1x10240x64xbf16, #tpu.memory_space<hbm>>
      %dma_wait3A_71 = tpu.memref_squeeze %dma_wait3A_70 : memref<1x10240x64xbf16, #tpu.memory_space<hbm>> -> memref<10240x64xbf16, #tpu.memory_space<hbm>>
      %dma_wait3A_72 = arith.constant 0 : i32
      %dma_wait3A_73 = arith.constant 0 : i32
      %dma_wait3A_74 = tpu.memref_slice %dma_wait3A_71[%dma_wait3A_72, %dma_wait3A_73] : memref<10240x64xbf16, #tpu.memory_space<hbm>> -> memref<10240x64xbf16, #tpu.memory_space<hbm>>
      tpu.wait_indirect_dma semaphore(%arg17 : memref<!tpu.dma_semaphore, #tpu.memory_space<semaphore_mem>>) src(%dma_wait3A_74 : memref<10240x64xbf16, #tpu.memory_space<hbm>>) dst(%arg10 : memref<128x64xbf16, #tpu.memory_space<vmem>>)
      %dma_wait3A_75 = arith.constant 0 : i32
      %dma_wait3A_76 = tpu.memref_slice %arg9[%add3A_64, %dma_wait3A_75] : memref<158x128xi32, #tpu.memory_space<vmem>> -> memref<1x128xi32, #tpu.memory_space<vmem>>
      %dma_wait3A_77 = tpu.memref_squeeze %dma_wait3A_76 : memref<1x128xi32, #tpu.memory_space<vmem>> -> memref<128xi32, #tpu.memory_space<vmem>>
      %dma_wait3A_78 = arith.constant 0 : i32
      %dma_wait3A_79 = arith.constant 0 : i32
      %dma_wait3A_80 = tpu.memref_slice %arg5[%arg0, %dma_wait3A_78, %dma_wait3A_79] : memref<2x10240x64xbf16, #tpu.memory_space<hbm>> -> memref<1x10240x64xbf16, #tpu.memory_space<hbm>>
      %dma_wait3A_81 = tpu.memref_squeeze %dma_wait3A_80 : memref<1x10240x64xbf16, #tpu.memory_space<hbm>> -> memref<10240x64xbf16, #tpu.memory_space<hbm>>
      %dma_wait3A_82 = arith.constant 0 : i32
      %dma_wait3A_83 = arith.constant 0 : i32
      %dma_wait3A_84 = tpu.memref_slice %dma_wait3A_81[%dma_wait3A_82, %dma_wait3A_83] : memref<10240x64xbf16, #tpu.memory_space<hbm>> -> memref<10240x64xbf16, #tpu.memory_space<hbm>>
      tpu.wait_indirect_dma semaphore(%arg17 : memref<!tpu.dma_semaphore, #tpu.memory_space<semaphore_mem>>) src(%dma_wait3A_84 : memref<10240x64xbf16, #tpu.memory_space<hbm>>) dst(%arg11 : memref<128x64xbf16, #tpu.memory_space<vmem>>)
      %parallel_loop3A = arith.constant 0 : i32
      %parallel_loop3A_85 = arith.constant 128 : i32
      %parallel_loop3A_86 = arith.constant 1 : i32
      scf.for %parallel_loop3A_144 = %parallel_loop3A to %parallel_loop3A_85 step %parallel_loop3A_86  : i32 {
        %parallel_loop3A_145 = arith.index_cast %parallel_loop3A_144 : i32 to index
        %parallel_loop3A_146 = arith.constant 0 : index
        %parallel_loop3A_147 = tpu.vector_load %arg10[%parallel_loop3A_145, %parallel_loop3A_146] {strides = array<i32>} : memref<128x64xbf16, #tpu.memory_space<vmem>>, vector<32xbf16>,
        %parallel_loop3A_148 = arith.index_cast %parallel_loop3A_144 : i32 to index
        %parallel_loop3A_149 = arith.constant 0 : index
        %parallel_loop3A_150 = tpu.vector_load %arg11[%parallel_loop3A_148, %parallel_loop3A_149] {strides = array<i32>} : memref<128x64xbf16, #tpu.memory_space<vmem>>, vector<32xbf16>,
        %parallel_loop3A_151 = arith.addf %parallel_loop3A_147, %parallel_loop3A_150 : vector<32xbf16>
        %parallel_loop3A_152 = arith.constant 0.000000e+00 : bf16
        %parallel_loop3A_153 = vector.broadcast %parallel_loop3A_152 : bf16 to vector<32xbf16>
        %parallel_loop3A_154 = arith.maximumf %parallel_loop3A_151, %parallel_loop3A_153 : vector<32xbf16>
        %parallel_loop3A_155 = tpu.unpack_subelements %parallel_loop3A_154, 0 {pack_format = #tpu.pack_format<interleaved>} : vector<32xbf16> -> vector<16xf32>
        %parallel_loop3A_156 = tpu.unpack_subelements %parallel_loop3A_154, 1 {pack_format = #tpu.pack_format<interleaved>} : vector<32xbf16> -> vector<16xf32>
        %parallel_loop3A_157 = arith.index_cast %parallel_loop3A_144 : i32 to index
        %parallel_loop3A_158 = arith.constant 0 : index
        %parallel_loop3A_159 = tpu.vector_load %arg14[%parallel_loop3A_157, %parallel_loop3A_158] {strides = array<i32>} : memref<128x64xf32, #tpu.memory_space<vmem>>, vector<16xf32>,
        tpu.vector_store %arg14[%parallel_loop3A_157, %parallel_loop3A_158], %parallel_loop3A_155 {strides = array<i32>} : memref<128x64xf32, #tpu.memory_space<vmem>>, vector<16xf32>,
        %parallel_loop3A_160 = arith.index_cast %parallel_loop3A_144 : i32 to index
        %parallel_loop3A_161 = arith.constant 16 : index
        %parallel_loop3A_162 = tpu.vector_load %arg14[%parallel_loop3A_160, %parallel_loop3A_161] {strides = array<i32>} : memref<128x64xf32, #tpu.memory_space<vmem>>, vector<16xf32>,
        tpu.vector_store %arg14[%parallel_loop3A_160, %parallel_loop3A_161], %parallel_loop3A_156 {strides = array<i32>} : memref<128x64xf32, #tpu.memory_space<vmem>>, vector<16xf32>,
        %parallel_loop3A_163 = arith.index_cast %parallel_loop3A_144 : i32 to index
        %parallel_loop3A_164 = arith.constant 32 : index
        %parallel_loop3A_165 = tpu.vector_load %arg10[%parallel_loop3A_163, %parallel_loop3A_164] {strides = array<i32>} : memref<128x64xbf16, #tpu.memory_space<vmem>>, vector<32xbf16>,
        %parallel_loop3A_166 = arith.index_cast %parallel_loop3A_144 : i32 to index
        %parallel_loop3A_167 = arith.constant 32 : index
        %parallel_loop3A_168 = tpu.vector_load %arg11[%parallel_loop3A_166, %parallel_loop3A_167] {strides = array<i32>} : memref<128x64xbf16, #tpu.memory_space<vmem>>, vector<32xbf16>,
        %parallel_loop3A_169 = arith.addf %parallel_loop3A_165, %parallel_loop3A_168 : vector<32xbf16>
        %parallel_loop3A_170 = arith.constant 0.000000e+00 : bf16
        %parallel_loop3A_171 = vector.broadcast %parallel_loop3A_170 : bf16 to vector<32xbf16>
        %parallel_loop3A_172 = arith.maximumf %parallel_loop3A_169, %parallel_loop3A_171 : vector<32xbf16>
        %parallel_loop3A_173 = tpu.unpack_subelements %parallel_loop3A_172, 0 {pack_format = #tpu.pack_format<interleaved>} : vector<32xbf16> -> vector<16xf32>
        %parallel_loop3A_174 = tpu.unpack_subelements %parallel_loop3A_172, 1 {pack_format = #tpu.pack_format<interleaved>} : vector<32xbf16> -> vector<16xf32>
        %parallel_loop3A_175 = arith.index_cast %parallel_loop3A_144 : i32 to index
        %parallel_loop3A_176 = arith.constant 32 : index
        %parallel_loop3A_177 = tpu.vector_load %arg14[%parallel_loop3A_175, %parallel_loop3A_176] {strides = array<i32>} : memref<128x64xf32, #tpu.memory_space<vmem>>, vector<16xf32>,
        tpu.vector_store %arg14[%parallel_loop3A_175, %parallel_loop3A_176], %parallel_loop3A_173 {strides = array<i32>} : memref<128x64xf32, #tpu.memory_space<vmem>>, vector<16xf32>,
        %parallel_loop3A_178 = arith.index_cast %parallel_loop3A_144 : i32 to index
        %parallel_loop3A_179 = arith.constant 48 : index
        %parallel_loop3A_180 = tpu.vector_load %arg14[%parallel_loop3A_178, %parallel_loop3A_179] {strides = array<i32>} : memref<128x64xf32, #tpu.memory_space<vmem>>, vector<16xf32>,
        tpu.vector_store %arg14[%parallel_loop3A_178, %parallel_loop3A_179], %parallel_loop3A_174 {strides = array<i32>} : memref<128x64xf32, #tpu.memory_space<vmem>>, vector<16xf32>,
      } {sc.loop_unroll_factor = 4 : i64, sc.parallel_access}
      %add3A_87 = arith.constant 2 : i32
      %add3A_88 = arith.addi %add3A_64, %add3A_87 : i32
      %lt3A = arith.constant 158 : i32
      %lt3A_89 = arith.cmpi slt, %add3A_88, %lt3A : i32
      %convert_element_type3A = arith.extui %lt3A_89 : i1 to i32
      %cond3A = arith.constant 0 : i32
      %cond3A_90 = arith.cmpi ne, %convert_element_type3A, %cond3A : i32
      scf.if %cond3A_90 {
        %add3A_144 = arith.constant 2 : i32
        %add3A_145 = arith.addi %add3A_64, %add3A_144 : i32
        %dma_start3A_146 = arith.constant 0 : i32
        %dma_start3A_147 = tpu.memref_slice %arg8[%add3A_145, %dma_start3A_146] : memref<158x128xi32, #tpu.memory_space<vmem>> -> memref<1x128xi32, #tpu.memory_space<vmem>>
        %dma_start3A_148 = tpu.memref_squeeze %dma_start3A_147 : memref<1x128xi32, #tpu.memory_space<vmem>> -> memref<128xi32, #tpu.memory_space<vmem>>
        %dma_start3A_149 = arith.constant 0 : i32
        %dma_start3A_150 = arith.constant 0 : i32
        %dma_start3A_151 = tpu.memref_slice %arg4[%arg0, %dma_start3A_149, %dma_start3A_150] : memref<2x10240x64xbf16, #tpu.memory_space<hbm>> -> memref<1x10240x64xbf16, #tpu.memory_space<hbm>>
        %dma_start3A_152 = tpu.memref_squeeze %dma_start3A_151 : memref<1x10240x64xbf16, #tpu.memory_space<hbm>> -> memref<10240x64xbf16, #tpu.memory_space<hbm>>
        %dma_start3A_153 = arith.constant 0 : i32
        %dma_start3A_154 = arith.constant 0 : i32
        %dma_start3A_155 = tpu.memref_slice %dma_start3A_152[%dma_start3A_153, %dma_start3A_154] : memref<10240x64xbf16, #tpu.memory_space<hbm>> -> memref<10240x64xbf16, #tpu.memory_space<hbm>>
        tpu.enqueue_indirect_dma source(%dma_start3A_155 : memref<10240x64xbf16, #tpu.memory_space<hbm>>) target(%arg10 : memref<128x64xbf16, #tpu.memory_space<vmem>>) offsets(%dma_start3A_148 : memref<128xi32, #tpu.memory_space<vmem>>) semaphore(%arg17 : memref<!tpu.dma_semaphore, #tpu.memory_space<semaphore_mem>>)
        %dma_start3A_156 = arith.constant 0 : i32
        %dma_start3A_157 = tpu.memref_slice %arg9[%add3A_145, %dma_start3A_156] : memref<158x128xi32, #tpu.memory_space<vmem>> -> memref<1x128xi32, #tpu.memory_space<vmem>>
        %dma_start3A_158 = tpu.memref_squeeze %dma_start3A_157 : memref<1x128xi32, #tpu.memory_space<vmem>> -> memref<128xi32, #tpu.memory_space<vmem>>
        %dma_start3A_159 = arith.constant 0 : i32
        %dma_start3A_160 = arith.constant 0 : i32
        %dma_start3A_161 = tpu.memref_slice %arg5[%arg0, %dma_start3A_159, %dma_start3A_160] : memref<2x10240x64xbf16, #tpu.memory_space<hbm>> -> memref<1x10240x64xbf16, #tpu.memory_space<hbm>>
        %dma_start3A_162 = tpu.memref_squeeze %dma_start3A_161 : memref<1x10240x64xbf16, #tpu.memory_space<hbm>> -> memref<10240x64xbf16, #tpu.memory_space<hbm>>
        %dma_start3A_163 = arith.constant 0 : i32
        %dma_start3A_164 = arith.constant 0 : i32
        %dma_start3A_165 = tpu.memref_slice %dma_start3A_162[%dma_start3A_163, %dma_start3A_164] : memref<10240x64xbf16, #tpu.memory_space<hbm>> -> memref<10240x64xbf16, #tpu.memory_space<hbm>>
        tpu.enqueue_indirect_dma source(%dma_start3A_165 : memref<10240x64xbf16, #tpu.memory_space<hbm>>) target(%arg11 : memref<128x64xbf16, #tpu.memory_space<vmem>>) offsets(%dma_start3A_158 : memref<128xi32, #tpu.memory_space<vmem>>) semaphore(%arg17 : memref<!tpu.dma_semaphore, #tpu.memory_space<semaphore_mem>>)
      } else {
      }
      %ge3A = arith.constant 1 : i32
      %ge3A_91 = arith.cmpi sge, %add3A_64, %ge3A : i32
      %convert_element_type3A_92 = arith.extui %ge3A_91 : i1 to i32
      %cond3A_93 = arith.constant 0 : i32
      %cond3A_94 = arith.cmpi ne, %convert_element_type3A_92, %cond3A_93 : i32
      scf.if %cond3A_94 {
        %sub3A = arith.constant 1 : i32
        %sub3A_144 = arith.subi %add3A_64, %sub3A : i32
        %dma_wait3A_145 = arith.constant 0 : i32
        %dma_wait3A_146 = tpu.memref_slice %arg8[%sub3A_144, %dma_wait3A_145] : memref<158x128xi32, #tpu.memory_space<vmem>> -> memref<1x128xi32, #tpu.memory_space<vmem>>
        %dma_wait3A_147 = tpu.memref_squeeze %dma_wait3A_146 : memref<1x128xi32, #tpu.memory_space<vmem>> -> memref<128xi32, #tpu.memory_space<vmem>>
        %dma_wait3A_148 = arith.constant 0 : i32
        %dma_wait3A_149 = arith.constant 0 : i32
        %dma_wait3A_150 = tpu.memref_slice %arg16[%dma_wait3A_148, %dma_wait3A_149] : memref<10240x64xf32, #tpu.memory_space<vmem_shared>> -> memref<10240x64xf32, #tpu.memory_space<vmem_shared>>
        tpu.wait_indirect_dma semaphore(%arg19 : memref<!tpu.dma_semaphore, #tpu.memory_space<semaphore_mem>>) src(%arg15 : memref<128x64xf32, #tpu.memory_space<vmem>>) dst(%dma_wait3A_150 : memref<10240x64xf32, #tpu.memory_space<vmem_shared>>)
      } else {
      }
      %dma_start3A_95 = arith.constant 0 : i32
      %dma_start3A_96 = tpu.memref_slice %arg8[%add3A_64, %dma_start3A_95] : memref<158x128xi32, #tpu.memory_space<vmem>> -> memref<1x128xi32, #tpu.memory_space<vmem>>
      %dma_start3A_97 = tpu.memref_squeeze %dma_start3A_96 : memref<1x128xi32, #tpu.memory_space<vmem>> -> memref<128xi32, #tpu.memory_space<vmem>>
      %dma_start3A_98 = arith.constant 0 : i32
      %dma_start3A_99 = arith.constant 0 : i32
      %dma_start3A_100 = tpu.memref_slice %arg16[%dma_start3A_98, %dma_start3A_99] : memref<10240x64xf32, #tpu.memory_space<vmem_shared>> -> memref<10240x64xf32, #tpu.memory_space<vmem_shared>>
      tpu.enqueue_indirect_dma source(%arg14 : memref<128x64xf32, #tpu.memory_space<vmem>>) target(%dma_start3A_100 : memref<10240x64xf32, #tpu.memory_space<vmem_shared>>) offsets(%dma_start3A_97 : memref<128xi32, #tpu.memory_space<vmem>>) semaphore(%arg19 : memref<!tpu.dma_semaphore, #tpu.memory_space<semaphore_mem>>) {add = true}
      %add3A_101 = arith.constant 1 : i32
      %add3A_102 = arith.addi %add3A_62, %add3A_101 : i32
      %dma_wait3A_103 = arith.constant 0 : i32
      %dma_wait3A_104 = tpu.memref_slice %arg8[%add3A_102, %dma_wait3A_103] : memref<158x128xi32, #tpu.memory_space<vmem>> -> memref<1x128xi32, #tpu.memory_space<vmem>>
      %dma_wait3A_105 = tpu.memref_squeeze %dma_wait3A_104 : memref<1x128xi32, #tpu.memory_space<vmem>> -> memref<128xi32, #tpu.memory_space<vmem>>
      %dma_wait3A_106 = arith.constant 0 : i32
      %dma_wait3A_107 = arith.constant 0 : i32
      %dma_wait3A_108 = tpu.memref_slice %arg4[%arg0, %dma_wait3A_106, %dma_wait3A_107] : memref<2x10240x64xbf16, #tpu.memory_space<hbm>> -> memref<1x10240x64xbf16, #tpu.memory_space<hbm>>
      %dma_wait3A_109 = tpu.memref_squeeze %dma_wait3A_108 : memref<1x10240x64xbf16, #tpu.memory_space<hbm>> -> memref<10240x64xbf16, #tpu.memory_space<hbm>>
      %dma_wait3A_110 = arith.constant 0 : i32
      %dma_wait3A_111 = arith.constant 0 : i32
      %dma_wait3A_112 = tpu.memref_slice %dma_wait3A_109[%dma_wait3A_110, %dma_wait3A_111] : memref<10240x64xbf16, #tpu.memory_space<hbm>> -> memref<10240x64xbf16, #tpu.memory_space<hbm>>
      tpu.wait_indirect_dma semaphore(%arg18 : memref<!tpu.dma_semaphore, #tpu.memory_space<semaphore_mem>>) src(%dma_wait3A_112 : memref<10240x64xbf16, #tpu.memory_space<hbm>>) dst(%arg12 : memref<128x64xbf16, #tpu.memory_space<vmem>>)
      %dma_wait3A_113 = arith.constant 0 : i32
      %dma_wait3A_114 = tpu.memref_slice %arg9[%add3A_102, %dma_wait3A_113] : memref<158x128xi32, #tpu.memory_space<vmem>> -> memref<1x128xi32, #tpu.memory_space<vmem>>
      %dma_wait3A_115 = tpu.memref_squeeze %dma_wait3A_114 : memref<1x128xi32, #tpu.memory_space<vmem>> -> memref<128xi32, #tpu.memory_space<vmem>>
      %dma_wait3A_116 = arith.constant 0 : i32
      %dma_wait3A_117 = arith.constant 0 : i32
      %dma_wait3A_118 = tpu.memref_slice %arg5[%arg0, %dma_wait3A_116, %dma_wait3A_117] : memref<2x10240x64xbf16, #tpu.memory_space<hbm>> -> memref<1x10240x64xbf16, #tpu.memory_space<hbm>>
      %dma_wait3A_119 = tpu.memref_squeeze %dma_wait3A_118 : memref<1x10240x64xbf16, #tpu.memory_space<hbm>> -> memref<10240x64xbf16, #tpu.memory_space<hbm>>
      %dma_wait3A_120 = arith.constant 0 : i32
      %dma_wait3A_121 = arith.constant 0 : i32
      %dma_wait3A_122 = tpu.memref_slice %dma_wait3A_119[%dma_wait3A_120, %dma_wait3A_121] : memref<10240x64xbf16, #tpu.memory_space<hbm>> -> memref<10240x64xbf16, #tpu.memory_space<hbm>>
      tpu.wait_indirect_dma semaphore(%arg18 : memref<!tpu.dma_semaphore, #tpu.memory_space<semaphore_mem>>) src(%dma_wait3A_122 : memref<10240x64xbf16, #tpu.memory_space<hbm>>) dst(%arg13 : memref<128x64xbf16, #tpu.memory_space<vmem>>)
      %parallel_loop3A_123 = arith.constant 0 : i32
      %parallel_loop3A_124 = arith.constant 128 : i32
      %parallel_loop3A_125 = arith.constant 1 : i32
      scf.for %parallel_loop3A_144 = %parallel_loop3A_123 to %parallel_loop3A_124 step %parallel_loop3A_125  : i32 {
        %parallel_loop3A_145 = arith.index_cast %parallel_loop3A_144 : i32 to index
        %parallel_loop3A_146 = arith.constant 0 : index
        %parallel_loop3A_147 = tpu.vector_load %arg12[%parallel_loop3A_145, %parallel_loop3A_146] {strides = array<i32>} : memref<128x64xbf16, #tpu.memory_space<vmem>>, vector<32xbf16>,
        %parallel_loop3A_148 = arith.index_cast %parallel_loop3A_144 : i32 to index
        %parallel_loop3A_149 = arith.constant 0 : index
        %parallel_loop3A_150 = tpu.vector_load %arg13[%parallel_loop3A_148, %parallel_loop3A_149] {strides = array<i32>} : memref<128x64xbf16, #tpu.memory_space<vmem>>, vector<32xbf16>,
        %parallel_loop3A_151 = arith.addf %parallel_loop3A_147, %parallel_loop3A_150 : vector<32xbf16>
        %parallel_loop3A_152 = arith.constant 0.000000e+00 : bf16
        %parallel_loop3A_153 = vector.broadcast %parallel_loop3A_152 : bf16 to vector<32xbf16>
        %parallel_loop3A_154 = arith.maximumf %parallel_loop3A_151, %parallel_loop3A_153 : vector<32xbf16>
        %parallel_loop3A_155 = tpu.unpack_subelements %parallel_loop3A_154, 0 {pack_format = #tpu.pack_format<interleaved>} : vector<32xbf16> -> vector<16xf32>
        %parallel_loop3A_156 = tpu.unpack_subelements %parallel_loop3A_154, 1 {pack_format = #tpu.pack_format<interleaved>} : vector<32xbf16> -> vector<16xf32>
        %parallel_loop3A_157 = arith.index_cast %parallel_loop3A_144 : i32 to index
        %parallel_loop3A_158 = arith.constant 0 : index
        %parallel_loop3A_159 = tpu.vector_load %arg15[%parallel_loop3A_157, %parallel_loop3A_158] {strides = array<i32>} : memref<128x64xf32, #tpu.memory_space<vmem>>, vector<16xf32>,
        tpu.vector_store %arg15[%parallel_loop3A_157, %parallel_loop3A_158], %parallel_loop3A_155 {strides = array<i32>} : memref<128x64xf32, #tpu.memory_space<vmem>>, vector<16xf32>,
        %parallel_loop3A_160 = arith.index_cast %parallel_loop3A_144 : i32 to index
        %parallel_loop3A_161 = arith.constant 16 : index
        %parallel_loop3A_162 = tpu.vector_load %arg15[%parallel_loop3A_160, %parallel_loop3A_161] {strides = array<i32>} : memref<128x64xf32, #tpu.memory_space<vmem>>, vector<16xf32>,
        tpu.vector_store %arg15[%parallel_loop3A_160, %parallel_loop3A_161], %parallel_loop3A_156 {strides = array<i32>} : memref<128x64xf32, #tpu.memory_space<vmem>>, vector<16xf32>,
        %parallel_loop3A_163 = arith.index_cast %parallel_loop3A_144 : i32 to index
        %parallel_loop3A_164 = arith.constant 32 : index
        %parallel_loop3A_165 = tpu.vector_load %arg12[%parallel_loop3A_163, %parallel_loop3A_164] {strides = array<i32>} : memref<128x64xbf16, #tpu.memory_space<vmem>>, vector<32xbf16>,
        %parallel_loop3A_166 = arith.index_cast %parallel_loop3A_144 : i32 to index
        %parallel_loop3A_167 = arith.constant 32 : index
        %parallel_loop3A_168 = tpu.vector_load %arg13[%parallel_loop3A_166, %parallel_loop3A_167] {strides = array<i32>} : memref<128x64xbf16, #tpu.memory_space<vmem>>, vector<32xbf16>,
        %parallel_loop3A_169 = arith.addf %parallel_loop3A_165, %parallel_loop3A_168 : vector<32xbf16>
        %parallel_loop3A_170 = arith.constant 0.000000e+00 : bf16
        %parallel_loop3A_171 = vector.broadcast %parallel_loop3A_170 : bf16 to vector<32xbf16>
        %parallel_loop3A_172 = arith.maximumf %parallel_loop3A_169, %parallel_loop3A_171 : vector<32xbf16>
        %parallel_loop3A_173 = tpu.unpack_subelements %parallel_loop3A_172, 0 {pack_format = #tpu.pack_format<interleaved>} : vector<32xbf16> -> vector<16xf32>
        %parallel_loop3A_174 = tpu.unpack_subelements %parallel_loop3A_172, 1 {pack_format = #tpu.pack_format<interleaved>} : vector<32xbf16> -> vector<16xf32>
        %parallel_loop3A_175 = arith.index_cast %parallel_loop3A_144 : i32 to index
        %parallel_loop3A_176 = arith.constant 32 : index
        %parallel_loop3A_177 = tpu.vector_load %arg15[%parallel_loop3A_175, %parallel_loop3A_176] {strides = array<i32>} : memref<128x64xf32, #tpu.memory_space<vmem>>, vector<16xf32>,
        tpu.vector_store %arg15[%parallel_loop3A_175, %parallel_loop3A_176], %parallel_loop3A_173 {strides = array<i32>} : memref<128x64xf32, #tpu.memory_space<vmem>>, vector<16xf32>,
        %parallel_loop3A_178 = arith.index_cast %parallel_loop3A_144 : i32 to index
        %parallel_loop3A_179 = arith.constant 48 : index
        %parallel_loop3A_180 = tpu.vector_load %arg15[%parallel_loop3A_178, %parallel_loop3A_179] {strides = array<i32>} : memref<128x64xf32, #tpu.memory_space<vmem>>, vector<16xf32>,
        tpu.vector_store %arg15[%parallel_loop3A_178, %parallel_loop3A_179], %parallel_loop3A_174 {strides = array<i32>} : memref<128x64xf32, #tpu.memory_space<vmem>>, vector<16xf32>,
      } {sc.loop_unroll_factor = 4 : i64, sc.parallel_access}
      %add3A_126 = arith.constant 2 : i32
      %add3A_127 = arith.addi %add3A_102, %add3A_126 : i32
      %lt3A_128 = arith.constant 158 : i32
      %lt3A_129 = arith.cmpi slt, %add3A_127, %lt3A_128 : i32
      %convert_element_type3A_130 = arith.extui %lt3A_129 : i1 to i32
      %cond3A_131 = arith.constant 0 : i32
      %cond3A_132 = arith.cmpi ne, %convert_element_type3A_130, %cond3A_131 : i32
      scf.if %cond3A_132 {
        %add3A_144 = arith.constant 2 : i32
        %add3A_145 = arith.addi %add3A_102, %add3A_144 : i32
        %dma_start3A_146 = arith.constant 0 : i32
        %dma_start3A_147 = tpu.memref_slice %arg8[%add3A_145, %dma_start3A_146] : memref<158x128xi32, #tpu.memory_space<vmem>> -> memref<1x128xi32, #tpu.memory_space<vmem>>
        %dma_start3A_148 = tpu.memref_squeeze %dma_start3A_147 : memref<1x128xi32, #tpu.memory_space<vmem>> -> memref<128xi32, #tpu.memory_space<vmem>>
        %dma_start3A_149 = arith.constant 0 : i32
        %dma_start3A_150 = arith.constant 0 : i32
        %dma_start3A_151 = tpu.memref_slice %arg4[%arg0, %dma_start3A_149, %dma_start3A_150] : memref<2x10240x64xbf16, #tpu.memory_space<hbm>> -> memref<1x10240x64xbf16, #tpu.memory_space<hbm>>
        %dma_start3A_152 = tpu.memref_squeeze %dma_start3A_151 : memref<1x10240x64xbf16, #tpu.memory_space<hbm>> -> memref<10240x64xbf16, #tpu.memory_space<hbm>>
        %dma_start3A_153 = arith.constant 0 : i32
        %dma_start3A_154 = arith.constant 0 : i32
        %dma_start3A_155 = tpu.memref_slice %dma_start3A_152[%dma_start3A_153, %dma_start3A_154] : memref<10240x64xbf16, #tpu.memory_space<hbm>> -> memref<10240x64xbf16, #tpu.memory_space<hbm>>
        tpu.enqueue_indirect_dma source(%dma_start3A_155 : memref<10240x64xbf16, #tpu.memory_space<hbm>>) target(%arg12 : memref<128x64xbf16, #tpu.memory_space<vmem>>) offsets(%dma_start3A_148 : memref<128xi32, #tpu.memory_space<vmem>>) semaphore(%arg18 : memref<!tpu.dma_semaphore, #tpu.memory_space<semaphore_mem>>)
        %dma_start3A_156 = arith.constant 0 : i32
        %dma_start3A_157 = tpu.memref_slice %arg9[%add3A_145, %dma_start3A_156] : memref<158x128xi32, #tpu.memory_space<vmem>> -> memref<1x128xi32, #tpu.memory_space<vmem>>
        %dma_start3A_158 = tpu.memref_squeeze %dma_start3A_157 : memref<1x128xi32, #tpu.memory_space<vmem>> -> memref<128xi32, #tpu.memory_space<vmem>>
        %dma_start3A_159 = arith.constant 0 : i32
        %dma_start3A_160 = arith.constant 0 : i32
        %dma_start3A_161 = tpu.memref_slice %arg5[%arg0, %dma_start3A_159, %dma_start3A_160] : memref<2x10240x64xbf16, #tpu.memory_space<hbm>> -> memref<1x10240x64xbf16, #tpu.memory_space<hbm>>
        %dma_start3A_162 = tpu.memref_squeeze %dma_start3A_161 : memref<1x10240x64xbf16, #tpu.memory_space<hbm>> -> memref<10240x64xbf16, #tpu.memory_space<hbm>>
        %dma_start3A_163 = arith.constant 0 : i32
        %dma_start3A_164 = arith.constant 0 : i32
        %dma_start3A_165 = tpu.memref_slice %dma_start3A_162[%dma_start3A_163, %dma_start3A_164] : memref<10240x64xbf16, #tpu.memory_space<hbm>> -> memref<10240x64xbf16, #tpu.memory_space<hbm>>
        tpu.enqueue_indirect_dma source(%dma_start3A_165 : memref<10240x64xbf16, #tpu.memory_space<hbm>>) target(%arg13 : memref<128x64xbf16, #tpu.memory_space<vmem>>) offsets(%dma_start3A_158 : memref<128xi32, #tpu.memory_space<vmem>>) semaphore(%arg18 : memref<!tpu.dma_semaphore, #tpu.memory_space<semaphore_mem>>)
      } else {
      }
      %ge3A_133 = arith.constant 1 : i32
      %ge3A_134 = arith.cmpi sge, %add3A_102, %ge3A_133 : i32
      %convert_element_type3A_135 = arith.extui %ge3A_134 : i1 to i32
      %cond3A_136 = arith.constant 0 : i32
      %cond3A_137 = arith.cmpi ne, %convert_element_type3A_135, %cond3A_136 : i32
      scf.if %cond3A_137 {
        %sub3A = arith.constant 1 : i32
        %sub3A_144 = arith.subi %add3A_102, %sub3A : i32
        %dma_wait3A_145 = arith.constant 0 : i32
        %dma_wait3A_146 = tpu.memref_slice %arg8[%sub3A_144, %dma_wait3A_145] : memref<158x128xi32, #tpu.memory_space<vmem>> -> memref<1x128xi32, #tpu.memory_space<vmem>>
        %dma_wait3A_147 = tpu.memref_squeeze %dma_wait3A_146 : memref<1x128xi32, #tpu.memory_space<vmem>> -> memref<128xi32, #tpu.memory_space<vmem>>
        %dma_wait3A_148 = arith.constant 0 : i32
        %dma_wait3A_149 = arith.constant 0 : i32
        %dma_wait3A_150 = tpu.memref_slice %arg16[%dma_wait3A_148, %dma_wait3A_149] : memref<10240x64xf32, #tpu.memory_space<vmem_shared>> -> memref<10240x64xf32, #tpu.memory_space<vmem_shared>>
        tpu.wait_indirect_dma semaphore(%arg19 : memref<!tpu.dma_semaphore, #tpu.memory_space<semaphore_mem>>) src(%arg14 : memref<128x64xf32, #tpu.memory_space<vmem>>) dst(%dma_wait3A_150 : memref<10240x64xf32, #tpu.memory_space<vmem_shared>>)
      } else {
      }
      %dma_start3A_138 = arith.constant 0 : i32
      %dma_start3A_139 = tpu.memref_slice %arg8[%add3A_102, %dma_start3A_138] : memref<158x128xi32, #tpu.memory_space<vmem>> -> memref<1x128xi32, #tpu.memory_space<vmem>>
      %dma_start3A_140 = tpu.memref_squeeze %dma_start3A_139 : memref<1x128xi32, #tpu.memory_space<vmem>> -> memref<128xi32, #tpu.memory_space<vmem>>
      %dma_start3A_141 = arith.constant 0 : i32
      %dma_start3A_142 = arith.constant 0 : i32
      %dma_start3A_143 = tpu.memref_slice %arg16[%dma_start3A_141, %dma_start3A_142] : memref<10240x64xf32, #tpu.memory_space<vmem_shared>> -> memref<10240x64xf32, #tpu.memory_space<vmem_shared>>
      tpu.enqueue_indirect_dma source(%arg15 : memref<128x64xf32, #tpu.memory_space<vmem>>) target(%dma_start3A_143 : memref<10240x64xf32, #tpu.memory_space<vmem_shared>>) offsets(%dma_start3A_140 : memref<128xi32, #tpu.memory_space<vmem>>) semaphore(%arg19 : memref<!tpu.dma_semaphore, #tpu.memory_space<semaphore_mem>>) {add = true}
    }
    %scan3A_47 = arith.constant 79 : i32
    %dma_wait3A = arith.constant 157 : i32
    %dma_wait3A_48 = arith.constant 0 : i32
    %dma_wait3A_49 = tpu.memref_slice %arg8[%dma_wait3A, %dma_wait3A_48] : memref<158x128xi32, #tpu.memory_space<vmem>> -> memref<1x128xi32, #tpu.memory_space<vmem>>
    %dma_wait3A_50 = tpu.memref_squeeze %dma_wait3A_49 : memref<1x128xi32, #tpu.memory_space<vmem>> -> memref<128xi32, #tpu.memory_space<vmem>>
    %dma_wait3A_51 = arith.constant 0 : i32
    %dma_wait3A_52 = arith.constant 0 : i32
    %dma_wait3A_53 = tpu.memref_slice %arg16[%dma_wait3A_51, %dma_wait3A_52] : memref<10240x64xf32, #tpu.memory_space<vmem_shared>> -> memref<10240x64xf32, #tpu.memory_space<vmem_shared>>
    tpu.wait_indirect_dma semaphore(%arg19 : memref<!tpu.dma_semaphore, #tpu.memory_space<semaphore_mem>>) src(%arg15 : memref<128x64xf32, #tpu.memory_space<vmem>>) dst(%dma_wait3A_53 : memref<10240x64xf32, #tpu.memory_space<vmem_shared>>)
    %barrier3A_54 = arith.constant 0 : index
    tpu.barrier barrier_id(%barrier3A_54)
    %mul3A_55 = arith.constant 640 : i32
    %mul3A_56 = arith.muli %arg1, %mul3A_55 : i32
    %mul3A_57 = arith.constant 640 : i32
    %mul3A_58 = arith.muli %arg1, %mul3A_57 : i32
    "tpu.region"() ({
      %run_scoped3A = tpu.sem_alloc : memref<!tpu.dma_semaphore, #tpu.memory_space<semaphore_mem>>
      %dma_start3A_59 = arith.constant 0 : i32
      %dma_start3A_60 = tpu.memref_slice %arg7[%arg0, %mul3A_58, %dma_start3A_59] : memref<2x10240x64xf32, #tpu.memory_space<hbm>> -> memref<1x640x64xf32, #tpu.memory_space<hbm>>
      %dma_start3A_61 = tpu.memref_squeeze %dma_start3A_60 : memref<1x640x64xf32, #tpu.memory_space<hbm>> -> memref<640x64xf32, #tpu.memory_space<hbm>>
      %dma_start3A_62 = arith.constant 0 : i32
      %dma_start3A_63 = tpu.memref_slice %arg16[%mul3A_56, %dma_start3A_62] : memref<10240x64xf32, #tpu.memory_space<vmem_shared>> -> memref<640x64xf32, #tpu.memory_space<vmem_shared>>
      tpu.enqueue_dma source(%dma_start3A_63 : memref<640x64xf32, #tpu.memory_space<vmem_shared>>) target(%dma_start3A_61 : memref<640x64xf32, #tpu.memory_space<hbm>>) target_semaphore(%run_scoped3A : memref<!tpu.dma_semaphore, #tpu.memory_space<semaphore_mem>>)
      %dma_wait3A_64 = arith.constant 0 : i32
      %dma_wait3A_65 = tpu.memref_slice %arg7[%arg0, %mul3A_58, %dma_wait3A_64] : memref<2x10240x64xf32, #tpu.memory_space<hbm>> -> memref<1x640x64xf32, #tpu.memory_space<hbm>>
      %dma_wait3A_66 = tpu.memref_squeeze %dma_wait3A_65 : memref<1x640x64xf32, #tpu.memory_space<hbm>> -> memref<640x64xf32, #tpu.memory_space<hbm>>
      %dma_wait3A_67 = arith.constant 0 : i32
      %dma_wait3A_68 = tpu.memref_slice %arg16[%mul3A_56, %dma_wait3A_67] : memref<10240x64xf32, #tpu.memory_space<vmem_shared>> -> memref<640x64xf32, #tpu.memory_space<vmem_shared>>
      tpu.wait_dma2 semaphore(%run_scoped3A : memref<!tpu.dma_semaphore, #tpu.memory_space<semaphore_mem>>) src(%dma_wait3A_68 : memref<640x64xf32, #tpu.memory_space<vmem_shared>>) dst(%dma_wait3A_66 : memref<640x64xf32, #tpu.memory_space<hbm>>)
      tpu.yield
    }) : () -> ()
    return
  }
}

#map = affine_map<(d0, d1) -> (0, 0, 0)>
#map1 = affine_map<(d0, d1) -> (0, 0)>
module attributes {stable_mosaic.version = 14 : i64} {
  func.func @_edge_call(%arg0: i32, %arg1: i32, %arg2: memref<16x158x128xi32, #tpu.memory_space<hbm>>, %arg3: memref<16x158x128xi32, #tpu.memory_space<hbm>>, %arg4: memref<2x10240x64xbf16, #tpu.memory_space<hbm>>, %arg5: memref<2x10240x64xbf16, #tpu.memory_space<hbm>>, %arg6: memref<640x64xf32, #tpu.memory_space<hbm>>, %arg7: memref<2x10240x64xf32, #tpu.memory_space<hbm>>, %arg8: memref<158x128xi32, #tpu.memory_space<vmem>>, %arg9: memref<158x128xi32, #tpu.memory_space<vmem>>, %arg10: memref<128x64xbf16, #tpu.memory_space<vmem>>, %arg11: memref<128x64xbf16, #tpu.memory_space<vmem>>, %arg12: memref<128x64xbf16, #tpu.memory_space<vmem>>, %arg13: memref<128x64xbf16, #tpu.memory_space<vmem>>, %arg14: memref<128x64xf32, #tpu.memory_space<vmem>>, %arg15: memref<128x64xf32, #tpu.memory_space<vmem>>, %arg16: memref<10240x64xf32, #tpu.memory_space<vmem_shared>>, %arg17: memref<!tpu.dma_semaphore, #tpu.memory_space<semaphore_mem>>, %arg18: memref<!tpu.dma_semaphore, #tpu.memory_space<semaphore_mem>>, %arg19: memref<!tpu.dma_semaphore, #tpu.memory_space<semaphore_mem>>) attributes {dimension_semantics = [#tpu.dimension_semantics<core_parallel>, #tpu.dimension_semantics<subcore_parallel>], iteration_bounds = array<i64: 2, 16>, scalar_prefetch = 0 : i64, scratch_operands = 12 : i64, tpu.core_type = #tpu.core_type<sc_vector_subcore>, window_params = [{transform_indices = #map}, {transform_indices = #map}, {transform_indices = #map}, {transform_indices = #map}, {transform_indices = #map1}, {transform_indices = #map}]} {
    "tpu.region"() ({
      %run_scoped3A = tpu.sem_alloc : memref<!tpu.dma_semaphore, #tpu.memory_space<semaphore_mem>>
      %dma_start3A_59 = arith.constant 0 : i32
      %dma_start3A_60 = arith.constant 0 : i32
      %dma_start3A_61 = tpu.memref_slice %arg2[%arg1, %dma_start3A_59, %dma_start3A_60] : memref<16x158x128xi32, #tpu.memory_space<hbm>> -> memref<1x158x128xi32, #tpu.memory_space<hbm>>
      %dma_start3A_62 = tpu.memref_squeeze %dma_start3A_61 : memref<1x158x128xi32, #tpu.memory_space<hbm>> -> memref<158x128xi32, #tpu.memory_space<hbm>>
      %dma_start3A_63 = arith.constant 0 : i32
      %dma_start3A_64 = arith.constant 0 : i32
      %dma_start3A_65 = tpu.memref_slice %arg2[%arg1, %dma_start3A_63, %dma_start3A_64] : memref<16x158x128xi32, #tpu.memory_space<hbm>> -> memref<1x158x128xi32, #tpu.memory_space<hbm>>
      %dma_start3A_66 = tpu.memref_squeeze %dma_start3A_65 : memref<1x158x128xi32, #tpu.memory_space<hbm>> -> memref<158x128xi32, #tpu.memory_space<hbm>>
      tpu.enqueue_dma source(%dma_start3A_66 : memref<158x128xi32, #tpu.memory_space<hbm>>) target(%arg8 : memref<158x128xi32, #tpu.memory_space<vmem>>) target_semaphore(%run_scoped3A : memref<!tpu.dma_semaphore, #tpu.memory_space<semaphore_mem>>)
      %dma_wait3A_67 = arith.constant 0 : i32
      %dma_wait3A_68 = arith.constant 0 : i32
      %dma_wait3A_69 = tpu.memref_slice %arg2[%arg1, %dma_wait3A_67, %dma_wait3A_68] : memref<16x158x128xi32, #tpu.memory_space<hbm>> -> memref<1x158x128xi32, #tpu.memory_space<hbm>>
      %dma_wait3A_70 = tpu.memref_squeeze %dma_wait3A_69 : memref<1x158x128xi32, #tpu.memory_space<hbm>> -> memref<158x128xi32, #tpu.memory_space<hbm>>
      %dma_wait3A_71 = arith.constant 0 : i32
      %dma_wait3A_72 = arith.constant 0 : i32
      %dma_wait3A_73 = tpu.memref_slice %arg2[%arg1, %dma_wait3A_71, %dma_wait3A_72] : memref<16x158x128xi32, #tpu.memory_space<hbm>> -> memref<1x158x128xi32, #tpu.memory_space<hbm>>
      %dma_wait3A_74 = tpu.memref_squeeze %dma_wait3A_73 : memref<1x158x128xi32, #tpu.memory_space<hbm>> -> memref<158x128xi32, #tpu.memory_space<hbm>>
      tpu.wait_dma2 semaphore(%run_scoped3A : memref<!tpu.dma_semaphore, #tpu.memory_space<semaphore_mem>>) src(%dma_wait3A_74 : memref<158x128xi32, #tpu.memory_space<hbm>>) dst(%arg8 : memref<158x128xi32, #tpu.memory_space<vmem>>)
      tpu.yield
    }) : () -> ()
    "tpu.region"() ({
      %run_scoped3A = tpu.sem_alloc : memref<!tpu.dma_semaphore, #tpu.memory_space<semaphore_mem>>
      %dma_start3A_59 = arith.constant 0 : i32
      %dma_start3A_60 = arith.constant 0 : i32
      %dma_start3A_61 = tpu.memref_slice %arg3[%arg1, %dma_start3A_59, %dma_start3A_60] : memref<16x158x128xi32, #tpu.memory_space<hbm>> -> memref<1x158x128xi32, #tpu.memory_space<hbm>>
      %dma_start3A_62 = tpu.memref_squeeze %dma_start3A_61 : memref<1x158x128xi32, #tpu.memory_space<hbm>> -> memref<158x128xi32, #tpu.memory_space<hbm>>
      %dma_start3A_63 = arith.constant 0 : i32
      %dma_start3A_64 = arith.constant 0 : i32
      %dma_start3A_65 = tpu.memref_slice %arg3[%arg1, %dma_start3A_63, %dma_start3A_64] : memref<16x158x128xi32, #tpu.memory_space<hbm>> -> memref<1x158x128xi32, #tpu.memory_space<hbm>>
      %dma_start3A_66 = tpu.memref_squeeze %dma_start3A_65 : memref<1x158x128xi32, #tpu.memory_space<hbm>> -> memref<158x128xi32, #tpu.memory_space<hbm>>
      tpu.enqueue_dma source(%dma_start3A_66 : memref<158x128xi32, #tpu.memory_space<hbm>>) target(%arg9 : memref<158x128xi32, #tpu.memory_space<vmem>>) target_semaphore(%run_scoped3A : memref<!tpu.dma_semaphore, #tpu.memory_space<semaphore_mem>>)
      %dma_wait3A_67 = arith.constant 0 : i32
      %dma_wait3A_68 = arith.constant 0 : i32
      %dma_wait3A_69 = tpu.memref_slice %arg3[%arg1, %dma_wait3A_67, %dma_wait3A_68] : memref<16x158x128xi32, #tpu.memory_space<hbm>> -> memref<1x158x128xi32, #tpu.memory_space<hbm>>
      %dma_wait3A_70 = tpu.memref_squeeze %dma_wait3A_69 : memref<1x158x128xi32, #tpu.memory_space<hbm>> -> memref<158x128xi32, #tpu.memory_space<hbm>>
      %dma_wait3A_71 = arith.constant 0 : i32
      %dma_wait3A_72 = arith.constant 0 : i32
      %dma_wait3A_73 = tpu.memref_slice %arg3[%arg1, %dma_wait3A_71, %dma_wait3A_72] : memref<16x158x128xi32, #tpu.memory_space<hbm>> -> memref<1x158x128xi32, #tpu.memory_space<hbm>>
      %dma_wait3A_74 = tpu.memref_squeeze %dma_wait3A_73 : memref<1x158x128xi32, #tpu.memory_space<hbm>> -> memref<158x128xi32, #tpu.memory_space<hbm>>
      tpu.wait_dma2 semaphore(%run_scoped3A : memref<!tpu.dma_semaphore, #tpu.memory_space<semaphore_mem>>) src(%dma_wait3A_74 : memref<158x128xi32, #tpu.memory_space<hbm>>) dst(%arg9 : memref<158x128xi32, #tpu.memory_space<vmem>>)
      tpu.yield
    }) : () -> ()
    %mul3A = arith.constant 640 : i32
    %mul3A_0 = arith.muli %arg1, %mul3A : i32
    "tpu.region"() ({
      %run_scoped3A = tpu.sem_alloc : memref<!tpu.dma_semaphore, #tpu.memory_space<semaphore_mem>>
      %dma_start3A_59 = arith.constant 0 : i32
      %dma_start3A_60 = tpu.memref_slice %arg16[%mul3A_0, %dma_start3A_59] : memref<10240x64xf32, #tpu.memory_space<vmem_shared>> -> memref<640x64xf32, #tpu.memory_space<vmem_shared>>
      tpu.enqueue_dma source(%arg6 : memref<640x64xf32, #tpu.memory_space<hbm>>) target(%dma_start3A_60 : memref<640x64xf32, #tpu.memory_space<vmem_shared>>) target_semaphore(%run_scoped3A : memref<!tpu.dma_semaphore, #tpu.memory_space<semaphore_mem>>)
      %dma_wait3A_61 = arith.constant 0 : i32
      %dma_wait3A_62 = tpu.memref_slice %arg16[%mul3A_0, %dma_wait3A_61] : memref<10240x64xf32, #tpu.memory_space<vmem_shared>> -> memref<640x64xf32, #tpu.memory_space<vmem_shared>>
      tpu.wait_dma2 semaphore(%run_scoped3A : memref<!tpu.dma_semaphore, #tpu.memory_space<semaphore_mem>>) src(%arg6 : memref<640x64xf32, #tpu.memory_space<hbm>>) dst(%dma_wait3A_62 : memref<640x64xf32, #tpu.memory_space<vmem_shared>>)
      tpu.yield
    }) : () -> ()
    %barrier3A = arith.constant 0 : index
    tpu.barrier barrier_id(%barrier3A)
    %dma_start3A = arith.constant 0 : i32
    %dma_start3A_1 = arith.constant 0 : i32
    %dma_start3A_2 = tpu.memref_slice %arg8[%dma_start3A, %dma_start3A_1] : memref<158x128xi32, #tpu.memory_space<vmem>> -> memref<1x128xi32, #tpu.memory_space<vmem>>
    %dma_start3A_3 = tpu.memref_squeeze %dma_start3A_2 : memref<1x128xi32, #tpu.memory_space<vmem>> -> memref<128xi32, #tpu.memory_space<vmem>>
    %dma_start3A_4 = arith.constant 0 : i32
    %dma_start3A_5 = arith.constant 0 : i32
    %dma_start3A_6 = tpu.memref_slice %arg4[%arg0, %dma_start3A_4, %dma_start3A_5] : memref<2x10240x64xbf16, #tpu.memory_space<hbm>> -> memref<1x10240x64xbf16, #tpu.memory_space<hbm>>
    %dma_start3A_7 = tpu.memref_squeeze %dma_start3A_6 : memref<1x10240x64xbf16, #tpu.memory_space<hbm>> -> memref<10240x64xbf16, #tpu.memory_space<hbm>>
    %dma_start3A_8 = arith.constant 0 : i32
    %dma_start3A_9 = arith.constant 0 : i32
    %dma_start3A_10 = tpu.memref_slice %dma_start3A_7[%dma_start3A_8, %dma_start3A_9] : memref<10240x64xbf16, #tpu.memory_space<hbm>> -> memref<10240x64xbf16, #tpu.memory_space<hbm>>
    tpu.enqueue_indirect_dma source(%dma_start3A_10 : memref<10240x64xbf16, #tpu.memory_space<hbm>>) target(%arg10 : memref<128x64xbf16, #tpu.memory_space<vmem>>) offsets(%dma_start3A_3 : memref<128xi32, #tpu.memory_space<vmem>>) semaphore(%arg17 : memref<!tpu.dma_semaphore, #tpu.memory_space<semaphore_mem>>)
    %dma_start3A_11 = arith.constant 0 : i32
    %dma_start3A_12 = arith.constant 0 : i32
    %dma_start3A_13 = tpu.memref_slice %arg9[%dma_start3A_11, %dma_start3A_12] : memref<158x128xi32, #tpu.memory_space<vmem>> -> memref<1x128xi32, #tpu.memory_space<vmem>>
    %dma_start3A_14 = tpu.memref_squeeze %dma_start3A_13 : memref<1x128xi32, #tpu.memory_space<vmem>> -> memref<128xi32, #tpu.memory_space<vmem>>
    %dma_start3A_15 = arith.constant 0 : i32
    %dma_start3A_16 = arith.constant 0 : i32
    %dma_start3A_17 = tpu.memref_slice %arg5[%arg0, %dma_start3A_15, %dma_start3A_16] : memref<2x10240x64xbf16, #tpu.memory_space<hbm>> -> memref<1x10240x64xbf16, #tpu.memory_space<hbm>>
    %dma_start3A_18 = tpu.memref_squeeze %dma_start3A_17 : memref<1x10240x64xbf16, #tpu.memory_space<hbm>> -> memref<10240x64xbf16, #tpu.memory_space<hbm>>
    %dma_start3A_19 = arith.constant 0 : i32
    %dma_start3A_20 = arith.constant 0 : i32
    %dma_start3A_21 = tpu.memref_slice %dma_start3A_18[%dma_start3A_19, %dma_start3A_20] : memref<10240x64xbf16, #tpu.memory_space<hbm>> -> memref<10240x64xbf16, #tpu.memory_space<hbm>>
    tpu.enqueue_indirect_dma source(%dma_start3A_21 : memref<10240x64xbf16, #tpu.memory_space<hbm>>) target(%arg11 : memref<128x64xbf16, #tpu.memory_space<vmem>>) offsets(%dma_start3A_14 : memref<128xi32, #tpu.memory_space<vmem>>) semaphore(%arg17 : memref<!tpu.dma_semaphore, #tpu.memory_space<semaphore_mem>>)
    %dma_start3A_22 = arith.constant 1 : i32
    %dma_start3A_23 = arith.constant 0 : i32
    %dma_start3A_24 = tpu.memref_slice %arg8[%dma_start3A_22, %dma_start3A_23] : memref<158x128xi32, #tpu.memory_space<vmem>> -> memref<1x128xi32, #tpu.memory_space<vmem>>
    %dma_start3A_25 = tpu.memref_squeeze %dma_start3A_24 : memref<1x128xi32, #tpu.memory_space<vmem>> -> memref<128xi32, #tpu.memory_space<vmem>>
    %dma_start3A_26 = arith.constant 0 : i32
    %dma_start3A_27 = arith.constant 0 : i32
    %dma_start3A_28 = tpu.memref_slice %arg4[%arg0, %dma_start3A_26, %dma_start3A_27] : memref<2x10240x64xbf16, #tpu.memory_space<hbm>> -> memref<1x10240x64xbf16, #tpu.memory_space<hbm>>
    %dma_start3A_29 = tpu.memref_squeeze %dma_start3A_28 : memref<1x10240x64xbf16, #tpu.memory_space<hbm>> -> memref<10240x64xbf16, #tpu.memory_space<hbm>>
    %dma_start3A_30 = arith.constant 0 : i32
    %dma_start3A_31 = arith.constant 0 : i32
    %dma_start3A_32 = tpu.memref_slice %dma_start3A_29[%dma_start3A_30, %dma_start3A_31] : memref<10240x64xbf16, #tpu.memory_space<hbm>> -> memref<10240x64xbf16, #tpu.memory_space<hbm>>
    tpu.enqueue_indirect_dma source(%dma_start3A_32 : memref<10240x64xbf16, #tpu.memory_space<hbm>>) target(%arg12 : memref<128x64xbf16, #tpu.memory_space<vmem>>) offsets(%dma_start3A_25 : memref<128xi32, #tpu.memory_space<vmem>>) semaphore(%arg18 : memref<!tpu.dma_semaphore, #tpu.memory_space<semaphore_mem>>)
    %dma_start3A_33 = arith.constant 1 : i32
    %dma_start3A_34 = arith.constant 0 : i32
    %dma_start3A_35 = tpu.memref_slice %arg9[%dma_start3A_33, %dma_start3A_34] : memref<158x128xi32, #tpu.memory_space<vmem>> -> memref<1x128xi32, #tpu.memory_space<vmem>>
    %dma_start3A_36 = tpu.memref_squeeze %dma_start3A_35 : memref<1x128xi32, #tpu.memory_space<vmem>> -> memref<128xi32, #tpu.memory_space<vmem>>
    %dma_start3A_37 = arith.constant 0 : i32
    %dma_start3A_38 = arith.constant 0 : i32
    %dma_start3A_39 = tpu.memref_slice %arg5[%arg0, %dma_start3A_37, %dma_start3A_38] : memref<2x10240x64xbf16, #tpu.memory_space<hbm>> -> memref<1x10240x64xbf16, #tpu.memory_space<hbm>>
    %dma_start3A_40 = tpu.memref_squeeze %dma_start3A_39 : memref<1x10240x64xbf16, #tpu.memory_space<hbm>> -> memref<10240x64xbf16, #tpu.memory_space<hbm>>
    %dma_start3A_41 = arith.constant 0 : i32
    %dma_start3A_42 = arith.constant 0 : i32
    %dma_start3A_43 = tpu.memref_slice %dma_start3A_40[%dma_start3A_41, %dma_start3A_42] : memref<10240x64xbf16, #tpu.memory_space<hbm>> -> memref<10240x64xbf16, #tpu.memory_space<hbm>>
    tpu.enqueue_indirect_dma source(%dma_start3A_43 : memref<10240x64xbf16, #tpu.memory_space<hbm>>) target(%arg13 : memref<128x64xbf16, #tpu.memory_space<vmem>>) offsets(%dma_start3A_36 : memref<128xi32, #tpu.memory_space<vmem>>) semaphore(%arg18 : memref<!tpu.dma_semaphore, #tpu.memory_space<semaphore_mem>>)
    %scan3A = arith.constant 0 : i32
    %scan3A_44 = arith.constant 79 : i32
    %scan3A_45 = arith.addi %scan3A, %scan3A_44 : i32
    %scan3A_46 = arith.constant 1 : i32
    scf.for %scan3A_59 = %scan3A to %scan3A_45 step %scan3A_46  : i32 {
      %mul3A_60 = arith.constant 2 : i32
      %mul3A_61 = arith.muli %scan3A_59, %mul3A_60 : i32
      %add3A = arith.constant 0 : i32
      %add3A_62 = arith.addi %add3A, %mul3A_61 : i32
      %add3A_63 = arith.constant 0 : i32
      %add3A_64 = arith.addi %add3A_62, %add3A_63 : i32
      %dma_wait3A_65 = arith.constant 0 : i32
      %dma_wait3A_66 = tpu.memref_slice %arg8[%add3A_64, %dma_wait3A_65] : memref<158x128xi32, #tpu.memory_space<vmem>> -> memref<1x128xi32, #tpu.memory_space<vmem>>
      %dma_wait3A_67 = tpu.memref_squeeze %dma_wait3A_66 : memref<1x128xi32, #tpu.memory_space<vmem>> -> memref<128xi32, #tpu.memory_space<vmem>>
      %dma_wait3A_68 = arith.constant 0 : i32
      %dma_wait3A_69 = arith.constant 0 : i32
      %dma_wait3A_70 = tpu.memref_slice %arg4[%arg0, %dma_wait3A_68, %dma_wait3A_69] : memref<2x10240x64xbf16, #tpu.memory_space<hbm>> -> memref<1x10240x64xbf16, #tpu.memory_space<hbm>>
      %dma_wait3A_71 = tpu.memref_squeeze %dma_wait3A_70 : memref<1x10240x64xbf16, #tpu.memory_space<hbm>> -> memref<10240x64xbf16, #tpu.memory_space<hbm>>
      %dma_wait3A_72 = arith.constant 0 : i32
      %dma_wait3A_73 = arith.constant 0 : i32
      %dma_wait3A_74 = tpu.memref_slice %dma_wait3A_71[%dma_wait3A_72, %dma_wait3A_73] : memref<10240x64xbf16, #tpu.memory_space<hbm>> -> memref<10240x64xbf16, #tpu.memory_space<hbm>>
      tpu.wait_indirect_dma semaphore(%arg17 : memref<!tpu.dma_semaphore, #tpu.memory_space<semaphore_mem>>) src(%dma_wait3A_74 : memref<10240x64xbf16, #tpu.memory_space<hbm>>) dst(%arg10 : memref<128x64xbf16, #tpu.memory_space<vmem>>)
      %dma_wait3A_75 = arith.constant 0 : i32
      %dma_wait3A_76 = tpu.memref_slice %arg9[%add3A_64, %dma_wait3A_75] : memref<158x128xi32, #tpu.memory_space<vmem>> -> memref<1x128xi32, #tpu.memory_space<vmem>>
      %dma_wait3A_77 = tpu.memref_squeeze %dma_wait3A_76 : memref<1x128xi32, #tpu.memory_space<vmem>> -> memref<128xi32, #tpu.memory_space<vmem>>
      %dma_wait3A_78 = arith.constant 0 : i32
      %dma_wait3A_79 = arith.constant 0 : i32
      %dma_wait3A_80 = tpu.memref_slice %arg5[%arg0, %dma_wait3A_78, %dma_wait3A_79] : memref<2x10240x64xbf16, #tpu.memory_space<hbm>> -> memref<1x10240x64xbf16, #tpu.memory_space<hbm>>
      %dma_wait3A_81 = tpu.memref_squeeze %dma_wait3A_80 : memref<1x10240x64xbf16, #tpu.memory_space<hbm>> -> memref<10240x64xbf16, #tpu.memory_space<hbm>>
      %dma_wait3A_82 = arith.constant 0 : i32
      %dma_wait3A_83 = arith.constant 0 : i32
      %dma_wait3A_84 = tpu.memref_slice %dma_wait3A_81[%dma_wait3A_82, %dma_wait3A_83] : memref<10240x64xbf16, #tpu.memory_space<hbm>> -> memref<10240x64xbf16, #tpu.memory_space<hbm>>
      tpu.wait_indirect_dma semaphore(%arg17 : memref<!tpu.dma_semaphore, #tpu.memory_space<semaphore_mem>>) src(%dma_wait3A_84 : memref<10240x64xbf16, #tpu.memory_space<hbm>>) dst(%arg11 : memref<128x64xbf16, #tpu.memory_space<vmem>>)
      %parallel_loop3A = arith.constant 0 : i32
      %parallel_loop3A_85 = arith.constant 128 : i32
      %parallel_loop3A_86 = arith.constant 1 : i32
      scf.for %parallel_loop3A_144 = %parallel_loop3A to %parallel_loop3A_85 step %parallel_loop3A_86  : i32 {
        %parallel_loop3A_145 = arith.index_cast %parallel_loop3A_144 : i32 to index
        %parallel_loop3A_146 = arith.constant 0 : index
        %parallel_loop3A_147 = tpu.vector_load %arg10[%parallel_loop3A_145, %parallel_loop3A_146] {strides = array<i32>} : memref<128x64xbf16, #tpu.memory_space<vmem>>, vector<32xbf16>,
        %parallel_loop3A_148 = arith.index_cast %parallel_loop3A_144 : i32 to index
        %parallel_loop3A_149 = arith.constant 0 : index
        %parallel_loop3A_150 = tpu.vector_load %arg11[%parallel_loop3A_148, %parallel_loop3A_149] {strides = array<i32>} : memref<128x64xbf16, #tpu.memory_space<vmem>>, vector<32xbf16>,
        %parallel_loop3A_151 = arith.addf %parallel_loop3A_147, %parallel_loop3A_150 : vector<32xbf16>
        %parallel_loop3A_152 = arith.constant 0.000000e+00 : bf16
        %parallel_loop3A_153 = vector.broadcast %parallel_loop3A_152 : bf16 to vector<32xbf16>
        %parallel_loop3A_154 = arith.maximumf %parallel_loop3A_151, %parallel_loop3A_153 : vector<32xbf16>
        %parallel_loop3A_155 = tpu.unpack_subelements %parallel_loop3A_154, 0 {pack_format = #tpu.pack_format<interleaved>} : vector<32xbf16> -> vector<16xf32>
        %parallel_loop3A_156 = tpu.unpack_subelements %parallel_loop3A_154, 1 {pack_format = #tpu.pack_format<interleaved>} : vector<32xbf16> -> vector<16xf32>
        %parallel_loop3A_157 = arith.index_cast %parallel_loop3A_144 : i32 to index
        %parallel_loop3A_158 = arith.constant 0 : index
        %parallel_loop3A_159 = tpu.vector_load %arg14[%parallel_loop3A_157, %parallel_loop3A_158] {strides = array<i32>} : memref<128x64xf32, #tpu.memory_space<vmem>>, vector<16xf32>,
        tpu.vector_store %arg14[%parallel_loop3A_157, %parallel_loop3A_158], %parallel_loop3A_155 {strides = array<i32>} : memref<128x64xf32, #tpu.memory_space<vmem>>, vector<16xf32>,
        %parallel_loop3A_160 = arith.index_cast %parallel_loop3A_144 : i32 to index
        %parallel_loop3A_161 = arith.constant 16 : index
        %parallel_loop3A_162 = tpu.vector_load %arg14[%parallel_loop3A_160, %parallel_loop3A_161] {strides = array<i32>} : memref<128x64xf32, #tpu.memory_space<vmem>>, vector<16xf32>,
        tpu.vector_store %arg14[%parallel_loop3A_160, %parallel_loop3A_161], %parallel_loop3A_156 {strides = array<i32>} : memref<128x64xf32, #tpu.memory_space<vmem>>, vector<16xf32>,
        %parallel_loop3A_163 = arith.index_cast %parallel_loop3A_144 : i32 to index
        %parallel_loop3A_164 = arith.constant 32 : index
        %parallel_loop3A_165 = tpu.vector_load %arg10[%parallel_loop3A_163, %parallel_loop3A_164] {strides = array<i32>} : memref<128x64xbf16, #tpu.memory_space<vmem>>, vector<32xbf16>,
        %parallel_loop3A_166 = arith.index_cast %parallel_loop3A_144 : i32 to index
        %parallel_loop3A_167 = arith.constant 32 : index
        %parallel_loop3A_168 = tpu.vector_load %arg11[%parallel_loop3A_166, %parallel_loop3A_167] {strides = array<i32>} : memref<128x64xbf16, #tpu.memory_space<vmem>>, vector<32xbf16>,
        %parallel_loop3A_169 = arith.addf %parallel_loop3A_165, %parallel_loop3A_168 : vector<32xbf16>
        %parallel_loop3A_170 = arith.constant 0.000000e+00 : bf16
        %parallel_loop3A_171 = vector.broadcast %parallel_loop3A_170 : bf16 to vector<32xbf16>
        %parallel_loop3A_172 = arith.maximumf %parallel_loop3A_169, %parallel_loop3A_171 : vector<32xbf16>
        %parallel_loop3A_173 = tpu.unpack_subelements %parallel_loop3A_172, 0 {pack_format = #tpu.pack_format<interleaved>} : vector<32xbf16> -> vector<16xf32>
        %parallel_loop3A_174 = tpu.unpack_subelements %parallel_loop3A_172, 1 {pack_format = #tpu.pack_format<interleaved>} : vector<32xbf16> -> vector<16xf32>
        %parallel_loop3A_175 = arith.index_cast %parallel_loop3A_144 : i32 to index
        %parallel_loop3A_176 = arith.constant 32 : index
        %parallel_loop3A_177 = tpu.vector_load %arg14[%parallel_loop3A_175, %parallel_loop3A_176] {strides = array<i32>} : memref<128x64xf32, #tpu.memory_space<vmem>>, vector<16xf32>,
        tpu.vector_store %arg14[%parallel_loop3A_175, %parallel_loop3A_176], %parallel_loop3A_173 {strides = array<i32>} : memref<128x64xf32, #tpu.memory_space<vmem>>, vector<16xf32>,
        %parallel_loop3A_178 = arith.index_cast %parallel_loop3A_144 : i32 to index
        %parallel_loop3A_179 = arith.constant 48 : index
        %parallel_loop3A_180 = tpu.vector_load %arg14[%parallel_loop3A_178, %parallel_loop3A_179] {strides = array<i32>} : memref<128x64xf32, #tpu.memory_space<vmem>>, vector<16xf32>,
        tpu.vector_store %arg14[%parallel_loop3A_178, %parallel_loop3A_179], %parallel_loop3A_174 {strides = array<i32>} : memref<128x64xf32, #tpu.memory_space<vmem>>, vector<16xf32>,
      } {sc.loop_unroll_factor = 4 : i64, sc.parallel_access}
      %add3A_87 = arith.constant 2 : i32
      %add3A_88 = arith.addi %add3A_64, %add3A_87 : i32
      %lt3A = arith.constant 158 : i32
      %lt3A_89 = arith.cmpi slt, %add3A_88, %lt3A : i32
      %convert_element_type3A = arith.extui %lt3A_89 : i1 to i32
      %cond3A = arith.constant 0 : i32
      %cond3A_90 = arith.cmpi ne, %convert_element_type3A, %cond3A : i32
      scf.if %cond3A_90 {
        %add3A_144 = arith.constant 2 : i32
        %add3A_145 = arith.addi %add3A_64, %add3A_144 : i32
        %dma_start3A_146 = arith.constant 0 : i32
        %dma_start3A_147 = tpu.memref_slice %arg8[%add3A_145, %dma_start3A_146] : memref<158x128xi32, #tpu.memory_space<vmem>> -> memref<1x128xi32, #tpu.memory_space<vmem>>
        %dma_start3A_148 = tpu.memref_squeeze %dma_start3A_147 : memref<1x128xi32, #tpu.memory_space<vmem>> -> memref<128xi32, #tpu.memory_space<vmem>>
        %dma_start3A_149 = arith.constant 0 : i32
        %dma_start3A_150 = arith.constant 0 : i32
        %dma_start3A_151 = tpu.memref_slice %arg4[%arg0, %dma_start3A_149, %dma_start3A_150] : memref<2x10240x64xbf16, #tpu.memory_space<hbm>> -> memref<1x10240x64xbf16, #tpu.memory_space<hbm>>
        %dma_start3A_152 = tpu.memref_squeeze %dma_start3A_151 : memref<1x10240x64xbf16, #tpu.memory_space<hbm>> -> memref<10240x64xbf16, #tpu.memory_space<hbm>>
        %dma_start3A_153 = arith.constant 0 : i32
        %dma_start3A_154 = arith.constant 0 : i32
        %dma_start3A_155 = tpu.memref_slice %dma_start3A_152[%dma_start3A_153, %dma_start3A_154] : memref<10240x64xbf16, #tpu.memory_space<hbm>> -> memref<10240x64xbf16, #tpu.memory_space<hbm>>
        tpu.enqueue_indirect_dma source(%dma_start3A_155 : memref<10240x64xbf16, #tpu.memory_space<hbm>>) target(%arg10 : memref<128x64xbf16, #tpu.memory_space<vmem>>) offsets(%dma_start3A_148 : memref<128xi32, #tpu.memory_space<vmem>>) semaphore(%arg17 : memref<!tpu.dma_semaphore, #tpu.memory_space<semaphore_mem>>)
        %dma_start3A_156 = arith.constant 0 : i32
        %dma_start3A_157 = tpu.memref_slice %arg9[%add3A_145, %dma_start3A_156] : memref<158x128xi32, #tpu.memory_space<vmem>> -> memref<1x128xi32, #tpu.memory_space<vmem>>
        %dma_start3A_158 = tpu.memref_squeeze %dma_start3A_157 : memref<1x128xi32, #tpu.memory_space<vmem>> -> memref<128xi32, #tpu.memory_space<vmem>>
        %dma_start3A_159 = arith.constant 0 : i32
        %dma_start3A_160 = arith.constant 0 : i32
        %dma_start3A_161 = tpu.memref_slice %arg5[%arg0, %dma_start3A_159, %dma_start3A_160] : memref<2x10240x64xbf16, #tpu.memory_space<hbm>> -> memref<1x10240x64xbf16, #tpu.memory_space<hbm>>
        %dma_start3A_162 = tpu.memref_squeeze %dma_start3A_161 : memref<1x10240x64xbf16, #tpu.memory_space<hbm>> -> memref<10240x64xbf16, #tpu.memory_space<hbm>>
        %dma_start3A_163 = arith.constant 0 : i32
        %dma_start3A_164 = arith.constant 0 : i32
        %dma_start3A_165 = tpu.memref_slice %dma_start3A_162[%dma_start3A_163, %dma_start3A_164] : memref<10240x64xbf16, #tpu.memory_space<hbm>> -> memref<10240x64xbf16, #tpu.memory_space<hbm>>
        tpu.enqueue_indirect_dma source(%dma_start3A_165 : memref<10240x64xbf16, #tpu.memory_space<hbm>>) target(%arg11 : memref<128x64xbf16, #tpu.memory_space<vmem>>) offsets(%dma_start3A_158 : memref<128xi32, #tpu.memory_space<vmem>>) semaphore(%arg17 : memref<!tpu.dma_semaphore, #tpu.memory_space<semaphore_mem>>)
      } else {
      }
      %ge3A = arith.constant 1 : i32
      %ge3A_91 = arith.cmpi sge, %add3A_64, %ge3A : i32
      %convert_element_type3A_92 = arith.extui %ge3A_91 : i1 to i32
      %cond3A_93 = arith.constant 0 : i32
      %cond3A_94 = arith.cmpi ne, %convert_element_type3A_92, %cond3A_93 : i32
      scf.if %cond3A_94 {
        %sub3A = arith.constant 1 : i32
        %sub3A_144 = arith.subi %add3A_64, %sub3A : i32
        %dma_wait3A_145 = arith.constant 0 : i32
        %dma_wait3A_146 = tpu.memref_slice %arg8[%sub3A_144, %dma_wait3A_145] : memref<158x128xi32, #tpu.memory_space<vmem>> -> memref<1x128xi32, #tpu.memory_space<vmem>>
        %dma_wait3A_147 = tpu.memref_squeeze %dma_wait3A_146 : memref<1x128xi32, #tpu.memory_space<vmem>> -> memref<128xi32, #tpu.memory_space<vmem>>
        %dma_wait3A_148 = arith.constant 0 : i32
        %dma_wait3A_149 = arith.constant 0 : i32
        %dma_wait3A_150 = tpu.memref_slice %arg16[%dma_wait3A_148, %dma_wait3A_149] : memref<10240x64xf32, #tpu.memory_space<vmem_shared>> -> memref<10240x64xf32, #tpu.memory_space<vmem_shared>>
        tpu.wait_indirect_dma semaphore(%arg19 : memref<!tpu.dma_semaphore, #tpu.memory_space<semaphore_mem>>) src(%arg15 : memref<128x64xf32, #tpu.memory_space<vmem>>) dst(%dma_wait3A_150 : memref<10240x64xf32, #tpu.memory_space<vmem_shared>>)
      } else {
      }
      %dma_start3A_95 = arith.constant 0 : i32
      %dma_start3A_96 = tpu.memref_slice %arg8[%add3A_64, %dma_start3A_95] : memref<158x128xi32, #tpu.memory_space<vmem>> -> memref<1x128xi32, #tpu.memory_space<vmem>>
      %dma_start3A_97 = tpu.memref_squeeze %dma_start3A_96 : memref<1x128xi32, #tpu.memory_space<vmem>> -> memref<128xi32, #tpu.memory_space<vmem>>
      %dma_start3A_98 = arith.constant 0 : i32
      %dma_start3A_99 = arith.constant 0 : i32
      %dma_start3A_100 = tpu.memref_slice %arg16[%dma_start3A_98, %dma_start3A_99] : memref<10240x64xf32, #tpu.memory_space<vmem_shared>> -> memref<10240x64xf32, #tpu.memory_space<vmem_shared>>
      tpu.enqueue_indirect_dma source(%arg14 : memref<128x64xf32, #tpu.memory_space<vmem>>) target(%dma_start3A_100 : memref<10240x64xf32, #tpu.memory_space<vmem_shared>>) offsets(%dma_start3A_97 : memref<128xi32, #tpu.memory_space<vmem>>) semaphore(%arg19 : memref<!tpu.dma_semaphore, #tpu.memory_space<semaphore_mem>>) {add = true}
      %add3A_101 = arith.constant 1 : i32
      %add3A_102 = arith.addi %add3A_62, %add3A_101 : i32
      %dma_wait3A_103 = arith.constant 0 : i32
      %dma_wait3A_104 = tpu.memref_slice %arg8[%add3A_102, %dma_wait3A_103] : memref<158x128xi32, #tpu.memory_space<vmem>> -> memref<1x128xi32, #tpu.memory_space<vmem>>
      %dma_wait3A_105 = tpu.memref_squeeze %dma_wait3A_104 : memref<1x128xi32, #tpu.memory_space<vmem>> -> memref<128xi32, #tpu.memory_space<vmem>>
      %dma_wait3A_106 = arith.constant 0 : i32
      %dma_wait3A_107 = arith.constant 0 : i32
      %dma_wait3A_108 = tpu.memref_slice %arg4[%arg0, %dma_wait3A_106, %dma_wait3A_107] : memref<2x10240x64xbf16, #tpu.memory_space<hbm>> -> memref<1x10240x64xbf16, #tpu.memory_space<hbm>>
      %dma_wait3A_109 = tpu.memref_squeeze %dma_wait3A_108 : memref<1x10240x64xbf16, #tpu.memory_space<hbm>> -> memref<10240x64xbf16, #tpu.memory_space<hbm>>
      %dma_wait3A_110 = arith.constant 0 : i32
      %dma_wait3A_111 = arith.constant 0 : i32
      %dma_wait3A_112 = tpu.memref_slice %dma_wait3A_109[%dma_wait3A_110, %dma_wait3A_111] : memref<10240x64xbf16, #tpu.memory_space<hbm>> -> memref<10240x64xbf16, #tpu.memory_space<hbm>>
      tpu.wait_indirect_dma semaphore(%arg18 : memref<!tpu.dma_semaphore, #tpu.memory_space<semaphore_mem>>) src(%dma_wait3A_112 : memref<10240x64xbf16, #tpu.memory_space<hbm>>) dst(%arg12 : memref<128x64xbf16, #tpu.memory_space<vmem>>)
      %dma_wait3A_113 = arith.constant 0 : i32
      %dma_wait3A_114 = tpu.memref_slice %arg9[%add3A_102, %dma_wait3A_113] : memref<158x128xi32, #tpu.memory_space<vmem>> -> memref<1x128xi32, #tpu.memory_space<vmem>>
      %dma_wait3A_115 = tpu.memref_squeeze %dma_wait3A_114 : memref<1x128xi32, #tpu.memory_space<vmem>> -> memref<128xi32, #tpu.memory_space<vmem>>
      %dma_wait3A_116 = arith.constant 0 : i32
      %dma_wait3A_117 = arith.constant 0 : i32
      %dma_wait3A_118 = tpu.memref_slice %arg5[%arg0, %dma_wait3A_116, %dma_wait3A_117] : memref<2x10240x64xbf16, #tpu.memory_space<hbm>> -> memref<1x10240x64xbf16, #tpu.memory_space<hbm>>
      %dma_wait3A_119 = tpu.memref_squeeze %dma_wait3A_118 : memref<1x10240x64xbf16, #tpu.memory_space<hbm>> -> memref<10240x64xbf16, #tpu.memory_space<hbm>>
      %dma_wait3A_120 = arith.constant 0 : i32
      %dma_wait3A_121 = arith.constant 0 : i32
      %dma_wait3A_122 = tpu.memref_slice %dma_wait3A_119[%dma_wait3A_120, %dma_wait3A_121] : memref<10240x64xbf16, #tpu.memory_space<hbm>> -> memref<10240x64xbf16, #tpu.memory_space<hbm>>
      tpu.wait_indirect_dma semaphore(%arg18 : memref<!tpu.dma_semaphore, #tpu.memory_space<semaphore_mem>>) src(%dma_wait3A_122 : memref<10240x64xbf16, #tpu.memory_space<hbm>>) dst(%arg13 : memref<128x64xbf16, #tpu.memory_space<vmem>>)
      %parallel_loop3A_123 = arith.constant 0 : i32
      %parallel_loop3A_124 = arith.constant 128 : i32
      %parallel_loop3A_125 = arith.constant 1 : i32
      scf.for %parallel_loop3A_144 = %parallel_loop3A_123 to %parallel_loop3A_124 step %parallel_loop3A_125  : i32 {
        %parallel_loop3A_145 = arith.index_cast %parallel_loop3A_144 : i32 to index
        %parallel_loop3A_146 = arith.constant 0 : index
        %parallel_loop3A_147 = tpu.vector_load %arg12[%parallel_loop3A_145, %parallel_loop3A_146] {strides = array<i32>} : memref<128x64xbf16, #tpu.memory_space<vmem>>, vector<32xbf16>,
        %parallel_loop3A_148 = arith.index_cast %parallel_loop3A_144 : i32 to index
        %parallel_loop3A_149 = arith.constant 0 : index
        %parallel_loop3A_150 = tpu.vector_load %arg13[%parallel_loop3A_148, %parallel_loop3A_149] {strides = array<i32>} : memref<128x64xbf16, #tpu.memory_space<vmem>>, vector<32xbf16>,
        %parallel_loop3A_151 = arith.addf %parallel_loop3A_147, %parallel_loop3A_150 : vector<32xbf16>
        %parallel_loop3A_152 = arith.constant 0.000000e+00 : bf16
        %parallel_loop3A_153 = vector.broadcast %parallel_loop3A_152 : bf16 to vector<32xbf16>
        %parallel_loop3A_154 = arith.maximumf %parallel_loop3A_151, %parallel_loop3A_153 : vector<32xbf16>
        %parallel_loop3A_155 = tpu.unpack_subelements %parallel_loop3A_154, 0 {pack_format = #tpu.pack_format<interleaved>} : vector<32xbf16> -> vector<16xf32>
        %parallel_loop3A_156 = tpu.unpack_subelements %parallel_loop3A_154, 1 {pack_format = #tpu.pack_format<interleaved>} : vector<32xbf16> -> vector<16xf32>
        %parallel_loop3A_157 = arith.index_cast %parallel_loop3A_144 : i32 to index
        %parallel_loop3A_158 = arith.constant 0 : index
        %parallel_loop3A_159 = tpu.vector_load %arg15[%parallel_loop3A_157, %parallel_loop3A_158] {strides = array<i32>} : memref<128x64xf32, #tpu.memory_space<vmem>>, vector<16xf32>,
        tpu.vector_store %arg15[%parallel_loop3A_157, %parallel_loop3A_158], %parallel_loop3A_155 {strides = array<i32>} : memref<128x64xf32, #tpu.memory_space<vmem>>, vector<16xf32>,
        %parallel_loop3A_160 = arith.index_cast %parallel_loop3A_144 : i32 to index
        %parallel_loop3A_161 = arith.constant 16 : index
        %parallel_loop3A_162 = tpu.vector_load %arg15[%parallel_loop3A_160, %parallel_loop3A_161] {strides = array<i32>} : memref<128x64xf32, #tpu.memory_space<vmem>>, vector<16xf32>,
        tpu.vector_store %arg15[%parallel_loop3A_160, %parallel_loop3A_161], %parallel_loop3A_156 {strides = array<i32>} : memref<128x64xf32, #tpu.memory_space<vmem>>, vector<16xf32>,
        %parallel_loop3A_163 = arith.index_cast %parallel_loop3A_144 : i32 to index
        %parallel_loop3A_164 = arith.constant 32 : index
        %parallel_loop3A_165 = tpu.vector_load %arg12[%parallel_loop3A_163, %parallel_loop3A_164] {strides = array<i32>} : memref<128x64xbf16, #tpu.memory_space<vmem>>, vector<32xbf16>,
        %parallel_loop3A_166 = arith.index_cast %parallel_loop3A_144 : i32 to index
        %parallel_loop3A_167 = arith.constant 32 : index
        %parallel_loop3A_168 = tpu.vector_load %arg13[%parallel_loop3A_166, %parallel_loop3A_167] {strides = array<i32>} : memref<128x64xbf16, #tpu.memory_space<vmem>>, vector<32xbf16>,
        %parallel_loop3A_169 = arith.addf %parallel_loop3A_165, %parallel_loop3A_168 : vector<32xbf16>
        %parallel_loop3A_170 = arith.constant 0.000000e+00 : bf16
        %parallel_loop3A_171 = vector.broadcast %parallel_loop3A_170 : bf16 to vector<32xbf16>
        %parallel_loop3A_172 = arith.maximumf %parallel_loop3A_169, %parallel_loop3A_171 : vector<32xbf16>
        %parallel_loop3A_173 = tpu.unpack_subelements %parallel_loop3A_172, 0 {pack_format = #tpu.pack_format<interleaved>} : vector<32xbf16> -> vector<16xf32>
        %parallel_loop3A_174 = tpu.unpack_subelements %parallel_loop3A_172, 1 {pack_format = #tpu.pack_format<interleaved>} : vector<32xbf16> -> vector<16xf32>
        %parallel_loop3A_175 = arith.index_cast %parallel_loop3A_144 : i32 to index
        %parallel_loop3A_176 = arith.constant 32 : index
        %parallel_loop3A_177 = tpu.vector_load %arg15[%parallel_loop3A_175, %parallel_loop3A_176] {strides = array<i32>} : memref<128x64xf32, #tpu.memory_space<vmem>>, vector<16xf32>,
        tpu.vector_store %arg15[%parallel_loop3A_175, %parallel_loop3A_176], %parallel_loop3A_173 {strides = array<i32>} : memref<128x64xf32, #tpu.memory_space<vmem>>, vector<16xf32>,
        %parallel_loop3A_178 = arith.index_cast %parallel_loop3A_144 : i32 to index
        %parallel_loop3A_179 = arith.constant 48 : index
        %parallel_loop3A_180 = tpu.vector_load %arg15[%parallel_loop3A_178, %parallel_loop3A_179] {strides = array<i32>} : memref<128x64xf32, #tpu.memory_space<vmem>>, vector<16xf32>,
        tpu.vector_store %arg15[%parallel_loop3A_178, %parallel_loop3A_179], %parallel_loop3A_174 {strides = array<i32>} : memref<128x64xf32, #tpu.memory_space<vmem>>, vector<16xf32>,
      } {sc.loop_unroll_factor = 4 : i64, sc.parallel_access}
      %add3A_126 = arith.constant 2 : i32
      %add3A_127 = arith.addi %add3A_102, %add3A_126 : i32
      %lt3A_128 = arith.constant 158 : i32
      %lt3A_129 = arith.cmpi slt, %add3A_127, %lt3A_128 : i32
      %convert_element_type3A_130 = arith.extui %lt3A_129 : i1 to i32
      %cond3A_131 = arith.constant 0 : i32
      %cond3A_132 = arith.cmpi ne, %convert_element_type3A_130, %cond3A_131 : i32
      scf.if %cond3A_132 {
        %add3A_144 = arith.constant 2 : i32
        %add3A_145 = arith.addi %add3A_102, %add3A_144 : i32
        %dma_start3A_146 = arith.constant 0 : i32
        %dma_start3A_147 = tpu.memref_slice %arg8[%add3A_145, %dma_start3A_146] : memref<158x128xi32, #tpu.memory_space<vmem>> -> memref<1x128xi32, #tpu.memory_space<vmem>>
        %dma_start3A_148 = tpu.memref_squeeze %dma_start3A_147 : memref<1x128xi32, #tpu.memory_space<vmem>> -> memref<128xi32, #tpu.memory_space<vmem>>
        %dma_start3A_149 = arith.constant 0 : i32
        %dma_start3A_150 = arith.constant 0 : i32
        %dma_start3A_151 = tpu.memref_slice %arg4[%arg0, %dma_start3A_149, %dma_start3A_150] : memref<2x10240x64xbf16, #tpu.memory_space<hbm>> -> memref<1x10240x64xbf16, #tpu.memory_space<hbm>>
        %dma_start3A_152 = tpu.memref_squeeze %dma_start3A_151 : memref<1x10240x64xbf16, #tpu.memory_space<hbm>> -> memref<10240x64xbf16, #tpu.memory_space<hbm>>
        %dma_start3A_153 = arith.constant 0 : i32
        %dma_start3A_154 = arith.constant 0 : i32
        %dma_start3A_155 = tpu.memref_slice %dma_start3A_152[%dma_start3A_153, %dma_start3A_154] : memref<10240x64xbf16, #tpu.memory_space<hbm>> -> memref<10240x64xbf16, #tpu.memory_space<hbm>>
        tpu.enqueue_indirect_dma source(%dma_start3A_155 : memref<10240x64xbf16, #tpu.memory_space<hbm>>) target(%arg12 : memref<128x64xbf16, #tpu.memory_space<vmem>>) offsets(%dma_start3A_148 : memref<128xi32, #tpu.memory_space<vmem>>) semaphore(%arg18 : memref<!tpu.dma_semaphore, #tpu.memory_space<semaphore_mem>>)
        %dma_start3A_156 = arith.constant 0 : i32
        %dma_start3A_157 = tpu.memref_slice %arg9[%add3A_145, %dma_start3A_156] : memref<158x128xi32, #tpu.memory_space<vmem>> -> memref<1x128xi32, #tpu.memory_space<vmem>>
        %dma_start3A_158 = tpu.memref_squeeze %dma_start3A_157 : memref<1x128xi32, #tpu.memory_space<vmem>> -> memref<128xi32, #tpu.memory_space<vmem>>
        %dma_start3A_159 = arith.constant 0 : i32
        %dma_start3A_160 = arith.constant 0 : i32
        %dma_start3A_161 = tpu.memref_slice %arg5[%arg0, %dma_start3A_159, %dma_start3A_160] : memref<2x10240x64xbf16, #tpu.memory_space<hbm>> -> memref<1x10240x64xbf16, #tpu.memory_space<hbm>>
        %dma_start3A_162 = tpu.memref_squeeze %dma_start3A_161 : memref<1x10240x64xbf16, #tpu.memory_space<hbm>> -> memref<10240x64xbf16, #tpu.memory_space<hbm>>
        %dma_start3A_163 = arith.constant 0 : i32
        %dma_start3A_164 = arith.constant 0 : i32
        %dma_start3A_165 = tpu.memref_slice %dma_start3A_162[%dma_start3A_163, %dma_start3A_164] : memref<10240x64xbf16, #tpu.memory_space<hbm>> -> memref<10240x64xbf16, #tpu.memory_space<hbm>>
        tpu.enqueue_indirect_dma source(%dma_start3A_165 : memref<10240x64xbf16, #tpu.memory_space<hbm>>) target(%arg13 : memref<128x64xbf16, #tpu.memory_space<vmem>>) offsets(%dma_start3A_158 : memref<128xi32, #tpu.memory_space<vmem>>) semaphore(%arg18 : memref<!tpu.dma_semaphore, #tpu.memory_space<semaphore_mem>>)
      } else {
      }
      %ge3A_133 = arith.constant 1 : i32
      %ge3A_134 = arith.cmpi sge, %add3A_102, %ge3A_133 : i32
      %convert_element_type3A_135 = arith.extui %ge3A_134 : i1 to i32
      %cond3A_136 = arith.constant 0 : i32
      %cond3A_137 = arith.cmpi ne, %convert_element_type3A_135, %cond3A_136 : i32
      scf.if %cond3A_137 {
        %sub3A = arith.constant 1 : i32
        %sub3A_144 = arith.subi %add3A_102, %sub3A : i32
        %dma_wait3A_145 = arith.constant 0 : i32
        %dma_wait3A_146 = tpu.memref_slice %arg8[%sub3A_144, %dma_wait3A_145] : memref<158x128xi32, #tpu.memory_space<vmem>> -> memref<1x128xi32, #tpu.memory_space<vmem>>
        %dma_wait3A_147 = tpu.memref_squeeze %dma_wait3A_146 : memref<1x128xi32, #tpu.memory_space<vmem>> -> memref<128xi32, #tpu.memory_space<vmem>>
        %dma_wait3A_148 = arith.constant 0 : i32
        %dma_wait3A_149 = arith.constant 0 : i32
        %dma_wait3A_150 = tpu.memref_slice %arg16[%dma_wait3A_148, %dma_wait3A_149] : memref<10240x64xf32, #tpu.memory_space<vmem_shared>> -> memref<10240x64xf32, #tpu.memory_space<vmem_shared>>
        tpu.wait_indirect_dma semaphore(%arg19 : memref<!tpu.dma_semaphore, #tpu.memory_space<semaphore_mem>>) src(%arg14 : memref<128x64xf32, #tpu.memory_space<vmem>>) dst(%dma_wait3A_150 : memref<10240x64xf32, #tpu.memory_space<vmem_shared>>)
      } else {
      }
      %dma_start3A_138 = arith.constant 0 : i32
      %dma_start3A_139 = tpu.memref_slice %arg8[%add3A_102, %dma_start3A_138] : memref<158x128xi32, #tpu.memory_space<vmem>> -> memref<1x128xi32, #tpu.memory_space<vmem>>
      %dma_start3A_140 = tpu.memref_squeeze %dma_start3A_139 : memref<1x128xi32, #tpu.memory_space<vmem>> -> memref<128xi32, #tpu.memory_space<vmem>>
      %dma_start3A_141 = arith.constant 0 : i32
      %dma_start3A_142 = arith.constant 0 : i32
      %dma_start3A_143 = tpu.memref_slice %arg16[%dma_start3A_141, %dma_start3A_142] : memref<10240x64xf32, #tpu.memory_space<vmem_shared>> -> memref<10240x64xf32, #tpu.memory_space<vmem_shared>>
      tpu.enqueue_indirect_dma source(%arg15 : memref<128x64xf32, #tpu.memory_space<vmem>>) target(%dma_start3A_143 : memref<10240x64xf32, #tpu.memory_space<vmem_shared>>) offsets(%dma_start3A_140 : memref<128xi32, #tpu.memory_space<vmem>>) semaphore(%arg19 : memref<!tpu.dma_semaphore, #tpu.memory_space<semaphore_mem>>) {add = true}
    }
    %scan3A_47 = arith.constant 79 : i32
    %dma_wait3A = arith.constant 157 : i32
    %dma_wait3A_48 = arith.constant 0 : i32
    %dma_wait3A_49 = tpu.memref_slice %arg8[%dma_wait3A, %dma_wait3A_48] : memref<158x128xi32, #tpu.memory_space<vmem>> -> memref<1x128xi32, #tpu.memory_space<vmem>>
    %dma_wait3A_50 = tpu.memref_squeeze %dma_wait3A_49 : memref<1x128xi32, #tpu.memory_space<vmem>> -> memref<128xi32, #tpu.memory_space<vmem>>
    %dma_wait3A_51 = arith.constant 0 : i32
    %dma_wait3A_52 = arith.constant 0 : i32
    %dma_wait3A_53 = tpu.memref_slice %arg16[%dma_wait3A_51, %dma_wait3A_52] : memref<10240x64xf32, #tpu.memory_space<vmem_shared>> -> memref<10240x64xf32, #tpu.memory_space<vmem_shared>>
    tpu.wait_indirect_dma semaphore(%arg19 : memref<!tpu.dma_semaphore, #tpu.memory_space<semaphore_mem>>) src(%arg15 : memref<128x64xf32, #tpu.memory_space<vmem>>) dst(%dma_wait3A_53 : memref<10240x64xf32, #tpu.memory_space<vmem_shared>>)
    %barrier3A_54 = arith.constant 0 : index
    tpu.barrier barrier_id(%barrier3A_54)
    %mul3A_55 = arith.constant 640 : i32
    %mul3A_56 = arith.muli %arg1, %mul3A_55 : i32
    %mul3A_57 = arith.constant 640 : i32
    %mul3A_58 = arith.muli %arg1, %mul3A_57 : i32
    "tpu.region"() ({
      %run_scoped3A = tpu.sem_alloc : memref<!tpu.dma_semaphore, #tpu.memory_space<semaphore_mem>>
      %dma_start3A_59 = arith.constant 0 : i32
      %dma_start3A_60 = tpu.memref_slice %arg7[%arg0, %mul3A_58, %dma_start3A_59] : memref<2x10240x64xf32, #tpu.memory_space<hbm>> -> memref<1x640x64xf32, #tpu.memory_space<hbm>>
      %dma_start3A_61 = tpu.memref_squeeze %dma_start3A_60 : memref<1x640x64xf32, #tpu.memory_space<hbm>> -> memref<640x64xf32, #tpu.memory_space<hbm>>
      %dma_start3A_62 = arith.constant 0 : i32
      %dma_start3A_63 = tpu.memref_slice %arg16[%mul3A_56, %dma_start3A_62] : memref<10240x64xf32, #tpu.memory_space<vmem_shared>> -> memref<640x64xf32, #tpu.memory_space<vmem_shared>>
      tpu.enqueue_dma source(%dma_start3A_63 : memref<640x64xf32, #tpu.memory_space<vmem_shared>>) target(%dma_start3A_61 : memref<640x64xf32, #tpu.memory_space<hbm>>) target_semaphore(%run_scoped3A : memref<!tpu.dma_semaphore, #tpu.memory_space<semaphore_mem>>)
      %dma_wait3A_64 = arith.constant 0 : i32
      %dma_wait3A_65 = tpu.memref_slice %arg7[%arg0, %mul3A_58, %dma_wait3A_64] : memref<2x10240x64xf32, #tpu.memory_space<hbm>> -> memref<1x640x64xf32, #tpu.memory_space<hbm>>
      %dma_wait3A_66 = tpu.memref_squeeze %dma_wait3A_65 : memref<1x640x64xf32, #tpu.memory_space<hbm>> -> memref<640x64xf32, #tpu.memory_space<hbm>>
      %dma_wait3A_67 = arith.constant 0 : i32
      %dma_wait3A_68 = tpu.memref_slice %arg16[%mul3A_56, %dma_wait3A_67] : memref<10240x64xf32, #tpu.memory_space<vmem_shared>> -> memref<640x64xf32, #tpu.memory_space<vmem_shared>>
      tpu.wait_dma2 semaphore(%run_scoped3A : memref<!tpu.dma_semaphore, #tpu.memory_space<semaphore_mem>>) src(%dma_wait3A_68 : memref<640x64xf32, #tpu.memory_space<vmem_shared>>) dst(%dma_wait3A_66 : memref<640x64xf32, #tpu.memory_space<hbm>>)
      tpu.yield
    }) : () -> ()
    return
  }
}

module attributes {stable_mosaic.version = 14 : i64} {
  func.func @_proj_body(%arg0: i32, %arg1: memref<1280x128xf32, #tpu.memory_space<vmem>>, %arg2: memref<128x128xf32, #tpu.memory_space<vmem>>, %arg3: memref<1x128xf32, #tpu.memory_space<vmem>>, %arg4: memref<128x128xf32, #tpu.memory_space<vmem>>, %arg5: memref<1x128xf32, #tpu.memory_space<vmem>>, %arg6: memref<128x128xf32, #tpu.memory_space<vmem>>, %arg7: memref<2x1280x64xbf16, #tpu.memory_space<vmem>>, %arg8: memref<2x1280x64xbf16, #tpu.memory_space<vmem>>) attributes {dimension_semantics = [#tpu.dimension_semantics<arbitrary>], iteration_bounds = array<i64: 8>, scalar_prefetch = 0 : i64, scratch_operands = 0 : i64, tpu.core_type = #tpu.core_type<tc>, window_params = [{transform_indices = @transform_0, window_bounds = array<i64: 1280, 128>}, {pipeline_mode = #tpu.pipeline_mode<synchronous>, transform_indices = @transform_1, window_bounds = array<i64: 128, 128>}, {pipeline_mode = #tpu.pipeline_mode<synchronous>, transform_indices = @transform_2, window_bounds = array<i64: 1, 128>}, {pipeline_mode = #tpu.pipeline_mode<synchronous>, transform_indices = @transform_3, window_bounds = array<i64: 128, 128>}, {pipeline_mode = #tpu.pipeline_mode<synchronous>, transform_indices = @transform_4, window_bounds = array<i64: 1, 128>}, {pipeline_mode = #tpu.pipeline_mode<synchronous>, transform_indices = @transform_5, window_bounds = array<i64: 128, 128>}, {transform_indices = @transform_6, window_bounds = array<i64: 2, 1280, 64>}, {transform_indices = @transform_7, window_bounds = array<i64: 2, 1280, 64>}]} {
    %get3A = arith.constant 0 : index
    %get3A_0 = arith.constant 0 : index
    %get3A_1 = vector.load %arg1[%get3A, %get3A_0] : memref<1280x128xf32, #tpu.memory_space<vmem>>, vector<1280x128xf32>
    %get3A_2 = arith.constant 0 : index
    %get3A_3 = arith.constant 0 : index
    %get3A_4 = vector.load %arg2[%get3A_2, %get3A_3] : memref<128x128xf32, #tpu.memory_space<vmem>>, vector<128x128xf32>
    %dot_general3A = arith.constant dense<0.000000e+00> : vector<1280x128xf32>
    %dot_general3A_5 = tpu.matmul %get3A_1, %get3A_4, %dot_general3A {dimension_numbers = #tpu.dot_dimension_numbers<[1], [0], [0], [1], [0, 0, 1, 1], [], []>, transpose_lhs_hint = false} : vector<1280x128xf32>, vector<128x128xf32>, vector<1280x128xf32> -> vector<1280x128xf32>
    %get3A_6 = arith.constant 0 : index
    %get3A_7 = arith.constant 0 : index
    %get3A_8 = vector.load %arg3[%get3A_6, %get3A_7] : memref<1x128xf32, #tpu.memory_space<vmem>>, vector<1x128xf32>
    %add3A = vector.broadcast %get3A_8 : vector<1x128xf32> to vector<1280x128xf32>
    %add3A_9 = arith.addf %dot_general3A_5, %add3A : vector<1280x128xf32>
    %max3A = arith.constant 0.000000e+00 : f32
    %max3A_10 = vector.broadcast %max3A : f32 to vector<1280x128xf32>
    %max3A_11 = arith.maximumf %add3A_9, %max3A_10 : vector<1280x128xf32>
    %get3A_12 = arith.constant 0 : index
    %get3A_13 = arith.constant 0 : index
    %get3A_14 = vector.load %arg4[%get3A_12, %get3A_13] : memref<128x128xf32, #tpu.memory_space<vmem>>, vector<128x128xf32>
    %dot_general3A_15 = arith.constant dense<0.000000e+00> : vector<1280x128xf32>
    %dot_general3A_16 = tpu.matmul %max3A_11, %get3A_14, %dot_general3A_15 {dimension_numbers = #tpu.dot_dimension_numbers<[1], [0], [0], [1], [0, 0, 1, 1], [], []>, transpose_lhs_hint = false} : vector<1280x128xf32>, vector<128x128xf32>, vector<1280x128xf32> -> vector<1280x128xf32>
    %get3A_17 = arith.constant 0 : index
    %get3A_18 = arith.constant 0 : index
    %get3A_19 = vector.load %arg5[%get3A_17, %get3A_18] : memref<1x128xf32, #tpu.memory_space<vmem>>, vector<1x128xf32>
    %add3A_20 = vector.broadcast %get3A_19 : vector<1x128xf32> to vector<1280x128xf32>
    %add3A_21 = arith.addf %dot_general3A_16, %add3A_20 : vector<1280x128xf32>
    %slice3A = vector.extract_strided_slice %add3A_21 {offsets = [0, 0], sizes = [1280, 64], strides = [1, 1]} : vector<1280x128xf32> to vector<1280x64xf32>
    %convert_element_type3A = arith.truncf %slice3A : vector<1280x64xf32> to vector<1280x64xbf16>
    %swap3A = arith.constant 0 : index
    %swap3A_22 = arith.constant 0 : index
    %swap3A_23 = arith.constant 0 : index
    %swap3A_24 = vector.load %arg7[%swap3A, %swap3A_22, %swap3A_23] : memref<2x1280x64xbf16, #tpu.memory_space<vmem>>, vector<1x1280x64xbf16>
    %swap3A_25 = vector.shape_cast %swap3A_24 : vector<1x1280x64xbf16> to vector<1280x64xbf16>
    %swap3A_26 = vector.shape_cast %convert_element_type3A : vector<1280x64xbf16> to vector<1x1280x64xbf16>
    tpu.vector_store %arg7[%swap3A, %swap3A_22, %swap3A_23], %swap3A_26 {strides = array<i32>} : memref<2x1280x64xbf16, #tpu.memory_space<vmem>>, vector<1x1280x64xbf16>,
    %slice3A_27 = vector.extract_strided_slice %add3A_21 {offsets = [0, 64], sizes = [1280, 64], strides = [1, 1]} : vector<1280x128xf32> to vector<1280x64xf32>
    %convert_element_type3A_28 = arith.truncf %slice3A_27 : vector<1280x64xf32> to vector<1280x64xbf16>
    %swap3A_29 = arith.constant 1 : index
    %swap3A_30 = arith.constant 0 : index
    %swap3A_31 = arith.constant 0 : index
    %swap3A_32 = vector.load %arg7[%swap3A_29, %swap3A_30, %swap3A_31] : memref<2x1280x64xbf16, #tpu.memory_space<vmem>>, vector<1x1280x64xbf16>
    %swap3A_33 = vector.shape_cast %swap3A_32 : vector<1x1280x64xbf16> to vector<1280x64xbf16>
    %swap3A_34 = vector.shape_cast %convert_element_type3A_28 : vector<1280x64xbf16> to vector<1x1280x64xbf16>
    tpu.vector_store %arg7[%swap3A_29, %swap3A_30, %swap3A_31], %swap3A_34 {strides = array<i32>} : memref<2x1280x64xbf16, #tpu.memory_space<vmem>>, vector<1x1280x64xbf16>,
    %get3A_35 = arith.constant 0 : index
    %get3A_36 = arith.constant 0 : index
    %get3A_37 = vector.load %arg6[%get3A_35, %get3A_36] : memref<128x128xf32, #tpu.memory_space<vmem>>, vector<128x128xf32>
    %dot_general3A_38 = arith.constant dense<0.000000e+00> : vector<1280x128xf32>
    %dot_general3A_39 = tpu.matmul %max3A_11, %get3A_37, %dot_general3A_38 {dimension_numbers = #tpu.dot_dimension_numbers<[1], [0], [0], [1], [0, 0, 1, 1], [], []>, transpose_lhs_hint = false} : vector<1280x128xf32>, vector<128x128xf32>, vector<1280x128xf32> -> vector<1280x128xf32>
    %slice3A_40 = vector.extract_strided_slice %dot_general3A_39 {offsets = [0, 0], sizes = [1280, 64], strides = [1, 1]} : vector<1280x128xf32> to vector<1280x64xf32>
    %convert_element_type3A_41 = arith.truncf %slice3A_40 : vector<1280x64xf32> to vector<1280x64xbf16>
    %swap3A_42 = arith.constant 0 : index
    %swap3A_43 = arith.constant 0 : index
    %swap3A_44 = arith.constant 0 : index
    %swap3A_45 = vector.load %arg8[%swap3A_42, %swap3A_43, %swap3A_44] : memref<2x1280x64xbf16, #tpu.memory_space<vmem>>, vector<1x1280x64xbf16>
    %swap3A_46 = vector.shape_cast %swap3A_45 : vector<1x1280x64xbf16> to vector<1280x64xbf16>
    %swap3A_47 = vector.shape_cast %convert_element_type3A_41 : vector<1280x64xbf16> to vector<1x1280x64xbf16>
    tpu.vector_store %arg8[%swap3A_42, %swap3A_43, %swap3A_44], %swap3A_47 {strides = array<i32>} : memref<2x1280x64xbf16, #tpu.memory_space<vmem>>, vector<1x1280x64xbf16>,
    %slice3A_48 = vector.extract_strided_slice %dot_general3A_39 {offsets = [0, 64], sizes = [1280, 64], strides = [1, 1]} : vector<1280x128xf32> to vector<1280x64xf32>
    %convert_element_type3A_49 = arith.truncf %slice3A_48 : vector<1280x64xf32> to vector<1280x64xbf16>
    %swap3A_50 = arith.constant 1 : index
    %swap3A_51 = arith.constant 0 : index
    %swap3A_52 = arith.constant 0 : index
    %swap3A_53 = vector.load %arg8[%swap3A_50, %swap3A_51, %swap3A_52] : memref<2x1280x64xbf16, #tpu.memory_space<vmem>>, vector<1x1280x64xbf16>
    %swap3A_54 = vector.shape_cast %swap3A_53 : vector<1x1280x64xbf16> to vector<1280x64xbf16>
    %swap3A_55 = vector.shape_cast %convert_element_type3A_49 : vector<1280x64xbf16> to vector<1x1280x64xbf16>
    tpu.vector_store %arg8[%swap3A_50, %swap3A_51, %swap3A_52], %swap3A_55 {strides = array<i32>} : memref<2x1280x64xbf16, #tpu.memory_space<vmem>>, vector<1x1280x64xbf16>,
    return
  }
  func.func @transform_0(%arg0: i32) -> (i32, i32) {
    %c0_i32 = arith.constant 0 : i32
    %c0_i32_0 = arith.constant 0 : i32
    return %arg0, %c0_i32 : i32, i32
  }
  func.func @transform_1(%arg0: i32) -> (i32, i32) {
    %c0_i32 = arith.constant 0 : i32
    %c0_i32_0 = arith.constant 0 : i32
    %c0_i32_1 = arith.constant 0 : i32
    return %c0_i32, %c0_i32_0 : i32, i32
  }
  func.func @transform_2(%arg0: i32) -> (i32, i32) {
    %c0_i32 = arith.constant 0 : i32
    %c0_i32_0 = arith.constant 0 : i32
    %c0_i32_1 = arith.constant 0 : i32
    return %c0_i32, %c0_i32_0 : i32, i32
  }
  func.func @transform_3(%arg0: i32) -> (i32, i32) {
    %c0_i32 = arith.constant 0 : i32
    %c0_i32_0 = arith.constant 0 : i32
    %c0_i32_1 = arith.constant 0 : i32
    return %c0_i32, %c0_i32_0 : i32, i32
  }
  func.func @transform_4(%arg0: i32) -> (i32, i32) {
    %c0_i32 = arith.constant 0 : i32
    %c0_i32_0 = arith.constant 0 : i32
    %c0_i32_1 = arith.constant 0 : i32
    return %c0_i32, %c0_i32_0 : i32, i32
  }
  func.func @transform_5(%arg0: i32) -> (i32, i32) {
    %c0_i32 = arith.constant 0 : i32
    %c0_i32_0 = arith.constant 0 : i32
    %c0_i32_1 = arith.constant 0 : i32
    return %c0_i32, %c0_i32_0 : i32, i32
  }
  func.func @transform_6(%arg0: i32) -> (i32, i32, i32) {
    %c0_i32 = arith.constant 0 : i32
    %c0_i32_0 = arith.constant 0 : i32
    %c0_i32_1 = arith.constant 0 : i32
    return %c0_i32, %arg0, %c0_i32_0 : i32, i32, i32
  }
  func.func @transform_7(%arg0: i32) -> (i32, i32, i32) {
    %c0_i32 = arith.constant 0 : i32
    %c0_i32_0 = arith.constant 0 : i32
    %c0_i32_1 = arith.constant 0 : i32
    return %c0_i32, %arg0, %c0_i32_0 : i32, i32, i32
  }
}

module attributes {stable_mosaic.version = 14 : i64} {
  func.func @_mid_body(%arg0: i32, %arg1: memref<2x1280x64xf32, #tpu.memory_space<vmem>>, %arg2: memref<128x128xf32, #tpu.memory_space<vmem>>, %arg3: memref<1x128xf32, #tpu.memory_space<vmem>>, %arg4: memref<128x128xf32, #tpu.memory_space<vmem>>, %arg5: memref<1x128xf32, #tpu.memory_space<vmem>>, %arg6: memref<128x128xf32, #tpu.memory_space<vmem>>, %arg7: memref<2x1280x64xbf16, #tpu.memory_space<vmem>>, %arg8: memref<2x1280x64xbf16, #tpu.memory_space<vmem>>) attributes {dimension_semantics = [#tpu.dimension_semantics<arbitrary>], iteration_bounds = array<i64: 8>, scalar_prefetch = 0 : i64, scratch_operands = 0 : i64, tpu.core_type = #tpu.core_type<tc>, window_params = [{transform_indices = @transform_0, window_bounds = array<i64: 2, 1280, 64>}, {pipeline_mode = #tpu.pipeline_mode<synchronous>, transform_indices = @transform_1, window_bounds = array<i64: 128, 128>}, {pipeline_mode = #tpu.pipeline_mode<synchronous>, transform_indices = @transform_2, window_bounds = array<i64: 1, 128>}, {pipeline_mode = #tpu.pipeline_mode<synchronous>, transform_indices = @transform_3, window_bounds = array<i64: 128, 128>}, {pipeline_mode = #tpu.pipeline_mode<synchronous>, transform_indices = @transform_4, window_bounds = array<i64: 1, 128>}, {pipeline_mode = #tpu.pipeline_mode<synchronous>, transform_indices = @transform_5, window_bounds = array<i64: 128, 128>}, {transform_indices = @transform_6, window_bounds = array<i64: 2, 1280, 64>}, {transform_indices = @transform_7, window_bounds = array<i64: 2, 1280, 64>}]} {
    %get3A = arith.constant 0 : index
    %get3A_0 = arith.constant 0 : index
    %get3A_1 = arith.constant 0 : index
    %get3A_2 = vector.load %arg1[%get3A, %get3A_0, %get3A_1] : memref<2x1280x64xf32, #tpu.memory_space<vmem>>, vector<1x1280x64xf32>
    %get3A_3 = vector.shape_cast %get3A_2 : vector<1x1280x64xf32> to vector<1280x64xf32>
    %get3A_4 = arith.constant 1 : index
    %get3A_5 = arith.constant 0 : index
    %get3A_6 = arith.constant 0 : index
    %get3A_7 = vector.load %arg1[%get3A_4, %get3A_5, %get3A_6] : memref<2x1280x64xf32, #tpu.memory_space<vmem>>, vector<1x1280x64xf32>
    %get3A_8 = vector.shape_cast %get3A_7 : vector<1x1280x64xf32> to vector<1280x64xf32>
    %concatenate3A = tpu.concatenate %get3A_3, %get3A_8 in 1 : vector<1280x64xf32>, vector<1280x64xf32> -> vector<1280x128xf32>
    %get3A_9 = arith.constant 0 : index
    %get3A_10 = arith.constant 0 : index
    %get3A_11 = vector.load %arg2[%get3A_9, %get3A_10] : memref<128x128xf32, #tpu.memory_space<vmem>>, vector<128x128xf32>
    %dot_general3A = arith.constant dense<0.000000e+00> : vector<1280x128xf32>
    %dot_general3A_12 = tpu.matmul %concatenate3A, %get3A_11, %dot_general3A {dimension_numbers = #tpu.dot_dimension_numbers<[1], [0], [0], [1], [0, 0, 1, 1], [], []>, transpose_lhs_hint = false} : vector<1280x128xf32>, vector<128x128xf32>, vector<1280x128xf32> -> vector<1280x128xf32>
    %get3A_13 = arith.constant 0 : index
    %get3A_14 = arith.constant 0 : index
    %get3A_15 = vector.load %arg3[%get3A_13, %get3A_14] : memref<1x128xf32, #tpu.memory_space<vmem>>, vector<1x128xf32>
    %add3A = vector.broadcast %get3A_15 : vector<1x128xf32> to vector<1280x128xf32>
    %add3A_16 = arith.addf %dot_general3A_12, %add3A : vector<1280x128xf32>
    %max3A = arith.constant 0.000000e+00 : f32
    %max3A_17 = vector.broadcast %max3A : f32 to vector<1280x128xf32>
    %max3A_18 = arith.maximumf %add3A_16, %max3A_17 : vector<1280x128xf32>
    %get3A_19 = arith.constant 0 : index
    %get3A_20 = arith.constant 0 : index
    %get3A_21 = vector.load %arg4[%get3A_19, %get3A_20] : memref<128x128xf32, #tpu.memory_space<vmem>>, vector<128x128xf32>
    %dot_general3A_22 = arith.constant dense<0.000000e+00> : vector<1280x128xf32>
    %dot_general3A_23 = tpu.matmul %max3A_18, %get3A_21, %dot_general3A_22 {dimension_numbers = #tpu.dot_dimension_numbers<[1], [0], [0], [1], [0, 0, 1, 1], [], []>, transpose_lhs_hint = false} : vector<1280x128xf32>, vector<128x128xf32>, vector<1280x128xf32> -> vector<1280x128xf32>
    %get3A_24 = arith.constant 0 : index
    %get3A_25 = arith.constant 0 : index
    %get3A_26 = vector.load %arg5[%get3A_24, %get3A_25] : memref<1x128xf32, #tpu.memory_space<vmem>>, vector<1x128xf32>
    %add3A_27 = vector.broadcast %get3A_26 : vector<1x128xf32> to vector<1280x128xf32>
    %add3A_28 = arith.addf %dot_general3A_23, %add3A_27 : vector<1280x128xf32>
    %slice3A = vector.extract_strided_slice %add3A_28 {offsets = [0, 0], sizes = [1280, 64], strides = [1, 1]} : vector<1280x128xf32> to vector<1280x64xf32>
    %convert_element_type3A = arith.truncf %slice3A : vector<1280x64xf32> to vector<1280x64xbf16>
    %swap3A = arith.constant 0 : index
    %swap3A_29 = arith.constant 0 : index
    %swap3A_30 = arith.constant 0 : index
    %swap3A_31 = vector.load %arg7[%swap3A, %swap3A_29, %swap3A_30] : memref<2x1280x64xbf16, #tpu.memory_space<vmem>>, vector<1x1280x64xbf16>
    %swap3A_32 = vector.shape_cast %swap3A_31 : vector<1x1280x64xbf16> to vector<1280x64xbf16>
    %swap3A_33 = vector.shape_cast %convert_element_type3A : vector<1280x64xbf16> to vector<1x1280x64xbf16>
    tpu.vector_store %arg7[%swap3A, %swap3A_29, %swap3A_30], %swap3A_33 {strides = array<i32>} : memref<2x1280x64xbf16, #tpu.memory_space<vmem>>, vector<1x1280x64xbf16>,
    %slice3A_34 = vector.extract_strided_slice %add3A_28 {offsets = [0, 64], sizes = [1280, 64], strides = [1, 1]} : vector<1280x128xf32> to vector<1280x64xf32>
    %convert_element_type3A_35 = arith.truncf %slice3A_34 : vector<1280x64xf32> to vector<1280x64xbf16>
    %swap3A_36 = arith.constant 1 : index
    %swap3A_37 = arith.constant 0 : index
    %swap3A_38 = arith.constant 0 : index
    %swap3A_39 = vector.load %arg7[%swap3A_36, %swap3A_37, %swap3A_38] : memref<2x1280x64xbf16, #tpu.memory_space<vmem>>, vector<1x1280x64xbf16>
    %swap3A_40 = vector.shape_cast %swap3A_39 : vector<1x1280x64xbf16> to vector<1280x64xbf16>
    %swap3A_41 = vector.shape_cast %convert_element_type3A_35 : vector<1280x64xbf16> to vector<1x1280x64xbf16>
    tpu.vector_store %arg7[%swap3A_36, %swap3A_37, %swap3A_38], %swap3A_41 {strides = array<i32>} : memref<2x1280x64xbf16, #tpu.memory_space<vmem>>, vector<1x1280x64xbf16>,
    %get3A_42 = arith.constant 0 : index
    %get3A_43 = arith.constant 0 : index
    %get3A_44 = vector.load %arg6[%get3A_42, %get3A_43] : memref<128x128xf32, #tpu.memory_space<vmem>>, vector<128x128xf32>
    %dot_general3A_45 = arith.constant dense<0.000000e+00> : vector<1280x128xf32>
    %dot_general3A_46 = tpu.matmul %max3A_18, %get3A_44, %dot_general3A_45 {dimension_numbers = #tpu.dot_dimension_numbers<[1], [0], [0], [1], [0, 0, 1, 1], [], []>, transpose_lhs_hint = false} : vector<1280x128xf32>, vector<128x128xf32>, vector<1280x128xf32> -> vector<1280x128xf32>
    %slice3A_47 = vector.extract_strided_slice %dot_general3A_46 {offsets = [0, 0], sizes = [1280, 64], strides = [1, 1]} : vector<1280x128xf32> to vector<1280x64xf32>
    %convert_element_type3A_48 = arith.truncf %slice3A_47 : vector<1280x64xf32> to vector<1280x64xbf16>
    %swap3A_49 = arith.constant 0 : index
    %swap3A_50 = arith.constant 0 : index
    %swap3A_51 = arith.constant 0 : index
    %swap3A_52 = vector.load %arg8[%swap3A_49, %swap3A_50, %swap3A_51] : memref<2x1280x64xbf16, #tpu.memory_space<vmem>>, vector<1x1280x64xbf16>
    %swap3A_53 = vector.shape_cast %swap3A_52 : vector<1x1280x64xbf16> to vector<1280x64xbf16>
    %swap3A_54 = vector.shape_cast %convert_element_type3A_48 : vector<1280x64xbf16> to vector<1x1280x64xbf16>
    tpu.vector_store %arg8[%swap3A_49, %swap3A_50, %swap3A_51], %swap3A_54 {strides = array<i32>} : memref<2x1280x64xbf16, #tpu.memory_space<vmem>>, vector<1x1280x64xbf16>,
    %slice3A_55 = vector.extract_strided_slice %dot_general3A_46 {offsets = [0, 64], sizes = [1280, 64], strides = [1, 1]} : vector<1280x128xf32> to vector<1280x64xf32>
    %convert_element_type3A_56 = arith.truncf %slice3A_55 : vector<1280x64xf32> to vector<1280x64xbf16>
    %swap3A_57 = arith.constant 1 : index
    %swap3A_58 = arith.constant 0 : index
    %swap3A_59 = arith.constant 0 : index
    %swap3A_60 = vector.load %arg8[%swap3A_57, %swap3A_58, %swap3A_59] : memref<2x1280x64xbf16, #tpu.memory_space<vmem>>, vector<1x1280x64xbf16>
    %swap3A_61 = vector.shape_cast %swap3A_60 : vector<1x1280x64xbf16> to vector<1280x64xbf16>
    %swap3A_62 = vector.shape_cast %convert_element_type3A_56 : vector<1280x64xbf16> to vector<1x1280x64xbf16>
    tpu.vector_store %arg8[%swap3A_57, %swap3A_58, %swap3A_59], %swap3A_62 {strides = array<i32>} : memref<2x1280x64xbf16, #tpu.memory_space<vmem>>, vector<1x1280x64xbf16>,
    return
  }
  func.func @transform_0(%arg0: i32) -> (i32, i32, i32) {
    %c0_i32 = arith.constant 0 : i32
    %c0_i32_0 = arith.constant 0 : i32
    %c0_i32_1 = arith.constant 0 : i32
    return %c0_i32, %arg0, %c0_i32_0 : i32, i32, i32
  }
  func.func @transform_1(%arg0: i32) -> (i32, i32) {
    %c0_i32 = arith.constant 0 : i32
    %c0_i32_0 = arith.constant 0 : i32
    %c0_i32_1 = arith.constant 0 : i32
    return %c0_i32, %c0_i32_0 : i32, i32
  }
  func.func @transform_2(%arg0: i32) -> (i32, i32) {
    %c0_i32 = arith.constant 0 : i32
    %c0_i32_0 = arith.constant 0 : i32
    %c0_i32_1 = arith.constant 0 : i32
    return %c0_i32, %c0_i32_0 : i32, i32
  }
  func.func @transform_3(%arg0: i32) -> (i32, i32) {
    %c0_i32 = arith.constant 0 : i32
    %c0_i32_0 = arith.constant 0 : i32
    %c0_i32_1 = arith.constant 0 : i32
    return %c0_i32, %c0_i32_0 : i32, i32
  }
  func.func @transform_4(%arg0: i32) -> (i32, i32) {
    %c0_i32 = arith.constant 0 : i32
    %c0_i32_0 = arith.constant 0 : i32
    %c0_i32_1 = arith.constant 0 : i32
    return %c0_i32, %c0_i32_0 : i32, i32
  }
  func.func @transform_5(%arg0: i32) -> (i32, i32) {
    %c0_i32 = arith.constant 0 : i32
    %c0_i32_0 = arith.constant 0 : i32
    %c0_i32_1 = arith.constant 0 : i32
    return %c0_i32, %c0_i32_0 : i32, i32
  }
  func.func @transform_6(%arg0: i32) -> (i32, i32, i32) {
    %c0_i32 = arith.constant 0 : i32
    %c0_i32_0 = arith.constant 0 : i32
    %c0_i32_1 = arith.constant 0 : i32
    return %c0_i32, %arg0, %c0_i32_0 : i32, i32, i32
  }
  func.func @transform_7(%arg0: i32) -> (i32, i32, i32) {
    %c0_i32 = arith.constant 0 : i32
    %c0_i32_0 = arith.constant 0 : i32
    %c0_i32_1 = arith.constant 0 : i32
    return %c0_i32, %arg0, %c0_i32_0 : i32, i32, i32
  }
}

module attributes {stable_mosaic.version = 14 : i64} {
  func.func @_final_body(%arg0: i32, %arg1: memref<2x1280x64xf32, #tpu.memory_space<vmem>>, %arg2: memref<128x128xf32, #tpu.memory_space<vmem>>, %arg3: memref<1x128xf32, #tpu.memory_space<vmem>>, %arg4: memref<1x128xf32, #tpu.memory_space<vmem>>) attributes {dimension_semantics = [#tpu.dimension_semantics<arbitrary>], iteration_bounds = array<i64: 8>, scalar_prefetch = 0 : i64, scratch_operands = 0 : i64, tpu.core_type = #tpu.core_type<tc>, window_params = [{transform_indices = @transform_0, window_bounds = array<i64: 2, 1280, 64>}, {pipeline_mode = #tpu.pipeline_mode<synchronous>, transform_indices = @transform_1, window_bounds = array<i64: 128, 128>}, {pipeline_mode = #tpu.pipeline_mode<synchronous>, transform_indices = @transform_2, window_bounds = array<i64: 1, 128>}, {pipeline_mode = #tpu.pipeline_mode<synchronous>, transform_indices = @transform_3, window_bounds = array<i64: 1, 128>}]} {
    %get3A = arith.constant 0 : index
    %get3A_0 = arith.constant 0 : index
    %get3A_1 = arith.constant 0 : index
    %get3A_2 = vector.load %arg1[%get3A, %get3A_0, %get3A_1] : memref<2x1280x64xf32, #tpu.memory_space<vmem>>, vector<1x1280x64xf32>
    %get3A_3 = vector.shape_cast %get3A_2 : vector<1x1280x64xf32> to vector<1280x64xf32>
    %get3A_4 = arith.constant 1 : index
    %get3A_5 = arith.constant 0 : index
    %get3A_6 = arith.constant 0 : index
    %get3A_7 = vector.load %arg1[%get3A_4, %get3A_5, %get3A_6] : memref<2x1280x64xf32, #tpu.memory_space<vmem>>, vector<1x1280x64xf32>
    %get3A_8 = vector.shape_cast %get3A_7 : vector<1x1280x64xf32> to vector<1280x64xf32>
    %concatenate3A = tpu.concatenate %get3A_3, %get3A_8 in 1 : vector<1280x64xf32>, vector<1280x64xf32> -> vector<1280x128xf32>
    %get3A_9 = arith.constant 0 : index
    %get3A_10 = arith.constant 0 : index
    %get3A_11 = vector.load %arg2[%get3A_9, %get3A_10] : memref<128x128xf32, #tpu.memory_space<vmem>>, vector<128x128xf32>
    %dot_general3A = arith.constant dense<0.000000e+00> : vector<1280x128xf32>
    %dot_general3A_12 = tpu.matmul %concatenate3A, %get3A_11, %dot_general3A {dimension_numbers = #tpu.dot_dimension_numbers<[1], [0], [0], [1], [0, 0, 1, 1], [], []>, transpose_lhs_hint = false} : vector<1280x128xf32>, vector<128x128xf32>, vector<1280x128xf32> -> vector<1280x128xf32>
    %get3A_13 = arith.constant 0 : index
    %get3A_14 = arith.constant 0 : index
    %get3A_15 = vector.load %arg3[%get3A_13, %get3A_14] : memref<1x128xf32, #tpu.memory_space<vmem>>, vector<1x128xf32>
    %add3A = vector.broadcast %get3A_15 : vector<1x128xf32> to vector<1280x128xf32>
    %add3A_16 = arith.addf %dot_general3A_12, %add3A : vector<1280x128xf32>
    %max3A = arith.constant 0.000000e+00 : f32
    %max3A_17 = vector.broadcast %max3A : f32 to vector<1280x128xf32>
    %max3A_18 = arith.maximumf %add3A_16, %max3A_17 : vector<1280x128xf32>
    %iota3A = tpu.iota {dimensions = array<i32: 0>} : vector<1280x1xi32>
    %mul3A = arith.constant 1280 : i32
    %mul3A_19 = arith.muli %arg0, %mul3A : i32
    %add3A_20 = vector.broadcast %mul3A_19 : i32 to vector<1280x1xi32>
    %add3A_21 = arith.addi %iota3A, %add3A_20 : vector<1280x1xi32>
    %lt3A = arith.constant 10000 : i32
    %lt3A_22 = vector.broadcast %lt3A : i32 to vector<1280x1xi32>
    %lt3A_23 = arith.cmpi slt, %add3A_21, %lt3A_22 : vector<1280x1xi32>
    %jit3A = arith.constant 0.000000e+00 : f32
    %broadcast_in_dim3A = vector.shape_cast %lt3A_23 : vector<1280x1xi1> to vector<1280x1xi1>
    %broadcast_in_dim3A_24 = vector.broadcast %broadcast_in_dim3A : vector<1280x1xi1> to vector<1280x128xi1>
    %broadcast_in_dim3A_25 = vector.broadcast %jit3A : f32 to vector<1280x128xf32>
    %select_n3A = arith.select %broadcast_in_dim3A_24, %max3A_18, %broadcast_in_dim3A_25 : vector<1280x128xi1>, vector<1280x128xf32>
    %reduce_sum3A = arith.constant dense<0.000000e+00> : vector<128xf32>
    %reduce_sum3A_26 = vector.multi_reduction <add>, %select_n3A, %reduce_sum3A [0] : vector<1280x128xf32> to vector<128xf32>
    %broadcast_in_dim3A_27 = vector.shape_cast %reduce_sum3A_26 : vector<128xf32> to vector<1x128xf32>
    %mul3A_28 = arith.constant 9.99999974E-5 : f32
    %mul3A_29 = vector.broadcast %mul3A_28 : f32 to vector<1x128xf32>
    %mul3A_30 = arith.mulf %broadcast_in_dim3A_27, %mul3A_29 : vector<1x128xf32>
    %eq3A = arith.constant 0 : i32
    %eq3A_31 = arith.cmpi eq, %arg0, %eq3A : i32
    %convert_element_type3A = arith.extui %eq3A_31 : i1 to i32
    %cond3A = arith.constant 0 : i32
    %cond3A_32 = arith.cmpi ne, %convert_element_type3A, %cond3A : i32
    scf.if %cond3A_32 {
      %swap3A = arith.constant 0 : index
      %swap3A_37 = arith.constant 0 : index
      %swap3A_38 = vector.load %arg4[%swap3A, %swap3A_37] : memref<1x128xf32, #tpu.memory_space<vmem>>, vector<1x128xf32>
      tpu.vector_store %arg4[%swap3A, %swap3A_37], %mul3A_30 {strides = array<i32>} : memref<1x128xf32, #tpu.memory_space<vmem>>, vector<1x128xf32>,
    } else {
    }
    %gt3A = arith.constant 0 : i32
    %gt3A_33 = arith.cmpi sgt, %arg0, %gt3A : i32
    %convert_element_type3A_34 = arith.extui %gt3A_33 : i1 to i32
    %cond3A_35 = arith.constant 0 : i32
    %cond3A_36 = arith.cmpi ne, %convert_element_type3A_34, %cond3A_35 : i32
    scf.if %cond3A_36 {
      %get3A_37 = arith.constant 0 : index
      %get3A_38 = arith.constant 0 : index
      %get3A_39 = vector.load %arg4[%get3A_37, %get3A_38] : memref<1x128xf32, #tpu.memory_space<vmem>>, vector<1x128xf32>
      %add3A_40 = arith.addf %get3A_39, %mul3A_30 : vector<1x128xf32>
      %swap3A = arith.constant 0 : index
      %swap3A_41 = arith.constant 0 : index
      %swap3A_42 = vector.load %arg4[%swap3A, %swap3A_41] : memref<1x128xf32, #tpu.memory_space<vmem>>, vector<1x128xf32>
      tpu.vector_store %arg4[%swap3A, %swap3A_41], %add3A_40 {strides = array<i32>} : memref<1x128xf32, #tpu.memory_space<vmem>>, vector<1x128xf32>,
    } else {
    }
    return
  }
  func.func @transform_0(%arg0: i32) -> (i32, i32, i32) {
    %c0_i32 = arith.constant 0 : i32
    %c0_i32_0 = arith.constant 0 : i32
    %c0_i32_1 = arith.constant 0 : i32
    return %c0_i32, %arg0, %c0_i32_0 : i32, i32, i32
  }
  func.func @transform_1(%arg0: i32) -> (i32, i32) {
    %c0_i32 = arith.constant 0 : i32
    %c0_i32_0 = arith.constant 0 : i32
    %c0_i32_1 = arith.constant 0 : i32
    return %c0_i32, %c0_i32_0 : i32, i32
  }
  func.func @transform_2(%arg0: i32) -> (i32, i32) {
    %c0_i32 = arith.constant 0 : i32
    %c0_i32_0 = arith.constant 0 : i32
    %c0_i32_1 = arith.constant 0 : i32
    return %c0_i32, %c0_i32_0 : i32, i32
  }
  func.func @transform_3(%arg0: i32) -> (i32, i32) {
    %c0_i32 = arith.constant 0 : i32
    %c0_i32_0 = arith.constant 0 : i32
    %c0_i32_1 = arith.constant 0 : i32
    return %c0_i32, %c0_i32_0 : i32, i32
  }
}

</mosaic_0001>

<sc_bundles>
// kernel: kernel.12.cloned.1.call-start
scs
__scs_entry_jumppad:
0x0: {  	(pc) =	sbr.rel $0x88, $3  }
0x1: {  	(tag) =	ssettag $0x0;
	lr =	simm.s32 $0x1  }
0x2: {  	[smem:$0x3F99] =	sst lr;
	_ =	strace $0xD0000000  }
0x3: {  	_ = 	snop  }
0x4: {  	_ = 	snop  }
0x5: {  	_ = 	snop  }
0x6: {  	_ = 	snop  }
0x7: {  	_ = 	snop  }
__scs_overlays_trampoline_lowered:
0x8: {  	[smem:$0x3FA8] =	sst s0  }
0x9: {  	[smem:$0x3FA9] =	sst s1  }
0xa: {  	[smem:$0x3FAA] =	sst s2  }
0xb: {  	[smem:$0x3FAB] =	sst s3  }
0xc: {  	[smem:$0x3FAC] =	sst s4  }
0xd: {  	[smem:$0x3FAD] =	sst s5  }
0xe: {  	[smem:$0x3FAE] =	sst s6  }
0xf: {  	[smem:$0x3FAF] =	sst s7  }
0x10: {  	[smem:$0x3FB0] =	sst s8  }
0x11: {  	[smem:$0x3FB1] =	sst s9;
	s0 =	simm.s32 @!p0 $0x0  }
0x12: {  	s1 =	sld [smem:$0x3F97];
	s0 =	simm.s32 @p0 $0x1  }
0x13: {  	[smem:$0x3FB2] =	sst s0;
	s0 =	simm.s32 @!p1 $0x0  }
0x14: {  	s2 =	sld [smem:$0x3F96];
	s0 =	simm.s32 @p1 $0x1  }
0x15: {  	[smem:$0x3FB3] =	sst s0;
	s0 =	simm.s32 @!p2 $0x0  }
0x16: {  	s3 =	sld [smem:$0x3FDB];
	s0 =	simm.s32 @p2 $0x1  }
0x17: {  	s4 =	simm.s32 $0x1BF5;
	[smem:$0x3FB5] =	sst s0  }
0x18: {  	s0 =	sld [smem:$0x3F98];
	_ =	swait.ge [sflag:s4], $0x0  }
0x19: {  	s7 =	sld [smem:$0x3F99]  }
0x1a: {  	s8 =	sadd.s32 $0xFFFFE003, lr  }
0x1b: {  	s9 =	sadd.s32 $0xFFFFFEF7, lr;
	s5 =	simm.s32 $0xFFFFFFFF;
	p2 =	slt.u32 s8, $0xFFFFF086  }
0x1c: {  	p1 =	slt.u32 s9, $0xF7A;
	s5 =	simm.s32 @!p2 $0x0  }
0x1d: {  	s5 =	simm.s32 @p1 $0x1;
	p0 =	seq.s32 s7, s2  }
0x1e: {  	s7 =	smul.u32 @!p0 $0xF7A, s2;
	p2 =	seq.s32 @!p0 s5, $0x0  }
0x1f: {  	s9 =	smul.u32 $0xF7A, s1;
	s8 =	simm.s32 @!p0 $0x1BF5;
	p2 =	por !p2, p0  }
0x20: {  	[sflag:s8] =	ssyncset.s32 @!p0 $0xFFFFF086;
	s6 =	sadd.s32 @!p0 s3, s7;
	s7 =	simm.s32 @!p0 $0x108  }
0x21: {  	s3 =	sadd.s32 s3, s9;
	s6 =	sadd.s32 @!p0 $0x88, s6;
	s7 =	simm.s32 @p2 $0x1082  }
0x22: {  	[simem:s7], [sflag:s8] =	dma.local @!p0 [hbm:s6], $0xF7A  }
0x23: {  	s9 =	sor.u32 $0xD0000000, s2;
	s6 =	simm.s32 $0x108;
	_ =	swait.ge @!p0 [sflag:s8], $0x0  }
0x24: {  	s3 =	sadd.s32 $0x88, s3;
	s6 =	simm.s32 @!p1 $0x1082;
	[sflag:s4] =	ssyncset.s32 $0xFFFFF086  }
0x25: {  	[simem:s6], [sflag:s4] =	dma.local [hbm:s3], $0xF7A  }
0x26: {  	[smem:$0x3F99] =	sst s1;
	(tag) =	ssettag s2;
	_ =	strace s9  }
0x27: {  	s1 =	sld [smem:$0x3FA9]  }
0x28: {  	s2 =	sld [smem:$0x3FAA]  }
0x29: {  	s4 =	sld [smem:$0x3FAC]  }
0x2a: {  	p0 =	seq.s32 s5, $0x0;
	s5 =	sld [smem:$0x3FAD]  }
0x2b: {  	s6 =	sld [smem:$0x3FAE]  }
0x2c: {  	s7 =	sld [smem:$0x3FAF]  }
0x2d: {  	s3 =	simm.s32 $0x108;
	s8 =	sld [smem:$0x3FB0]  }
0x2e: {  	s3 =	simm.s32 @!p0 $0x1082;
	s9 =	sld [smem:$0x3FB1]  }
0x2f: {  	lr =	sadd.s32 s0, s3;
	s0 =	sld [smem:$0x3FA8]  }
0x30: {  	s3 =	sld [smem:$0x3FAB]  }
0x31: {  	[smem:$0x3FB4] =	sst s10  }
0x32: {  	s10 =	sld [smem:$0x3FB2];
	_ =	sdelay $0x3  }
0x33: {  	p0 =	seq.s32 s10, $0x1;
	s10 =	sld [smem:$0x3FB4];
	_ =	sdelay $0x3  }
0x34: {  	[smem:$0x3FB4] =	sst s10  }
0x35: {  	s10 =	sld [smem:$0x3FB3];
	_ =	sdelay $0x3  }
0x36: {  	p1 =	seq.s32 s10, $0x1;
	s10 =	sld [smem:$0x3FB4];
	_ =	sdelay $0x3  }
0x37: {  	[smem:$0x3FB4] =	sst s10  }
0x38: {  	s10 =	sld [smem:$0x3FB5]  }
0x39: {  	_ = 	snop;
	(pc) =	sbr.ind lr, $3  }
0x3a: {  	_ = 	snop  }
0x3b: {  	_ = 	snop  }
0x3c: {  	p2 =	seq.s32 s10, $0x1;
	s10 =	sld [smem:$0x3FB4]  }
0x3d: {  	_ =	shalt  }
0x3e: {  	_ =	shalt  }
0x3f: {  	_ =	shalt  }
0x40: {  	_ =	shalt  }
0x41: {  	_ =	shalt  }
0x42: {  	_ =	shalt  }
0x43: {  	_ =	shalt  }
0x44: {  	_ =	shalt  }
0x45: {  	_ =	shalt  }
0x46: {  	_ =	shalt  }
0x47: {  	_ =	shalt  }
0x48: {  	_ =	shalt  }
0x49: {  	_ =	shalt  }
0x4a: {  	_ =	shalt  }
0x4b: {  	_ =	shalt  }
0x4c: {  	_ =	shalt  }
0x4d: {  	_ =	shalt  }
0x4e: {  	_ =	shalt  }
0x4f: {  	_ =	shalt  }
0x50: {  	_ =	shalt  }
0x51: {  	_ =	shalt  }
0x52: {  	_ =	shalt  }
0x53: {  	_ =	shalt  }
0x54: {  	_ =	shalt  }
0x55: {  	_ =	shalt  }
0x56: {  	_ =	shalt  }
0x57: {  	_ =	shalt  }
0x58: {  	_ =	shalt  }
0x59: {  	_ =	shalt  }
0x5a: {  	_ =	shalt  }
0x5b: {  	_ =	shalt  }
0x5c: {  	_ =	shalt  }
0x5d: {  	_ =	shalt  }
0x5e: {  	_ =	shalt  }
0x5f: {  	_ =	shalt  }
0x60: {  	_ =	shalt  }
0x61: {  	_ =	shalt  }
0x62: {  	_ =	shalt  }
0x63: {  	_ =	shalt  }
0x64: {  	_ =	shalt  }
0x65: {  	_ =	shalt  }
0x66: {  	_ =	shalt  }
0x67: {  	_ =	shalt  }
0x68: {  	_ =	shalt  }
0x69: {  	_ =	shalt  }
0x6a: {  	_ =	shalt  }
0x6b: {  	_ =	shalt  }
0x6c: {  	_ =	shalt  }
0x6d: {  	_ =	shalt  }
0x6e: {  	_ =	shalt  }
0x6f: {  	_ =	shalt  }
0x70: {  	_ =	shalt  }
0x71: {  	_ =	shalt  }
0x72: {  	_ =	shalt  }
0x73: {  	_ =	shalt  }
0x74: {  	_ =	shalt  }
0x75: {  	_ =	shalt  }
0x76: {  	_ =	shalt  }
0x77: {  	_ =	shalt  }
0x78: {  	_ =	shalt  }
0x79: {  	_ =	shalt  }
0x7a: {  	_ =	shalt  }
0x7b: {  	_ =	shalt  }
0x7c: {  	_ =	shalt  }
0x7d: {  	_ =	shalt  }
0x7e: {  	_ =	shalt  }
0x7f: {  	_ =	shalt  }
0x80: {  	_ =	shalt  }
0x81: {  	_ =	shalt  }
0x82: {  	_ =	shalt  }
0x83: {  	_ =	shalt  }
0x84: {  	_ =	shalt  }
0x85: {  	_ =	shalt  }
0x86: {  	_ =	shalt  }
0x87: {  	_ =	shalt  }
.Lfunc_end0:
.L_simem_size_0:
called_computation.1_lowered:
.L_overlay_start_0:
0x88: {  	s2 =	sld [smem:$0x3FD9]  }
0x89: {  	s3 =	sld [smem:$0x3FFE];
	_ =	sdelay $0x1  }
0x8a: {  	s1 =	srdreg.scid  }
0x8b: {  	s0 =	sand.u32 $0x1, s1  }
0x8c: {  	s16 =	sshll.u32 s0, $0xA;
	s2 =	sadd.s32 s3, s2  }
0x8d: {  	s2 =	sadd.s32 s2, s16  }
0x8e: {  	[smem:$0x3FC0] =	sst s2  }
0x8f: {  	_ = 	snop  }
0x90: {  	(tm) =	ssettm $0x1  }
0x91: {  	s17 =	sld [smem:$0x3FFB];
	_ =	sdelay $0x3  }
0x92: {  	_ =	strace s17  }
0x93: {  	s2 =	sld [smem:$0x3FFC];
	_ =	sdelay $0x3  }
0x94: {  	_ =	strace s2  }
0x95: {  	s2 =	sld [smem:$0x3FFD];
	_ =	sdelay $0x3  }
0x96: {  	_ =	strace s2  }
0x97: {  	_ =	strace $0x8FFFFFFF  }
0x98: {  	s18 =	sld [smem:$0x3FDB];
	_ =	sdelay $0x1  }
0x99: {  	s19 =	simm.s32 $_scs_section_size  }
0x9a: {  	s4 =	simm.s32 $_size__tile_overlayer_lowered;
	s5 =	simm.s32 $_tile_overlayer_lowered  }
0x9b: {  	s22 =	simm.s32 $0x1BFF;
	s21 =	sshll.u32 s5, $0x1;
	s2 =	sadd.s32 s19, s18  }
0x9c: {  	s6 =	simm.s32 $0x0;
	s20 =	sshll.u32 s4, $0x1;
	s4 =	sadd.s32 s21, s2  }
0x9d: {  	[timem:s6], [sflag:s22] =	dma.local [hbm:s4], s20  }
0x9e: {  	_ =	swait.ge [sflag:s22], s20  }
0x9f: {  	s3 =	ssub.s32 $0x0, s20;
	[sflag:s22] =	ssyncset.done $0x0  }
0xa0: {  	[sflag:s22] =	ssyncadd.s32 s3;
	_ =	sdelay $0x1  }
0xa1: {  	s23 =	simm.s32 $0x1B8B  }
0xa2: {  	_ =	swait.ge [sflag:s23], $0x1  }
0xa3: {  	[sflag:s23] =	ssyncset.done $0x0  }
0xa4: {  	s25 =	simm.s32 $0x1B8E;
	s24 =	sld [smem:$0x3FFE];
	[sflag:s23] =	ssyncadd.s32 $0xFFFFFFFF  }
0xa5: {  	s26 =	simm.s32 $execute0_lowered;
	[smem:$0x3FD2] =	sst s25  }
0xa6: {  	s4 =	sshll.u32 s26, $0x1;
	_ =	strace $0x80000049;
	[dreg:$0x1] =	wrdreg $0xFFFFFFFF  }
0xa7: {  	s28 =	simm.s32 $_size_execute0_lowered;
	s2 =	sadd.s32 s2, s4;
	[dreg:$0x0] =	wrdreg $0x0  }
0xa8: {  	s4 =	sshll.u32 s28, $0x1;
	[dreg:$0x2] =	wrdreg s2  }
0xa9: {  	[dreg:$0x3] =	wrdreg s4  }
0xaa: {  	[dreg:$0x4] =	wrdreg $0xC0  }
0xab: {  	_ =	task [dreg:s6], $0x5FFFF  }
0xac: {  	[dreg:$0x1] =	wrdreg $0xFFFFFFFF  }
0xad: {  	[dreg:$0x0] =	wrdreg $0x60  }
0xae: {  	[dreg:$0x2] =	wrdreg s24  }
0xaf: {  	[dreg:$0x3] =	wrdreg $0x11E000  }
0xb0: {  	[dreg:$0x4] =	wrdreg $0x9  }
0xb1: {  	_ =	task.clear_ibuf [dreg:s6], $0x5FFFF;
	_ =	strace $0x90000049  }
0xb2: {  	s29 =	simm.s32 $0x9;
	_ =	strace $0x8000004B  }
0xb3: {  	_ =	swait.ge [sflag:s29], $0x1  }
0xb4: {  	[sflag:s29] =	ssyncadd.s32 $0xFFFFFFFF  }
0xb5: {  	_ =	strace $0x9000004B  }
0xb6: {  	_ =	sfence  }
0xb7: {  	s30 =	sld [smem:$0x0];
	_ =	sdelay $0x2  }
0xb8: {  	s31 =	sshll.u32 s1, $0xD;
	s1 =	sshrl.u32 s1, $0x2  }
0xb9: {  	s3 =	sand.u32 $0x4000, s31;
	s1 =	sadd.s32 s1, s30  }
0xba: {  	s0 =	sor.u32 s3, s0;
	s1 =	sshll.u32 s1, $0x11  }
0xbb: {  	s0 =	sor.u32 s1, s0  }
0xbc: {  	s0 =	sadd.s32 $0x8F2B, s0  }
0xbd: {  	[sflag:s0] =	ssyncadd.remote.s32 $0x1  }
0xbe: {  	_ =	sfence.sel $0xFFFF  }
0xbf: {  	[dreg:$0x0] =	wrdreg $0xFFFFFFFF;
	(pc) =	sbr.abs _section_cstart, $3  }
0xc0: {  	[dreg:$0x1] =	wrdreg $0xFFFFFFFF  }
0xc1: {  	_ =	task.clear_ibuf [dreg:s6], $0x2FFFF;
	_ =	strace $0x9FFFFFFF  }
0xc2: {  	(tm) =	ssettm $0x7FFFFFFF  }
0xc3: {  	_ =	shalt  }
tec
execute0_lowered:
.L_overlay_start_1:
0x0: {  	(tag) =	ssettag $0x1  }
0x1: {  	s0 =	rddreg [dreg:$0x0];
	s12 =	stileid.u32  }
0x2: {  	s1 =	srdreg.scid;
	s2 =	rddreg [dreg:$0x1];
	s3 =	simm.s32 $0x0  }
0x3: {  	s11 =	simm.s32 $0x4;
	s15 =	simm.s32 $0x80;
	s20 =	simm.s32 $0xCE00  }
0x4: {  	s21 =	simm.s32 $0x1;
	s22 =	simm.s32 $0xDE00;
	s23 =	simm.s32 $0x2  }
0x5: {  	s24 =	simm.s32 $0x3;
	s25 =	simm.s32 $0xFE00;
	s26 =	simm.s32 $0x0  }
0x6: {  	s4 =	smul.u32 $0x9E0, s12;
	s1 =	sand.u32 $0x1, s1;
	[smem:$0x7FF] =	sst s3  }
0x7: {  	s7 =	smul.u32 $0xA000, s12;
	s31 =	sshll.u32 s12, $0x6;
	s12 =	simm.s32 $0x4F00  }
0x8: {  	s5 =	smul.u32 $0xA0000, s1;
	_ =	strace $0x8000004A;
	s1 =	ssub.s32 $0x2, s1  }
0x9: {  	s13 =	sor.u32 $0x1C04, s31;
	s6 =	sadd.s32 s4, s0;
	s9 =	sshrl.u32 s1, $0x1  }
0xa: {  	s4 =	sadd.s32 $0x3E000, s0;
	s14 =	sadd.s32 s7, s2;
	s30 =	sshrl.u32 s5, $0x4  }
0xb: {  	s5 =	sadd.s32 s7, s5;
	s1 =	ssub.s32 s1, s9;
	s14 =	sshrl.u32 s14, $0x3  }
0xc: {  	s8 =	sadd.s32 s30, s0;
	s5 =	sshrl.u32 s5, $0x3;
	s10 =	smax.u32 s1, $0x1  }
0xd: {  	s0 =	sadd.s32 s5, s0;
	s5 =	sadd.s32 $0xC200, s6;
	s6 =	sadd.s32 $0x2400, s6  }
0xe: {  	v0 =	vimm.bf16 $0.0e+00;
	s7 =	sadd.s32 $0x16000, s8;
	s8 =	sadd.s32 $0x2A000, s8;
	s9 =	sadd.s32 $0x3F400, s0  }
.LBB2_1:
0xf: {  	[tilespmem:s3], [sflag:$0x4] =	stream.linear.gather [hbm4b:s5+s3], $0x4F00, $0x38;
	[tilespmem:$0x1BE00] =	vst v63  }
0x10: {  	_ =	swait.ge [sflag:s11], $0x4F00  }
0x11: {  	[sflag:s11] =	ssyncset.done $0x0  }
0x12: {  	[sflag:s11] =	ssyncadd.s32 $0xFFFFB100  }
0x13: {  	[tilespmem:s12], [sflag:$0x4] =	stream.linear.gather [hbm4b:s6+s3], $0x4F00, $0x38;
	[tilespmem:$0x1BE00] =	vst v63  }
0x14: {  	_ =	swait.ge [sflag:s11], $0x4F00  }
0x15: {  	[sflag:s11] =	ssyncset.done $0x0  }
0x16: {  	[sflag:s11] =	ssyncadd.s32 $0xFFFFB100  }
0x17: {  	[spmem:s14], [sflag:s13] =	dma.local [hbm:s4], $0x1400  }
0x18: {  	_ =	swait.ge [sflag:s11], $0x1400  }
0x19: {  	[sflag:s11] =	ssyncset.done $0x0  }
0x1a: {  	[sflag:s11] =	ssyncadd.s32 $0xFFFFEC00  }
0x1b: {  	s0 =	simm.s32 $0x9E00;
	[bflag:$0x0] =	sbarrier.arrive $0xFFFF  }
0x1c: {  	[tilespmem:s0], [sflag:$0x1] =	stream.indirect.gather [hbm4b:s7+s15], $0x20, s3, s15, $0xb8;
	[tilespmem:$0x1BE00] =	vst v63  }
0x1d: {  	s29 =	simm.s32 $0xAE00  }
0x1e: {  	[tilespmem:s29], [sflag:$0x1] =	stream.indirect.gather [hbm4b:s8+s15], $0x20, s12, s15, $0xb8;
	[tilespmem:$0x1BE00] =	vst v63  }
0x1f: {  	s30 =	simm.s32 $0xBE00  }
0x20: {  	[tilespmem:s30], [sflag:$0x2] =	stream.indirect.gather [hbm4b:s7+s15], $0x20, s15, s15, $0xb8;
	[tilespmem:$0x1BE00] =	vst v63  }
0x21: {  	s31 =	simm.s32 $0x4F80;
	s28 =	simm.s32 $0x0  }
0x22: {  	[tilespmem:s20], [sflag:$0x2] =	stream.indirect.gather [hbm4b:s8+s15], $0x20, s31, s15, $0xb8;
	[tilespmem:$0x1BE00] =	vst v63  }
.LBB2_2:
0x23: {  	_ =	swait.ge [sflag:s21], $0x1000  }
0x24: {  	[sflag:s21] =	ssyncset.done $0x0  }
0x25: {  	[sflag:s21] =	ssyncadd.s32 $0xFFFFF000  }
0x26: {  	_ =	swait.ge [sflag:s21], $0x1000  }
0x27: {  	[sflag:s21] =	ssyncset.done $0x0  }
0x28: {  	s17 =	simm.s32 $0x9E40;
	[sflag:s21] =	ssyncadd.s32 $0xFFFFF000  }
0x29: {  	s16 =	simm.s32 $0xAE40;
	v1 =	vld [tilespmem:s17+$0x20]  }
0x2a: {  	v2 =	vld [tilespmem:s16+$0x20];
	_ =	sdelay $0x2  }
0x2b: {  	v3 =	vld [tilespmem:s17+$0xFFFFFFE0]  }
0x2c: {  	v4 =	vld [tilespmem:s16+$0xFFFFFFE0]  }
0x2d: {  	v1 =	vadd.bf16 v2, v1  }
0x2e: {  	s30 =	simm.s32 $0x9EC0;
	v6 =	vld [tilespmem:s16+$0x0]  }
0x2f: {  	v9 =	vld [tilespmem:s30+$0xFFFFFFE0];
	v1 =	vmax.bf16 v1, v0  }
0x30: {  	s29 =	simm.s32 $0xDE80;
	v2 =	vld [tilespmem:s16+$0xFFFFFFC0];
	v5 =	vunpack.i.l.bf16.f32 v1  }
0x31: {  	v3 =	vadd.bf16 v4, v3;
	v4 =	vld [tilespmem:s17+$0x0];
	v1 =	vunpack.i.u.bf16.f32 v1;
	[tilespmem:s29+$0x40] =	vst v5  }
0x32: {  	v5 =	vld [tilespmem:s17+$0xFFFFFFC0];
	[tilespmem:s29+$0x50] =	vst v1  }
0x33: {  	v3 =	vmax.bf16 v3, v0;
	v7 =	vld [tilespmem:s17+$0x30]  }
0x34: {  	v1 =	vunpack.i.l.bf16.f32 v3;
	v3 =	vunpack.i.u.bf16.f32 v3;
	v8 =	vld [tilespmem:s16+$0x30]  }
0x35: {  	s0 =	simm.s32 $0xAEC0;
	[tilespmem:s29+$0xFFFFFFD0] =	vst v3;
	v3 =	vld [tilespmem:s30+$0x20]  }
0x36: {  	v4 =	vadd.bf16 v6, v4;
	v6 =	vld [tilespmem:s0+$0x20]  }
0x37: {  	v11 =	vld [tilespmem:s0+$0xFFFFFFE0];
	[tilespmem:s29+$0xFFFFFFC0] =	vst v1;
	v2 =	vadd.bf16 v2, v5  }
0x38: {  	v1 =	vld [tilespmem:s17+$0xFFFFFFF0];
	v4 =	vmax.bf16 v4, v0  }
0x39: {  	v10 =	vunpack.i.l.bf16.f32 v4;
	v5 =	vld [tilespmem:s0+$0xFFFFFFC0];
	v2 =	vmax.bf16 v2, v0  }
0x3a: {  	[tilespmem:s29+$0x0] =	vst v10;
	v10 =	vld [tilespmem:s0+$0x0];
	v7 =	vadd.bf16 v8, v7;
	v12 =	vunpack.i.l.bf16.f32 v2  }
0x3b: {  	v8 =	vld [tilespmem:s30+$0x0];
	v3 =	vadd.bf16 v6, v3;
	v2 =	vunpack.i.u.bf16.f32 v2;
	[tilespmem:s29+$0xFFFFFF80] =	vst v12  }
0x3c: {  	v4 =	vunpack.i.u.bf16.f32 v4;
	v6 =	vld [tilespmem:s30+$0xFFFFFFC0];
	[tilespmem:s29+$0xFFFFFF90] =	vst v2;
	v2 =	vmax.bf16 v7, v0  }
0x3d: {  	[tilespmem:s29+$0x10] =	vst v4;
	v3 =	vmax.bf16 v3, v0;
	v4 =	vunpack.i.u.bf16.f32 v2;
	v12 =	vld [tilespmem:s17+$0xFFFFFFD0]  }
0x3e: {  	s1 =	simm.s32 $0xDF80;
	v7 =	vadd.bf16 v11, v9;
	v13 =	vld [tilespmem:s16+$0xFFFFFFD0];
	[tilespmem:s29+$0x70] =	vst v4;
	v4 =	vunpack.i.l.bf16.f32 v3  }
0x3f: {  	v9 =	vunpack.i.l.bf16.f32 v2;
	v2 =	vld [tilespmem:s17+$0x10];
	v3 =	vunpack.i.u.bf16.f32 v3;
	[tilespmem:s1+$0x40] =	vst v4  }
0x40: {  	v7 =	vmax.bf16 v7, v0;
	v8 =	vadd.bf16 v10, v8;
	v4 =	vld [tilespmem:s16+$0xFFFFFFF0];
	[tilespmem:s1+$0x50] =	vst v3  }
0x41: {  	[tilespmem:s29+$0x60] =	vst v9;
	v3 =	vadd.bf16 v5, v6;
	v6 =	vunpack.i.l.bf16.f32 v7;
	v5 =	vld [tilespmem:s30+$0x30]  }
0x42: {  	v9 =	vunpack.i.u.bf16.f32 v7;
	[tilespmem:s1+$0xFFFFFFC0] =	vst v6;
	v6 =	vmax.bf16 v8, v0;
	v7 =	vld [tilespmem:s0+$0x30]  }
0x43: {  	[tilespmem:s1+$0xFFFFFFD0] =	vst v9;
	v3 =	vmax.bf16 v3, v0;
	v8 =	vunpack.i.u.bf16.f32 v6;
	v10 =	vunpack.i.l.bf16.f32 v6;
	v6 =	vld [tilespmem:s16+$0x10]  }
0x44: {  	s18 =	simm.s32 $0x9F40;
	s17 =	simm.s32 $0x4;
	s16 =	simm.s32 $0xAEC0;
	v9 =	vunpack.i.u.bf16.f32 v3;
	v11 =	vunpack.i.l.bf16.f32 v3;
	v3 =	vld [tilespmem:s30+$0xFFFFFFF0];
	[tilespmem:s1+$0x0] =	vst v10;
	v10 =	vadd.bf16 v13, v12  }
.LBB2_3:
0x45: {  	v12 =	vld [tilespmem:s18+$0x20];
	[tilespmem:s1+$0xFFFFFF80] =	vst v11;
	s0 =	sadd.s32 $0x80, s0;
	v1 =	vadd.bf16 v4, v1  }
0x46: {  	v4 =	vld [tilespmem:s0+$0x20];
	[tilespmem:s1+$0xFFFFFF90] =	vst v9;
	v9 =	vmax.bf16 v10, v0  }
0x47: {  	v10 =	vld [tilespmem:s0+$0xFFFFFFC0];
	[tilespmem:s1+$0x10] =	vst v8;
	v5 =	vadd.bf16 v7, v5;
	v7 =	vunpack.i.u.bf16.f32 v9;
	v11 =	vmax.bf16 v1, v0  }
0x48: {  	s17 =	sadd.s32 $0x4, s17;
	v9 =	vunpack.i.l.bf16.f32 v9;
	v8 =	vld [tilespmem:s18+$0xFFFFFFE0];
	[tilespmem:s29+$0xFFFFFFB0] =	vst v7;
	v7 =	vunpack.i.u.bf16.f32 v11;
	v2 =	vadd.bf16 v6, v2  }
0x49: {  	p0 =	slt.u32 s17, $0x7C;
	v6 =	vld [tilespmem:s0+$0xFFFFFFE0];
	v5 =	vmax.bf16 v5, v0;
	[tilespmem:s29+$0xFFFFFFA0] =	vst v9;
	v9 =	vunpack.i.l.bf16.f32 v11;
	v1 =	vmov v3  }
0x4a: {  	v3 =	vld [tilespmem:s18+$0x0];
	v11 =	vunpack.i.u.bf16.f32 v5;
	v13 =	vunpack.i.l.bf16.f32 v5;
	[tilespmem:s29+$0xFFFFFFE0] =	vst v9;
	v2 =	vmax.bf16 v2, v0  }
0x4b: {  	v5 =	vld [tilespmem:s0+$0x0];
	v4 =	vadd.bf16 v4, v12;
	[tilespmem:s1+$0x70] =	vst v11;
	v9 =	vunpack.i.u.bf16.f32 v2;
	v2 =	vunpack.i.l.bf16.f32 v2  }
0x4c: {  	v11 =	vld [tilespmem:s18+$0xFFFFFFC0];
	[tilespmem:s29+$0xFFFFFFF0] =	vst v7  }
0x4d: {  	v4 =	vmax.bf16 v4, v0;
	v12 =	vld [tilespmem:s30+$0xFFFFFFD0];
	[tilespmem:s29+$0x20] =	vst v2  }
0x4e: {  	v2 =	vadd.bf16 v6, v8;
	v6 =	vunpack.i.l.bf16.f32 v4;
	v14 =	vld [tilespmem:s16+$0xFFFFFFD0];
	[tilespmem:s29+$0x30] =	vst v9;
	s29 =	smov.u32 s1;
	s1 =	sadd.s32 $0x100, s1  }
0x4f: {  	v7 =	vunpack.i.u.bf16.f32 v4;
	[tilespmem:s1+$0x40] =	vst v6;
	v4 =	vld [tilespmem:s16+$0xFFFFFFF0]  }
.Ltmp0:
0x50: {  	v6 =	vmax.bf16 v2, v0;
	v3 =	vadd.bf16 v5, v3;
	[tilespmem:s1+$0x50] =	vst v7;
	v2 =	vld [tilespmem:s30+$0x10];
	s30 =	smov.u32 s18;
	(pc) =	sbr.rel @p0 .LBB2_3-.Ltmp0, $4  }
0x51: {  	v8 =	vadd.bf16 v10, v11;
	v9 =	vunpack.i.u.bf16.f32 v6;
	v6 =	vunpack.i.l.bf16.f32 v6;
	v5 =	vld [tilespmem:s18+$0x30];
	[tilespmem:s29+$0x60] =	vst v13  }
0x52: {  	[tilespmem:s1+$0xFFFFFFC0] =	vst v6;
	v3 =	vmax.bf16 v3, v0;
	v7 =	vld [tilespmem:s0+$0x30]  }
0x53: {  	v10 =	vmax.bf16 v8, v0;
	[tilespmem:s1+$0xFFFFFFD0] =	vst v9;
	v8 =	vunpack.i.u.bf16.f32 v3;
	v13 =	vunpack.i.l.bf16.f32 v3;
	v6 =	vld [tilespmem:s16+$0x10];
	s16 =	smov.u32 s0  }
0x54: {  	s18 =	sadd.s32 $0x80, s18;
	v9 =	vunpack.i.u.bf16.f32 v10;
	v11 =	vunpack.i.l.bf16.f32 v10;
	v3 =	vld [tilespmem:s30+$0xFFFFFFF0];
	[tilespmem:s1+$0x0] =	vst v13;
	v10 =	vadd.bf16 v14, v12  }
0x55: {  	[tilespmem:s1+$0xFFFFFF80] =	vst v11  }
0x56: {  	[tilespmem:s1+$0xFFFFFF90] =	vst v9  }
0x57: {  	v1 =	vadd.bf16 v4, v1;
	v4 =	vmax.bf16 v10, v0;
	v9 =	vld [tilespmem:s30+$0xFFFFFFD0]  }
0x58: {  	[tilespmem:s1+$0x10] =	vst v8;
	v8 =	vld [tilespmem:s16+$0xFFFFFFD0];
	v5 =	vadd.bf16 v7, v5;
	v7 =	vunpack.i.u.bf16.f32 v4  }
0x59: {  	v1 =	vmax.bf16 v1, v0;
	v4 =	vunpack.i.l.bf16.f32 v4;
	[tilespmem:s29+$0xFFFFFFB0] =	vst v7  }
0x5a: {  	v2 =	vadd.bf16 v6, v2;
	[tilespmem:s29+$0xFFFFFFA0] =	vst v4;
	v4 =	vunpack.i.l.bf16.f32 v1;
	v6 =	vld [tilespmem:s16+$0xFFFFFFF0];
	v5 =	vmax.bf16 v5, v0  }
0x5b: {  	[tilespmem:s29+$0xFFFFFFE0] =	vst v4;
	v4 =	vld [tilespmem:s30+$0x10];
	v7 =	vunpack.i.u.bf16.f32 v5  }
0x5c: {  	v1 =	vunpack.i.u.bf16.f32 v1;
	[tilespmem:s1+$0x70] =	vst v7;
	v7 =	vld [tilespmem:s16+$0x10]  }
0x5d: {  	[tilespmem:s29+$0xFFFFFFF0] =	vst v1;
	v2 =	vmax.bf16 v2, v0;
	v5 =	vunpack.i.l.bf16.f32 v5;
	v1 =	vadd.bf16 v8, v9  }
0x5e: {  	v10 =	vunpack.i.l.bf16.f32 v2;
	v2 =	vunpack.i.u.bf16.f32 v2;
	[tilespmem:s1+$0x60] =	vst v5  }
0x5f: {  	[tilespmem:s29+$0x30] =	vst v2;
	v2 =	vadd.bf16 v6, v3;
	v1 =	vmax.bf16 v1, v0  }
0x60: {  	[tilespmem:s29+$0x20] =	vst v10;
	v3 =	vunpack.i.u.bf16.f32 v1  }
0x61: {  	v1 =	vunpack.i.l.bf16.f32 v1;
	v2 =	vmax.bf16 v2, v0;
	[tilespmem:s1+$0xFFFFFFB0] =	vst v3;
	v3 =	vadd.bf16 v7, v4  }
0x62: {  	[tilespmem:s1+$0xFFFFFFA0] =	vst v1;
	v1 =	vunpack.i.l.bf16.f32 v2  }
0x63: {  	v2 =	vunpack.i.u.bf16.f32 v2;
	[tilespmem:s1+$0xFFFFFFE0] =	vst v1;
	v1 =	vmax.bf16 v3, v0  }
0x64: {  	p0 =	seq.s32 s28, $0x4E;
	[tilespmem:s1+$0xFFFFFFF0] =	vst v2;
	v3 =	vunpack.i.l.bf16.f32 v1  }
0x65: {  	p1 =	seq.s32 @!p0 s28, $0x0;
	s29 =	sshll.u32 @!p0 s28, $0x8;
	v1 =	vunpack.i.u.bf16.f32 v1;
	[tilespmem:s1+$0x20] =	vst v3  }
0x66: {  	s16 =	simm.s32 @!p0 $0x9E00;
	s0 =	sadd.s32 @!p0 $0x100, s29;
	[tilespmem:s1+$0x30] =	vst v1;
	s1 =	simm.s32 @!p0 $0x80  }
0x67: {  	[tilespmem:s16], [sflag:$0x1] =	stream.indirect.gather @!p0 [hbm4b:s7+s1], $0x20, s0, s1, $0xb8;
	[tilespmem:$0x1BE00] =	vst v63  }
0x68: {  	p1 =	por p0, !p1;
	s0 =	sadd.s32 @!p0 $0x5000, s29;
	s16 =	simm.s32 @!p0 $0xAE00  }
0x69: {  	[tilespmem:s16], [sflag:$0x1] =	stream.indirect.gather @!p0 [hbm4b:s8+s1], $0x20, s0, s1, $0xb8;
	[tilespmem:$0x1BE00] =	vst v63  }
0x6a: {  	_ =	swait.ge @p1 [sflag:s24], $0x2000  }
0x6b: {  	s19 =	sshll.u32 s28, $0x8;
	[sflag:s24] =	ssyncset.done @p1 $0x0  }
0x6c: {  	s30 =	sand.u32 $0x3FFFFF00, s19;
	[sflag:s24] =	ssyncadd.s32 @p1 $0xFFFFE000  }
0x6d: {  	[spmem:s2] =	stream.indirect.scatter.add.f32 [tilespmem:s22], [sflag:$0x3], $0x40, s30, s15, $0xb8;
	[tilespmem:$0x1BE00] =	vst v63  }
0x6e: {  	_ =	swait.ge [sflag:s23], $0x1000  }
0x6f: {  	[sflag:s23] =	ssyncset.done $0x0  }
0x70: {  	[sflag:s23] =	ssyncadd.s32 $0xFFFFF000  }
0x71: {  	_ =	swait.ge [sflag:s23], $0x1000  }
0x72: {  	[sflag:s23] =	ssyncset.done $0x0  }
0x73: {  	s18 =	simm.s32 $0xBE40;
	[sflag:s23] =	ssyncadd.s32 $0xFFFFF000  }
0x74: {  	s17 =	simm.s32 $0xCE40;
	v1 =	vld [tilespmem:s18+$0x20]  }
0x75: {  	v2 =	vld [tilespmem:s17+$0x20];
	_ =	sdelay $0x2  }
0x76: {  	v3 =	vld [tilespmem:s18+$0xFFFFFFE0]  }
0x77: {  	v4 =	vld [tilespmem:s17+$0xFFFFFFE0]  }
0x78: {  	v1 =	vadd.bf16 v2, v1  }
0x79: {  	s1 =	simm.s32 $0xBEC0;
	v6 =	vld [tilespmem:s17+$0x0]  }
0x7a: {  	v9 =	vld [tilespmem:s1+$0xFFFFFFE0];
	v1 =	vmax.bf16 v1, v0  }
0x7b: {  	s31 =	simm.s32 $0xFE80;
	v2 =	vld [tilespmem:s17+$0xFFFFFFC0];
	v5 =	vunpack.i.l.bf16.f32 v1  }
0x7c: {  	v3 =	vadd.bf16 v4, v3;
	v4 =	vld [tilespmem:s18+$0x0];
	v1 =	vunpack.i.u.bf16.f32 v1;
	[tilespmem:s31+$0x40] =	vst v5  }
0x7d: {  	v5 =	vld [tilespmem:s18+$0xFFFFFFC0];
	[tilespmem:s31+$0x50] =	vst v1  }
0x7e: {  	v3 =	vmax.bf16 v3, v0;
	v7 =	vld [tilespmem:s18+$0x30]  }
0x7f: {  	v1 =	vunpack.i.l.bf16.f32 v3;
	v3 =	vunpack.i.u.bf16.f32 v3;
	v8 =	vld [tilespmem:s17+$0x30]  }
0x80: {  	s16 =	simm.s32 $0xCEC0;
	[tilespmem:s31+$0xFFFFFFD0] =	vst v3;
	v3 =	vld [tilespmem:s1+$0x20]  }
0x81: {  	v4 =	vadd.bf16 v6, v4;
	v6 =	vld [tilespmem:s16+$0x20]  }
0x82: {  	v11 =	vld [tilespmem:s16+$0xFFFFFFE0];
	[tilespmem:s31+$0xFFFFFFC0] =	vst v1;
	v2 =	vadd.bf16 v2, v5  }
0x83: {  	v1 =	vld [tilespmem:s18+$0xFFFFFFF0];
	v4 =	vmax.bf16 v4, v0  }
0x84: {  	v10 =	vunpack.i.l.bf16.f32 v4;
	v5 =	vld [tilespmem:s16+$0xFFFFFFC0];
	v2 =	vmax.bf16 v2, v0  }
0x85: {  	[tilespmem:s31+$0x0] =	vst v10;
	v10 =	vld [tilespmem:s16+$0x0];
	v7 =	vadd.bf16 v8, v7;
	v12 =	vunpack.i.l.bf16.f32 v2  }
0x86: {  	v8 =	vld [tilespmem:s1+$0x0];
	v3 =	vadd.bf16 v6, v3;
	v2 =	vunpack.i.u.bf16.f32 v2;
	[tilespmem:s31+$0xFFFFFF80] =	vst v12  }
0x87: {  	v4 =	vunpack.i.u.bf16.f32 v4;
	v6 =	vld [tilespmem:s1+$0xFFFFFFC0];
	[tilespmem:s31+$0xFFFFFF90] =	vst v2;
	v2 =	vmax.bf16 v7, v0  }
0x88: {  	[tilespmem:s31+$0x10] =	vst v4;
	v3 =	vmax.bf16 v3, v0;
	v4 =	vunpack.i.u.bf16.f32 v2;
	v12 =	vld [tilespmem:s18+$0xFFFFFFD0]  }
0x89: {  	s0 =	simm.s32 $0xFF80;
	v7 =	vadd.bf16 v11, v9;
	v13 =	vld [tilespmem:s17+$0xFFFFFFD0];
	[tilespmem:s31+$0x70] =	vst v4;
	v4 =	vunpack.i.l.bf16.f32 v3  }
0x8a: {  	v9 =	vunpack.i.l.bf16.f32 v2;
	v2 =	vld [tilespmem:s18+$0x10];
	v3 =	vunpack.i.u.bf16.f32 v3;
	[tilespmem:s0+$0x40] =	vst v4  }
0x8b: {  	v7 =	vmax.bf16 v7, v0;
	v8 =	vadd.bf16 v10, v8;
	v4 =	vld [tilespmem:s17+$0xFFFFFFF0];
	[tilespmem:s0+$0x50] =	vst v3  }
0x8c: {  	[tilespmem:s31+$0x60] =	vst v9;
	v3 =	vadd.bf16 v5, v6;
	v6 =	vunpack.i.l.bf16.f32 v7;
	v5 =	vld [tilespmem:s1+$0x30]  }
0x8d: {  	v9 =	vunpack.i.u.bf16.f32 v7;
	[tilespmem:s0+$0xFFFFFFC0] =	vst v6;
	v6 =	vmax.bf16 v8, v0;
	v7 =	vld [tilespmem:s16+$0x30]  }
0x8e: {  	[tilespmem:s0+$0xFFFFFFD0] =	vst v9;
	v3 =	vmax.bf16 v3, v0;
	v8 =	vunpack.i.u.bf16.f32 v6;
	v10 =	vunpack.i.l.bf16.f32 v6;
	v6 =	vld [tilespmem:s17+$0x10]  }
0x8f: {  	s19 =	simm.s32 $0xBF40;
	s18 =	simm.s32 $0x4;
	s17 =	simm.s32 $0xCEC0;
	v9 =	vunpack.i.u.bf16.f32 v3;
	v11 =	vunpack.i.l.bf16.f32 v3;
	v3 =	vld [tilespmem:s1+$0xFFFFFFF0];
	[tilespmem:s0+$0x0] =	vst v10;
	v10 =	vadd.bf16 v13, v12  }
.LBB2_5:
0x90: {  	v12 =	vld [tilespmem:s19+$0x20];
	[tilespmem:s0+$0xFFFFFF80] =	vst v11;
	s16 =	sadd.s32 $0x80, s16;
	v1 =	vadd.bf16 v4, v1  }
0x91: {  	v4 =	vld [tilespmem:s16+$0x20];
	[tilespmem:s0+$0xFFFFFF90] =	vst v9;
	v9 =	vmax.bf16 v10, v0  }
0x92: {  	v10 =	vld [tilespmem:s16+$0xFFFFFFC0];
	[tilespmem:s0+$0x10] =	vst v8;
	v5 =	vadd.bf16 v7, v5;
	v7 =	vunpack.i.u.bf16.f32 v9;
	v11 =	vmax.bf16 v1, v0  }
0x93: {  	s18 =	sadd.s32 $0x4, s18;
	v9 =	vunpack.i.l.bf16.f32 v9;
	v8 =	vld [tilespmem:s19+$0xFFFFFFE0];
	[tilespmem:s31+$0xFFFFFFB0] =	vst v7;
	v7 =	vunpack.i.u.bf16.f32 v11;
	v2 =	vadd.bf16 v6, v2  }
0x94: {  	p1 =	slt.u32 s18, $0x7C;
	v6 =	vld [tilespmem:s16+$0xFFFFFFE0];
	v5 =	vmax.bf16 v5, v0;
	[tilespmem:s31+$0xFFFFFFA0] =	vst v9;
	v9 =	vunpack.i.l.bf16.f32 v11;
	v1 =	vmov v3  }
0x95: {  	v3 =	vld [tilespmem:s19+$0x0];
	v11 =	vunpack.i.u.bf16.f32 v5;
	v13 =	vunpack.i.l.bf16.f32 v5;
	[tilespmem:s31+$0xFFFFFFE0] =	vst v9;
	v2 =	vmax.bf16 v2, v0  }
0x96: {  	v5 =	vld [tilespmem:s16+$0x0];
	v4 =	vadd.bf16 v4, v12;
	[tilespmem:s0+$0x70] =	vst v11;
	v9 =	vunpack.i.u.bf16.f32 v2;
	v2 =	vunpack.i.l.bf16.f32 v2  }
0x97: {  	v11 =	vld [tilespmem:s19+$0xFFFFFFC0];
	[tilespmem:s31+$0xFFFFFFF0] =	vst v7  }
0x98: {  	v4 =	vmax.bf16 v4, v0;
	v12 =	vld [tilespmem:s1+$0xFFFFFFD0];
	[tilespmem:s31+$0x20] =	vst v2  }
0x99: {  	v2 =	vadd.bf16 v6, v8;
	v6 =	vunpack.i.l.bf16.f32 v4;
	v14 =	vld [tilespmem:s17+$0xFFFFFFD0];
	[tilespmem:s31+$0x30] =	vst v9;
	s31 =	smov.u32 s0;
	s0 =	sadd.s32 $0x100, s0  }
0x9a: {  	v7 =	vunpack.i.u.bf16.f32 v4;
	[tilespmem:s0+$0x40] =	vst v6;
	v4 =	vld [tilespmem:s17+$0xFFFFFFF0]  }
.Ltmp1:
0x9b: {  	v6 =	vmax.bf16 v2, v0;
	v3 =	vadd.bf16 v5, v3;
	[tilespmem:s0+$0x50] =	vst v7;
	v2 =	vld [tilespmem:s1+$0x10];
	s1 =	smov.u32 s19;
	(pc) =	sbr.rel @p1 .LBB2_5-.Ltmp1, $4  }
0x9c: {  	v8 =	vadd.bf16 v10, v11;
	v9 =	vunpack.i.u.bf16.f32 v6;
	v6 =	vunpack.i.l.bf16.f32 v6;
	v5 =	vld [tilespmem:s19+$0x30];
	[tilespmem:s31+$0x60] =	vst v13  }
0x9d: {  	[tilespmem:s0+$0xFFFFFFC0] =	vst v6;
	v3 =	vmax.bf16 v3, v0;
	v7 =	vld [tilespmem:s16+$0x30]  }
0x9e: {  	v10 =	vmax.bf16 v8, v0;
	[tilespmem:s0+$0xFFFFFFD0] =	vst v9;
	v8 =	vunpack.i.u.bf16.f32 v3;
	v13 =	vunpack.i.l.bf16.f32 v3;
	v6 =	vld [tilespmem:s17+$0x10];
	s17 =	smov.u32 s16  }
0x9f: {  	s19 =	sadd.s32 $0x80, s19;
	v9 =	vunpack.i.u.bf16.f32 v10;
	v11 =	vunpack.i.l.bf16.f32 v10;
	v3 =	vld [tilespmem:s1+$0xFFFFFFF0];
	[tilespmem:s0+$0x0] =	vst v13;
	v10 =	vadd.bf16 v14, v12  }
0xa0: {  	[tilespmem:s0+$0xFFFFFF80] =	vst v11  }
0xa1: {  	[tilespmem:s0+$0xFFFFFF90] =	vst v9  }
0xa2: {  	v1 =	vadd.bf16 v4, v1;
	v55 =	vmax.bf16 v10, v0;
	v9 =	vld [tilespmem:s1+$0xFFFFFFD0]  }
0xa3: {  	[tilespmem:s0+$0x10] =	vst v8;
	v57 =	vld [tilespmem:s17+$0xFFFFFFD0];
	v56 =	vunpack.i.u.bf16.f32 v55  }
0xa4: {  	v5 =	vadd.bf16 v7, v5;
	v1 =	vmax.bf16 v1, v0;
	v4 =	vunpack.i.l.bf16.f32 v55;
	[tilespmem:s31+$0xFFFFFFB0] =	vst v56  }
0xa5: {  	v59 =	vld [tilespmem:s17+$0xFFFFFFF0];
	[tilespmem:s31+$0xFFFFFFA0] =	vst v4;
	v58 =	vunpack.i.l.bf16.f32 v1  }
0xa6: {  	v61 =	vld [tilespmem:s1+$0x10];
	v2 =	vadd.bf16 v6, v2;
	v1 =	vunpack.i.u.bf16.f32 v1;
	v5 =	vmax.bf16 v5, v0;
	[tilespmem:s31+$0xFFFFFFE0] =	vst v58  }
0xa7: {  	v62 =	vld [tilespmem:s17+$0x10];
	[tilespmem:s31+$0xFFFFFFF0] =	vst v1;
	v60 =	vunpack.i.u.bf16.f32 v5  }
0xa8: {  	v2 =	vmax.bf16 v2, v0;
	v5 =	vunpack.i.l.bf16.f32 v5;
	[tilespmem:s0+$0x70] =	vst v60;
	v1 =	vadd.bf16 v57, v9  }
0xa9: {  	v63 =	vunpack.i.l.bf16.f32 v2;
	v2 =	vunpack.i.u.bf16.f32 v2;
	[tilespmem:s0+$0x60] =	vst v5  }
0xaa: {  	[tilespmem:s31+$0x30] =	vst v2;
	v2 =	vadd.bf16 v59, v3;
	v1 =	vmax.bf16 v1, v0  }
0xab: {  	[tilespmem:s31+$0x20] =	vst v63;
	v3 =	vunpack.i.u.bf16.f32 v1  }
0xac: {  	v2 =	vmax.bf16 v2, v0;
	v1 =	vunpack.i.l.bf16.f32 v1;
	[tilespmem:s0+$0xFFFFFFB0] =	vst v3;
	v3 =	vadd.bf16 v62, v61  }
0xad: {  	[tilespmem:s0+$0xFFFFFFA0] =	vst v1;
	v1 =	vunpack.i.l.bf16.f32 v2  }
0xae: {  	v2 =	vunpack.i.u.bf16.f32 v2;
	[tilespmem:s0+$0xFFFFFFE0] =	vst v1;
	v1 =	vmax.bf16 v3, v0  }
0xaf: {  	[tilespmem:s0+$0xFFFFFFF0] =	vst v2;
	v3 =	vunpack.i.l.bf16.f32 v1  }
0xb0: {  	v1 =	vunpack.i.u.bf16.f32 v1;
	[tilespmem:s0+$0x20] =	vst v3  }
0xb1: {  	s16 =	simm.s32 @!p0 $0xBE00;
	s1 =	simm.s32 @!p0 $0x80;
	[tilespmem:s0+$0x30] =	vst v1;
	s0 =	sadd.s32 @!p0 $0x180, s29  }
0xb2: {  	[tilespmem:s16], [sflag:$0x2] =	stream.indirect.gather @!p0 [hbm4b:s7+s1], $0x20, s0, s1, $0xb8;
	[tilespmem:$0x1BE00] =	vst v63  }
0xb3: {  	s28 =	sadd.s32 $0x1, s28;
	s0 =	sadd.s32 @!p0 $0x5080, s29;
	s16 =	simm.s32 @!p0 $0xCE00  }
0xb4: {  	[tilespmem:s16], [sflag:$0x2] =	stream.indirect.gather @!p0 [hbm4b:s8+s1], $0x20, s0, s1, $0xb8;
	[tilespmem:$0x1BE00] =	vst v63  }
0xb5: {  	p0 =	sne.s32 s28, $0x4F  }
.Ltmp2:
0xb6: {  	_ = 	snop;
	(pc) =	sbr.rel @p0 .LBB2_2-.Ltmp2, $4  }
0xb7: {  	_ =	swait.ge [sflag:s24], $0x2000  }
0xb8: {  	[sflag:s24] =	ssyncset.done $0x0  }
0xb9: {  	s31 =	sadd.s32 $0x80, s30;
	[sflag:s24] =	ssyncadd.s32 $0xFFFFE000  }
0xba: {  	[spmem:s2] =	stream.indirect.scatter.add.f32 [tilespmem:s25], [sflag:$0x3], $0x40, s31, s15, $0xb8;
	[tilespmem:$0x1BE00] =	vst v63  }
0xbb: {  	_ =	swait.ge [sflag:s24], $0x2000  }
0xbc: {  	s26 =	sadd.s32 $0x1, s26;
	[sflag:s24] =	ssyncset.done $0x0  }
0xbd: {  	p0 =	sne.s32 s26, s10;
	[sflag:s24] =	ssyncadd.s32 $0xFFFFE000  }
.Ltmp3:
0xbe: {  	[bflag:$0x0] =	sbarrier.arrive $0xFFFF;
	(pc) =	sbr.rel @p0 .LBB2_1-.Ltmp3, $4  }
0xbf: {  	[hbm:s9], [sflag:s13] =	dma.local [spmem:s14], $0x1400  }
0xc0: {  	_ =	swait.ge [sflag:s11], $0x1400  }
0xc1: {  	[sflag:s11] =	ssyncset.done $0x0  }
0xc2: {  	[sflag:s11] =	ssyncadd.s32 $0xFFFFEC00  }
0xc3: {  	_ =	sfence.sel $0x180000  }
0xc4: {  	[bflag:$0x0] =	sbarrier.arrive $0xFFFF  }
0xc5: {  	_ =	strace $0x9000004A  }
0xc6: {  	s0 =	stileid.u32;
	[bflag:$0x2] =	sbarrier.arrive $0xFFFF  }
0xc7: {  	p0 =	sne.s32 s0, $0x0;
	s0 =	rddreg [dreg:$0x2]  }
0xc8: {  	s0 =	sadd.s32 @!p0 $0x100000, s0  }
0xc9: {  	[sflag:s0] =	ssyncadd.tile.s32 @!p0 $0x1;
	_ =	shalt  }
.Lfunc_end2:
_tile_overlayer_lowered:
.L_overlay_start_2:
0xca: {  	(tag) =	ssettag $0x2  }
0xcb: {  	s0 =	rddreg [dreg:$0x0];
	s2 =	stileid.u32  }
0xcc: {  	s1 =	rddreg [dreg:$0x1];
	p0 =	sne.s32 s2, $0x0  }
0xcd: {  	s3 =	rddreg [dreg:$0x2];
	[bflag:$0x3] =	sbarrier.arrive $0xFFFF;
	s2 =	simm.s32 @!p0 $0x1C04  }
0xce: {  	[timem:s3], [sflag:s2] =	dma.local @!p0 [hbm:s0], s1  }
0xcf: {  	s0 =	simm.s32 @!p0 $0x4  }
0xd0: {  	_ =	swait.ge @!p0 [sflag:s0], s1  }
0xd1: {  	s1 =	ssub.s32 @!p0 $0x0, s1;
	[sflag:s0] =	ssyncset.done @!p0 $0x0  }
0xd2: {  	[sflag:s0] =	ssyncadd.s32 @!p0 s1  }
0xd3: {  	[bflag:$0x3] =	sbarrier.arrive $0xFFFF  }
0xd4: {  	_ =	shalt  }

// kernel: kernel.15.cloned.1.call-start
scs
__scs_entry_jumppad:
0x0: {  	(pc) =	sbr.rel $0x88, $3  }
0x1: {  	(tag) =	ssettag $0x0;
	lr =	simm.s32 $0x1  }
0x2: {  	[smem:$0x3F99] =	sst lr;
	_ =	strace $0xD0000000  }
0x3: {  	_ = 	snop  }
0x4: {  	_ = 	snop  }
0x5: {  	_ = 	snop  }
0x6: {  	_ = 	snop  }
0x7: {  	_ = 	snop  }
__scs_overlays_trampoline_lowered:
0x8: {  	[smem:$0x3FA8] =	sst s0  }
0x9: {  	[smem:$0x3FA9] =	sst s1  }
0xa: {  	[smem:$0x3FAA] =	sst s2  }
0xb: {  	[smem:$0x3FAB] =	sst s3  }
0xc: {  	[smem:$0x3FAC] =	sst s4  }
0xd: {  	[smem:$0x3FAD] =	sst s5  }
0xe: {  	[smem:$0x3FAE] =	sst s6  }
0xf: {  	[smem:$0x3FAF] =	sst s7  }
0x10: {  	[smem:$0x3FB0] =	sst s8  }
0x11: {  	[smem:$0x3FB1] =	sst s9;
	s0 =	simm.s32 @!p0 $0x0  }
0x12: {  	s1 =	sld [smem:$0x3F97];
	s0 =	simm.s32 @p0 $0x1  }
0x13: {  	[smem:$0x3FB2] =	sst s0;
	s0 =	simm.s32 @!p1 $0x0  }
0x14: {  	s2 =	sld [smem:$0x3F96];
	s0 =	simm.s32 @p1 $0x1  }
0x15: {  	[smem:$0x3FB3] =	sst s0;
	s0 =	simm.s32 @!p2 $0x0  }
0x16: {  	s3 =	sld [smem:$0x3FDB];
	s0 =	simm.s32 @p2 $0x1  }
0x17: {  	s4 =	simm.s32 $0x1BF5;
	[smem:$0x3FB5] =	sst s0  }
0x18: {  	s0 =	sld [smem:$0x3F98];
	_ =	swait.ge [sflag:s4], $0x0  }
0x19: {  	s7 =	sld [smem:$0x3F99]  }
0x1a: {  	s8 =	sadd.s32 $0xFFFFE003, lr  }
0x1b: {  	s9 =	sadd.s32 $0xFFFFFEF7, lr;
	s5 =	simm.s32 $0xFFFFFFFF;
	p2 =	slt.u32 s8, $0xFFFFF086  }
0x1c: {  	p1 =	slt.u32 s9, $0xF7A;
	s5 =	simm.s32 @!p2 $0x0  }
0x1d: {  	s5 =	simm.s32 @p1 $0x1;
	p0 =	seq.s32 s7, s2  }
0x1e: {  	s7 =	smul.u32 @!p0 $0xF7A, s2;
	p2 =	seq.s32 @!p0 s5, $0x0  }
0x1f: {  	s9 =	smul.u32 $0xF7A, s1;
	s8 =	simm.s32 @!p0 $0x1BF5;
	p2 =	por !p2, p0  }
0x20: {  	[sflag:s8] =	ssyncset.s32 @!p0 $0xFFFFF086;
	s6 =	sadd.s32 @!p0 s3, s7;
	s7 =	simm.s32 @!p0 $0x108  }
0x21: {  	s3 =	sadd.s32 s3, s9;
	s6 =	sadd.s32 @!p0 $0x88, s6;
	s7 =	simm.s32 @p2 $0x1082  }
0x22: {  	[simem:s7], [sflag:s8] =	dma.local @!p0 [hbm:s6], $0xF7A  }
0x23: {  	s9 =	sor.u32 $0xD0000000, s2;
	s6 =	simm.s32 $0x108;
	_ =	swait.ge @!p0 [sflag:s8], $0x0  }
0x24: {  	s3 =	sadd.s32 $0x88, s3;
	s6 =	simm.s32 @!p1 $0x1082;
	[sflag:s4] =	ssyncset.s32 $0xFFFFF086  }
0x25: {  	[simem:s6], [sflag:s4] =	dma.local [hbm:s3], $0xF7A  }
0x26: {  	[smem:$0x3F99] =	sst s1;
	(tag) =	ssettag s2;
	_ =	strace s9  }
0x27: {  	s1 =	sld [smem:$0x3FA9]  }
0x28: {  	s2 =	sld [smem:$0x3FAA]  }
0x29: {  	s4 =	sld [smem:$0x3FAC]  }
0x2a: {  	p0 =	seq.s32 s5, $0x0;
	s5 =	sld [smem:$0x3FAD]  }
0x2b: {  	s6 =	sld [smem:$0x3FAE]  }
0x2c: {  	s7 =	sld [smem:$0x3FAF]  }
0x2d: {  	s3 =	simm.s32 $0x108;
	s8 =	sld [smem:$0x3FB0]  }
0x2e: {  	s3 =	simm.s32 @!p0 $0x1082;
	s9 =	sld [smem:$0x3FB1]  }
0x2f: {  	lr =	sadd.s32 s0, s3;
	s0 =	sld [smem:$0x3FA8]  }
0x30: {  	s3 =	sld [smem:$0x3FAB]  }
0x31: {  	[smem:$0x3FB4] =	sst s10  }
0x32: {  	s10 =	sld [smem:$0x3FB2];
	_ =	sdelay $0x3  }
0x33: {  	p0 =	seq.s32 s10, $0x1;
	s10 =	sld [smem:$0x3FB4];
	_ =	sdelay $0x3  }
0x34: {  	[smem:$0x3FB4] =	sst s10  }
0x35: {  	s10 =	sld [smem:$0x3FB3];
	_ =	sdelay $0x3  }
0x36: {  	p1 =	seq.s32 s10, $0x1;
	s10 =	sld [smem:$0x3FB4];
	_ =	sdelay $0x3  }
0x37: {  	[smem:$0x3FB4] =	sst s10  }
0x38: {  	s10 =	sld [smem:$0x3FB5]  }
0x39: {  	_ = 	snop;
	(pc) =	sbr.ind lr, $3  }
0x3a: {  	_ = 	snop  }
0x3b: {  	_ = 	snop  }
0x3c: {  	p2 =	seq.s32 s10, $0x1;
	s10 =	sld [smem:$0x3FB4]  }
0x3d: {  	_ =	shalt  }
0x3e: {  	_ =	shalt  }
0x3f: {  	_ =	shalt  }
0x40: {  	_ =	shalt  }
0x41: {  	_ =	shalt  }
0x42: {  	_ =	shalt  }
0x43: {  	_ =	shalt  }
0x44: {  	_ =	shalt  }
0x45: {  	_ =	shalt  }
0x46: {  	_ =	shalt  }
0x47: {  	_ =	shalt  }
0x48: {  	_ =	shalt  }
0x49: {  	_ =	shalt  }
0x4a: {  	_ =	shalt  }
0x4b: {  	_ =	shalt  }
0x4c: {  	_ =	shalt  }
0x4d: {  	_ =	shalt  }
0x4e: {  	_ =	shalt  }
0x4f: {  	_ =	shalt  }
0x50: {  	_ =	shalt  }
0x51: {  	_ =	shalt  }
0x52: {  	_ =	shalt  }
0x53: {  	_ =	shalt  }
0x54: {  	_ =	shalt  }
0x55: {  	_ =	shalt  }
0x56: {  	_ =	shalt  }
0x57: {  	_ =	shalt  }
0x58: {  	_ =	shalt  }
0x59: {  	_ =	shalt  }
0x5a: {  	_ =	shalt  }
0x5b: {  	_ =	shalt  }
0x5c: {  	_ =	shalt  }
0x5d: {  	_ =	shalt  }
0x5e: {  	_ =	shalt  }
0x5f: {  	_ =	shalt  }
0x60: {  	_ =	shalt  }
0x61: {  	_ =	shalt  }
0x62: {  	_ =	shalt  }
0x63: {  	_ =	shalt  }
0x64: {  	_ =	shalt  }
0x65: {  	_ =	shalt  }
0x66: {  	_ =	shalt  }
0x67: {  	_ =	shalt  }
0x68: {  	_ =	shalt  }
0x69: {  	_ =	shalt  }
0x6a: {  	_ =	shalt  }
0x6b: {  	_ =	shalt  }
0x6c: {  	_ =	shalt  }
0x6d: {  	_ =	shalt  }
0x6e: {  	_ =	shalt  }
0x6f: {  	_ =	shalt  }
0x70: {  	_ =	shalt  }
0x71: {  	_ =	shalt  }
0x72: {  	_ =	shalt  }
0x73: {  	_ =	shalt  }
0x74: {  	_ =	shalt  }
0x75: {  	_ =	shalt  }
0x76: {  	_ =	shalt  }
0x77: {  	_ =	shalt  }
0x78: {  	_ =	shalt  }
0x79: {  	_ =	shalt  }
0x7a: {  	_ =	shalt  }
0x7b: {  	_ =	shalt  }
0x7c: {  	_ =	shalt  }
0x7d: {  	_ =	shalt  }
0x7e: {  	_ =	shalt  }
0x7f: {  	_ =	shalt  }
0x80: {  	_ =	shalt  }
0x81: {  	_ =	shalt  }
0x82: {  	_ =	shalt  }
0x83: {  	_ =	shalt  }
0x84: {  	_ =	shalt  }
0x85: {  	_ =	shalt  }
0x86: {  	_ =	shalt  }
0x87: {  	_ =	shalt  }
.Lfunc_end0:
.L_simem_size_0:
called_computation.2_lowered:
.L_overlay_start_0:
0x88: {  	s2 =	sld [smem:$0x3FD9]  }
0x89: {  	s3 =	sld [smem:$0x3FFE];
	_ =	sdelay $0x1  }
0x8a: {  	s1 =	srdreg.scid  }
0x8b: {  	s0 =	sand.u32 $0x1, s1  }
0x8c: {  	s16 =	sshll.u32 s0, $0xA;
	s2 =	sadd.s32 s3, s2  }
0x8d: {  	s2 =	sadd.s32 s2, s16  }
0x8e: {  	[smem:$0x3FC0] =	sst s2  }
0x8f: {  	_ = 	snop  }
0x90: {  	(tm) =	ssettm $0x1  }
0x91: {  	s17 =	sld [smem:$0x3FFB];
	_ =	sdelay $0x3  }
0x92: {  	_ =	strace s17  }
0x93: {  	s2 =	sld [smem:$0x3FFC];
	_ =	sdelay $0x3  }
0x94: {  	_ =	strace s2  }
0x95: {  	s2 =	sld [smem:$0x3FFD];
	_ =	sdelay $0x3  }
0x96: {  	_ =	strace s2  }
0x97: {  	_ =	strace $0x8FFFFFFF  }
0x98: {  	s18 =	sld [smem:$0x3FDB];
	_ =	sdelay $0x1  }
0x99: {  	s19 =	simm.s32 $_scs_section_size  }
0x9a: {  	s4 =	simm.s32 $_size__tile_overlayer_lowered;
	s5 =	simm.s32 $_tile_overlayer_lowered  }
0x9b: {  	s22 =	simm.s32 $0x1BFF;
	s21 =	sshll.u32 s5, $0x1;
	s2 =	sadd.s32 s19, s18  }
0x9c: {  	s6 =	simm.s32 $0x0;
	s20 =	sshll.u32 s4, $0x1;
	s4 =	sadd.s32 s21, s2  }
0x9d: {  	[timem:s6], [sflag:s22] =	dma.local [hbm:s4], s20  }
0x9e: {  	_ =	swait.ge [sflag:s22], s20  }
0x9f: {  	s3 =	ssub.s32 $0x0, s20;
	[sflag:s22] =	ssyncset.done $0x0  }
0xa0: {  	[sflag:s22] =	ssyncadd.s32 s3;
	_ =	sdelay $0x1  }
0xa1: {  	s23 =	simm.s32 $0x1B8B  }
0xa2: {  	_ =	swait.ge [sflag:s23], $0x1  }
0xa3: {  	[sflag:s23] =	ssyncset.done $0x0  }
0xa4: {  	s25 =	simm.s32 $0x1B8E;
	s24 =	sld [smem:$0x3FFE];
	[sflag:s23] =	ssyncadd.s32 $0xFFFFFFFF  }
0xa5: {  	s26 =	simm.s32 $execute0_lowered;
	[smem:$0x3FD2] =	sst s25  }
0xa6: {  	s4 =	sshll.u32 s26, $0x1;
	_ =	strace $0x8000004C;
	[dreg:$0x1] =	wrdreg $0xFFFFFFFF  }
0xa7: {  	s28 =	simm.s32 $_size_execute0_lowered;
	s2 =	sadd.s32 s2, s4;
	[dreg:$0x0] =	wrdreg $0x0  }
0xa8: {  	s4 =	sshll.u32 s28, $0x1;
	[dreg:$0x2] =	wrdreg s2  }
0xa9: {  	[dreg:$0x3] =	wrdreg s4  }
0xaa: {  	[dreg:$0x4] =	wrdreg $0xC0  }
0xab: {  	_ =	task [dreg:s6], $0x5FFFF  }
0xac: {  	[dreg:$0x1] =	wrdreg $0xFFFFFFFF  }
0xad: {  	[dreg:$0x0] =	wrdreg $0x60  }
0xae: {  	[dreg:$0x2] =	wrdreg s24  }
0xaf: {  	[dreg:$0x3] =	wrdreg $0x11E000  }
0xb0: {  	[dreg:$0x4] =	wrdreg $0x9  }
0xb1: {  	_ =	task.clear_ibuf [dreg:s6], $0x5FFFF;
	_ =	strace $0x9000004C  }
0xb2: {  	s29 =	simm.s32 $0x9;
	_ =	strace $0x8000004E  }
0xb3: {  	_ =	swait.ge [sflag:s29], $0x1  }
0xb4: {  	[sflag:s29] =	ssyncadd.s32 $0xFFFFFFFF  }
0xb5: {  	_ =	strace $0x9000004E  }
0xb6: {  	_ =	sfence  }
0xb7: {  	s30 =	sld [smem:$0x0];
	_ =	sdelay $0x2  }
0xb8: {  	s31 =	sshll.u32 s1, $0xD;
	s1 =	sshrl.u32 s1, $0x2  }
0xb9: {  	s3 =	sand.u32 $0x4000, s31;
	s1 =	sadd.s32 s1, s30  }
0xba: {  	s0 =	sor.u32 s3, s0;
	s1 =	sshll.u32 s1, $0x11  }
0xbb: {  	s0 =	sor.u32 s1, s0  }
0xbc: {  	s0 =	sadd.s32 $0x8F2B, s0  }
0xbd: {  	[sflag:s0] =	ssyncadd.remote.s32 $0x1  }
0xbe: {  	_ =	sfence.sel $0xFFFF  }
0xbf: {  	[dreg:$0x0] =	wrdreg $0xFFFFFFFF;
	(pc) =	sbr.abs _section_cstart, $3  }
0xc0: {  	[dreg:$0x1] =	wrdreg $0xFFFFFFFF  }
0xc1: {  	_ =	task.clear_ibuf [dreg:s6], $0x2FFFF;
	_ =	strace $0x9FFFFFFF  }
0xc2: {  	(tm) =	ssettm $0x7FFFFFFF  }
0xc3: {  	_ =	shalt  }
tec
execute0_lowered:
.L_overlay_start_1:
0x0: {  	(tag) =	ssettag $0x1  }
0x1: {  	s0 =	rddreg [dreg:$0x0];
	s12 =	stileid.u32  }
0x2: {  	s1 =	srdreg.scid;
	s2 =	rddreg [dreg:$0x1];
	s3 =	simm.s32 $0x0  }
0x3: {  	s11 =	simm.s32 $0x4;
	s15 =	simm.s32 $0x80;
	s20 =	simm.s32 $0xCE00  }
0x4: {  	s21 =	simm.s32 $0x1;
	s22 =	simm.s32 $0xDE00;
	s23 =	simm.s32 $0x2  }
0x5: {  	s24 =	simm.s32 $0x3;
	s25 =	simm.s32 $0xFE00;
	s26 =	simm.s32 $0x0  }
0x6: {  	s4 =	smul.u32 $0x9E0, s12;
	s1 =	sand.u32 $0x1, s1;
	[smem:$0x7FF] =	sst s3  }
0x7: {  	s7 =	smul.u32 $0xA000, s12;
	s31 =	sshll.u32 s12, $0x6;
	s12 =	simm.s32 $0x4F00  }
0x8: {  	s5 =	smul.u32 $0xA0000, s1;
	_ =	strace $0x8000004D;
	s1 =	ssub.s32 $0x2, s1  }
0x9: {  	s13 =	sor.u32 $0x1C04, s31;
	s6 =	sadd.s32 s4, s0;
	s9 =	sshrl.u32 s1, $0x1  }
0xa: {  	s4 =	sadd.s32 $0x3E000, s0;
	s14 =	sadd.s32 s7, s2;
	s30 =	sshrl.u32 s5, $0x4  }
0xb: {  	s5 =	sadd.s32 s7, s5;
	s1 =	ssub.s32 s1, s9;
	s14 =	sshrl.u32 s14, $0x3  }
0xc: {  	s8 =	sadd.s32 s30, s0;
	s5 =	sshrl.u32 s5, $0x3;
	s10 =	smax.u32 s1, $0x1  }
0xd: {  	s0 =	sadd.s32 s5, s0;
	s5 =	sadd.s32 $0xC200, s6;
	s6 =	sadd.s32 $0x2400, s6  }
0xe: {  	v0 =	vimm.bf16 $0.0e+00;
	s7 =	sadd.s32 $0x16000, s8;
	s8 =	sadd.s32 $0x2A000, s8;
	s9 =	sadd.s32 $0x3F400, s0  }
.LBB2_1:
0xf: {  	[tilespmem:s3], [sflag:$0x4] =	stream.linear.gather [hbm4b:s5+s3], $0x4F00, $0x38;
	[tilespmem:$0x1BE00] =	vst v63  }
0x10: {  	_ =	swait.ge [sflag:s11], $0x4F00  }
0x11: {  	[sflag:s11] =	ssyncset.done $0x0  }
0x12: {  	[sflag:s11] =	ssyncadd.s32 $0xFFFFB100  }
0x13: {  	[tilespmem:s12], [sflag:$0x4] =	stream.linear.gather [hbm4b:s6+s3], $0x4F00, $0x38;
	[tilespmem:$0x1BE00] =	vst v63  }
0x14: {  	_ =	swait.ge [sflag:s11], $0x4F00  }
0x15: {  	[sflag:s11] =	ssyncset.done $0x0  }
0x16: {  	[sflag:s11] =	ssyncadd.s32 $0xFFFFB100  }
0x17: {  	[spmem:s14], [sflag:s13] =	dma.local [hbm:s4], $0x1400  }
0x18: {  	_ =	swait.ge [sflag:s11], $0x1400  }
0x19: {  	[sflag:s11] =	ssyncset.done $0x0  }
0x1a: {  	[sflag:s11] =	ssyncadd.s32 $0xFFFFEC00  }
0x1b: {  	s0 =	simm.s32 $0x9E00;
	[bflag:$0x0] =	sbarrier.arrive $0xFFFF  }
0x1c: {  	[tilespmem:s0], [sflag:$0x1] =	stream.indirect.gather [hbm4b:s7+s15], $0x20, s3, s15, $0xb8;
	[tilespmem:$0x1BE00] =	vst v63  }
0x1d: {  	s29 =	simm.s32 $0xAE00  }
0x1e: {  	[tilespmem:s29], [sflag:$0x1] =	stream.indirect.gather [hbm4b:s8+s15], $0x20, s12, s15, $0xb8;
	[tilespmem:$0x1BE00] =	vst v63  }
0x1f: {  	s30 =	simm.s32 $0xBE00  }
0x20: {  	[tilespmem:s30], [sflag:$0x2] =	stream.indirect.gather [hbm4b:s7+s15], $0x20, s15, s15, $0xb8;
	[tilespmem:$0x1BE00] =	vst v63  }
0x21: {  	s31 =	simm.s32 $0x4F80;
	s28 =	simm.s32 $0x0  }
0x22: {  	[tilespmem:s20], [sflag:$0x2] =	stream.indirect.gather [hbm4b:s8+s15], $0x20, s31, s15, $0xb8;
	[tilespmem:$0x1BE00] =	vst v63  }
.LBB2_2:
0x23: {  	_ =	swait.ge [sflag:s21], $0x1000  }
0x24: {  	[sflag:s21] =	ssyncset.done $0x0  }
0x25: {  	[sflag:s21] =	ssyncadd.s32 $0xFFFFF000  }
0x26: {  	_ =	swait.ge [sflag:s21], $0x1000  }
0x27: {  	[sflag:s21] =	ssyncset.done $0x0  }
0x28: {  	s17 =	simm.s32 $0x9E40;
	[sflag:s21] =	ssyncadd.s32 $0xFFFFF000  }
0x29: {  	s16 =	simm.s32 $0xAE40;
	v1 =	vld [tilespmem:s17+$0x20]  }
0x2a: {  	v2 =	vld [tilespmem:s16+$0x20];
	_ =	sdelay $0x2  }
0x2b: {  	v3 =	vld [tilespmem:s17+$0xFFFFFFE0]  }
0x2c: {  	v4 =	vld [tilespmem:s16+$0xFFFFFFE0]  }
0x2d: {  	v1 =	vadd.bf16 v2, v1  }
0x2e: {  	s30 =	simm.s32 $0x9EC0;
	v6 =	vld [tilespmem:s16+$0x0]  }
0x2f: {  	v9 =	vld [tilespmem:s30+$0xFFFFFFE0];
	v1 =	vmax.bf16 v1, v0  }
0x30: {  	s29 =	simm.s32 $0xDE80;
	v2 =	vld [tilespmem:s16+$0xFFFFFFC0];
	v5 =	vunpack.i.l.bf16.f32 v1  }
0x31: {  	v3 =	vadd.bf16 v4, v3;
	v4 =	vld [tilespmem:s17+$0x0];
	v1 =	vunpack.i.u.bf16.f32 v1;
	[tilespmem:s29+$0x40] =	vst v5  }
0x32: {  	v5 =	vld [tilespmem:s17+$0xFFFFFFC0];
	[tilespmem:s29+$0x50] =	vst v1  }
0x33: {  	v3 =	vmax.bf16 v3, v0;
	v7 =	vld [tilespmem:s17+$0x30]  }
0x34: {  	v1 =	vunpack.i.l.bf16.f32 v3;
	v3 =	vunpack.i.u.bf16.f32 v3;
	v8 =	vld [tilespmem:s16+$0x30]  }
0x35: {  	s0 =	simm.s32 $0xAEC0;
	[tilespmem:s29+$0xFFFFFFD0] =	vst v3;
	v3 =	vld [tilespmem:s30+$0x20]  }
0x36: {  	v4 =	vadd.bf16 v6, v4;
	v6 =	vld [tilespmem:s0+$0x20]  }
0x37: {  	v11 =	vld [tilespmem:s0+$0xFFFFFFE0];
	[tilespmem:s29+$0xFFFFFFC0] =	vst v1;
	v2 =	vadd.bf16 v2, v5  }
0x38: {  	v1 =	vld [tilespmem:s17+$0xFFFFFFF0];
	v4 =	vmax.bf16 v4, v0  }
0x39: {  	v10 =	vunpack.i.l.bf16.f32 v4;
	v5 =	vld [tilespmem:s0+$0xFFFFFFC0];
	v2 =	vmax.bf16 v2, v0  }
0x3a: {  	[tilespmem:s29+$0x0] =	vst v10;
	v10 =	vld [tilespmem:s0+$0x0];
	v7 =	vadd.bf16 v8, v7;
	v12 =	vunpack.i.l.bf16.f32 v2  }
0x3b: {  	v8 =	vld [tilespmem:s30+$0x0];
	v3 =	vadd.bf16 v6, v3;
	v2 =	vunpack.i.u.bf16.f32 v2;
	[tilespmem:s29+$0xFFFFFF80] =	vst v12  }
0x3c: {  	v4 =	vunpack.i.u.bf16.f32 v4;
	v6 =	vld [tilespmem:s30+$0xFFFFFFC0];
	[tilespmem:s29+$0xFFFFFF90] =	vst v2;
	v2 =	vmax.bf16 v7, v0  }
0x3d: {  	[tilespmem:s29+$0x10] =	vst v4;
	v3 =	vmax.bf16 v3, v0;
	v4 =	vunpack.i.u.bf16.f32 v2;
	v12 =	vld [tilespmem:s17+$0xFFFFFFD0]  }
0x3e: {  	s1 =	simm.s32 $0xDF80;
	v7 =	vadd.bf16 v11, v9;
	v13 =	vld [tilespmem:s16+$0xFFFFFFD0];
	[tilespmem:s29+$0x70] =	vst v4;
	v4 =	vunpack.i.l.bf16.f32 v3  }
0x3f: {  	v9 =	vunpack.i.l.bf16.f32 v2;
	v2 =	vld [tilespmem:s17+$0x10];
	v3 =	vunpack.i.u.bf16.f32 v3;
	[tilespmem:s1+$0x40] =	vst v4  }
0x40: {  	v7 =	vmax.bf16 v7, v0;
	v8 =	vadd.bf16 v10, v8;
	v4 =	vld [tilespmem:s16+$0xFFFFFFF0];
	[tilespmem:s1+$0x50] =	vst v3  }
0x41: {  	[tilespmem:s29+$0x60] =	vst v9;
	v3 =	vadd.bf16 v5, v6;
	v6 =	vunpack.i.l.bf16.f32 v7;
	v5 =	vld [tilespmem:s30+$0x30]  }
0x42: {  	v9 =	vunpack.i.u.bf16.f32 v7;
	[tilespmem:s1+$0xFFFFFFC0] =	vst v6;
	v6 =	vmax.bf16 v8, v0;
	v7 =	vld [tilespmem:s0+$0x30]  }
0x43: {  	[tilespmem:s1+$0xFFFFFFD0] =	vst v9;
	v3 =	vmax.bf16 v3, v0;
	v8 =	vunpack.i.u.bf16.f32 v6;
	v10 =	vunpack.i.l.bf16.f32 v6;
	v6 =	vld [tilespmem:s16+$0x10]  }
0x44: {  	s18 =	simm.s32 $0x9F40;
	s17 =	simm.s32 $0x4;
	s16 =	simm.s32 $0xAEC0;
	v9 =	vunpack.i.u.bf16.f32 v3;
	v11 =	vunpack.i.l.bf16.f32 v3;
	v3 =	vld [tilespmem:s30+$0xFFFFFFF0];
	[tilespmem:s1+$0x0] =	vst v10;
	v10 =	vadd.bf16 v13, v12  }
.LBB2_3:
0x45: {  	v12 =	vld [tilespmem:s18+$0x20];
	[tilespmem:s1+$0xFFFFFF80] =	vst v11;
	s0 =	sadd.s32 $0x80, s0;
	v1 =	vadd.bf16 v4, v1  }
0x46: {  	v4 =	vld [tilespmem:s0+$0x20];
	[tilespmem:s1+$0xFFFFFF90] =	vst v9;
	v9 =	vmax.bf16 v10, v0  }
0x47: {  	v10 =	vld [tilespmem:s0+$0xFFFFFFC0];
	[tilespmem:s1+$0x10] =	vst v8;
	v5 =	vadd.bf16 v7, v5;
	v7 =	vunpack.i.u.bf16.f32 v9;
	v11 =	vmax.bf16 v1, v0  }
0x48: {  	s17 =	sadd.s32 $0x4, s17;
	v9 =	vunpack.i.l.bf16.f32 v9;
	v8 =	vld [tilespmem:s18+$0xFFFFFFE0];
	[tilespmem:s29+$0xFFFFFFB0] =	vst v7;
	v7 =	vunpack.i.u.bf16.f32 v11;
	v2 =	vadd.bf16 v6, v2  }
0x49: {  	p0 =	slt.u32 s17, $0x7C;
	v6 =	vld [tilespmem:s0+$0xFFFFFFE0];
	v5 =	vmax.bf16 v5, v0;
	[tilespmem:s29+$0xFFFFFFA0] =	vst v9;
	v9 =	vunpack.i.l.bf16.f32 v11;
	v1 =	vmov v3  }
0x4a: {  	v3 =	vld [tilespmem:s18+$0x0];
	v11 =	vunpack.i.u.bf16.f32 v5;
	v13 =	vunpack.i.l.bf16.f32 v5;
	[tilespmem:s29+$0xFFFFFFE0] =	vst v9;
	v2 =	vmax.bf16 v2, v0  }
0x4b: {  	v5 =	vld [tilespmem:s0+$0x0];
	v4 =	vadd.bf16 v4, v12;
	[tilespmem:s1+$0x70] =	vst v11;
	v9 =	vunpack.i.u.bf16.f32 v2;
	v2 =	vunpack.i.l.bf16.f32 v2  }
0x4c: {  	v11 =	vld [tilespmem:s18+$0xFFFFFFC0];
	[tilespmem:s29+$0xFFFFFFF0] =	vst v7  }
0x4d: {  	v4 =	vmax.bf16 v4, v0;
	v12 =	vld [tilespmem:s30+$0xFFFFFFD0];
	[tilespmem:s29+$0x20] =	vst v2  }
0x4e: {  	v2 =	vadd.bf16 v6, v8;
	v6 =	vunpack.i.l.bf16.f32 v4;
	v14 =	vld [tilespmem:s16+$0xFFFFFFD0];
	[tilespmem:s29+$0x30] =	vst v9;
	s29 =	smov.u32 s1;
	s1 =	sadd.s32 $0x100, s1  }
0x4f: {  	v7 =	vunpack.i.u.bf16.f32 v4;
	[tilespmem:s1+$0x40] =	vst v6;
	v4 =	vld [tilespmem:s16+$0xFFFFFFF0]  }
.Ltmp0:
0x50: {  	v6 =	vmax.bf16 v2, v0;
	v3 =	vadd.bf16 v5, v3;
	[tilespmem:s1+$0x50] =	vst v7;
	v2 =	vld [tilespmem:s30+$0x10];
	s30 =	smov.u32 s18;
	(pc) =	sbr.rel @p0 .LBB2_3-.Ltmp0, $4  }
0x51: {  	v8 =	vadd.bf16 v10, v11;
	v9 =	vunpack.i.u.bf16.f32 v6;
	v6 =	vunpack.i.l.bf16.f32 v6;
	v5 =	vld [tilespmem:s18+$0x30];
	[tilespmem:s29+$0x60] =	vst v13  }
0x52: {  	[tilespmem:s1+$0xFFFFFFC0] =	vst v6;
	v3 =	vmax.bf16 v3, v0;
	v7 =	vld [tilespmem:s0+$0x30]  }
0x53: {  	v10 =	vmax.bf16 v8, v0;
	[tilespmem:s1+$0xFFFFFFD0] =	vst v9;
	v8 =	vunpack.i.u.bf16.f32 v3;
	v13 =	vunpack.i.l.bf16.f32 v3;
	v6 =	vld [tilespmem:s16+$0x10];
	s16 =	smov.u32 s0  }
0x54: {  	s18 =	sadd.s32 $0x80, s18;
	v9 =	vunpack.i.u.bf16.f32 v10;
	v11 =	vunpack.i.l.bf16.f32 v10;
	v3 =	vld [tilespmem:s30+$0xFFFFFFF0];
	[tilespmem:s1+$0x0] =	vst v13;
	v10 =	vadd.bf16 v14, v12  }
0x55: {  	[tilespmem:s1+$0xFFFFFF80] =	vst v11  }
0x56: {  	[tilespmem:s1+$0xFFFFFF90] =	vst v9  }
0x57: {  	v1 =	vadd.bf16 v4, v1;
	v4 =	vmax.bf16 v10, v0;
	v9 =	vld [tilespmem:s30+$0xFFFFFFD0]  }
0x58: {  	[tilespmem:s1+$0x10] =	vst v8;
	v8 =	vld [tilespmem:s16+$0xFFFFFFD0];
	v5 =	vadd.bf16 v7, v5;
	v7 =	vunpack.i.u.bf16.f32 v4  }
0x59: {  	v1 =	vmax.bf16 v1, v0;
	v4 =	vunpack.i.l.bf16.f32 v4;
	[tilespmem:s29+$0xFFFFFFB0] =	vst v7  }
0x5a: {  	v2 =	vadd.bf16 v6, v2;
	[tilespmem:s29+$0xFFFFFFA0] =	vst v4;
	v4 =	vunpack.i.l.bf16.f32 v1;
	v6 =	vld [tilespmem:s16+$0xFFFFFFF0];
	v5 =	vmax.bf16 v5, v0  }
0x5b: {  	[tilespmem:s29+$0xFFFFFFE0] =	vst v4;
	v4 =	vld [tilespmem:s30+$0x10];
	v7 =	vunpack.i.u.bf16.f32 v5  }
0x5c: {  	v1 =	vunpack.i.u.bf16.f32 v1;
	[tilespmem:s1+$0x70] =	vst v7;
	v7 =	vld [tilespmem:s16+$0x10]  }
0x5d: {  	[tilespmem:s29+$0xFFFFFFF0] =	vst v1;
	v2 =	vmax.bf16 v2, v0;
	v5 =	vunpack.i.l.bf16.f32 v5;
	v1 =	vadd.bf16 v8, v9  }
0x5e: {  	v10 =	vunpack.i.l.bf16.f32 v2;
	v2 =	vunpack.i.u.bf16.f32 v2;
	[tilespmem:s1+$0x60] =	vst v5  }
0x5f: {  	[tilespmem:s29+$0x30] =	vst v2;
	v2 =	vadd.bf16 v6, v3;
	v1 =	vmax.bf16 v1, v0  }
0x60: {  	[tilespmem:s29+$0x20] =	vst v10;
	v3 =	vunpack.i.u.bf16.f32 v1  }
0x61: {  	v1 =	vunpack.i.l.bf16.f32 v1;
	v2 =	vmax.bf16 v2, v0;
	[tilespmem:s1+$0xFFFFFFB0] =	vst v3;
	v3 =	vadd.bf16 v7, v4  }
0x62: {  	[tilespmem:s1+$0xFFFFFFA0] =	vst v1;
	v1 =	vunpack.i.l.bf16.f32 v2  }
0x63: {  	v2 =	vunpack.i.u.bf16.f32 v2;
	[tilespmem:s1+$0xFFFFFFE0] =	vst v1;
	v1 =	vmax.bf16 v3, v0  }
0x64: {  	p0 =	seq.s32 s28, $0x4E;
	[tilespmem:s1+$0xFFFFFFF0] =	vst v2;
	v3 =	vunpack.i.l.bf16.f32 v1  }
0x65: {  	p1 =	seq.s32 @!p0 s28, $0x0;
	s29 =	sshll.u32 @!p0 s28, $0x8;
	v1 =	vunpack.i.u.bf16.f32 v1;
	[tilespmem:s1+$0x20] =	vst v3  }
0x66: {  	s16 =	simm.s32 @!p0 $0x9E00;
	s0 =	sadd.s32 @!p0 $0x100, s29;
	[tilespmem:s1+$0x30] =	vst v1;
	s1 =	simm.s32 @!p0 $0x80  }
0x67: {  	[tilespmem:s16], [sflag:$0x1] =	stream.indirect.gather @!p0 [hbm4b:s7+s1], $0x20, s0, s1, $0xb8;
	[tilespmem:$0x1BE00] =	vst v63  }
0x68: {  	p1 =	por p0, !p1;
	s0 =	sadd.s32 @!p0 $0x5000, s29;
	s16 =	simm.s32 @!p0 $0xAE00  }
0x69: {  	[tilespmem:s16], [sflag:$0x1] =	stream.indirect.gather @!p0 [hbm4b:s8+s1], $0x20, s0, s1, $0xb8;
	[tilespmem:$0x1BE00] =	vst v63  }
0x6a: {  	_ =	swait.ge @p1 [sflag:s24], $0x2000  }
0x6b: {  	s19 =	sshll.u32 s28, $0x8;
	[sflag:s24] =	ssyncset.done @p1 $0x0  }
0x6c: {  	s30 =	sand.u32 $0x3FFFFF00, s19;
	[sflag:s24] =	ssyncadd.s32 @p1 $0xFFFFE000  }
0x6d: {  	[spmem:s2] =	stream.indirect.scatter.add.f32 [tilespmem:s22], [sflag:$0x3], $0x40, s30, s15, $0xb8;
	[tilespmem:$0x1BE00] =	vst v63  }
0x6e: {  	_ =	swait.ge [sflag:s23], $0x1000  }
0x6f: {  	[sflag:s23] =	ssyncset.done $0x0  }
0x70: {  	[sflag:s23] =	ssyncadd.s32 $0xFFFFF000  }
0x71: {  	_ =	swait.ge [sflag:s23], $0x1000  }
0x72: {  	[sflag:s23] =	ssyncset.done $0x0  }
0x73: {  	s18 =	simm.s32 $0xBE40;
	[sflag:s23] =	ssyncadd.s32 $0xFFFFF000  }
0x74: {  	s17 =	simm.s32 $0xCE40;
	v1 =	vld [tilespmem:s18+$0x20]  }
0x75: {  	v2 =	vld [tilespmem:s17+$0x20];
	_ =	sdelay $0x2  }
0x76: {  	v3 =	vld [tilespmem:s18+$0xFFFFFFE0]  }
0x77: {  	v4 =	vld [tilespmem:s17+$0xFFFFFFE0]  }
0x78: {  	v1 =	vadd.bf16 v2, v1  }
0x79: {  	s1 =	simm.s32 $0xBEC0;
	v6 =	vld [tilespmem:s17+$0x0]  }
0x7a: {  	v9 =	vld [tilespmem:s1+$0xFFFFFFE0];
	v1 =	vmax.bf16 v1, v0  }
0x7b: {  	s31 =	simm.s32 $0xFE80;
	v2 =	vld [tilespmem:s17+$0xFFFFFFC0];
	v5 =	vunpack.i.l.bf16.f32 v1  }
0x7c: {  	v3 =	vadd.bf16 v4, v3;
	v4 =	vld [tilespmem:s18+$0x0];
	v1 =	vunpack.i.u.bf16.f32 v1;
	[tilespmem:s31+$0x40] =	vst v5  }
0x7d: {  	v5 =	vld [tilespmem:s18+$0xFFFFFFC0];
	[tilespmem:s31+$0x50] =	vst v1  }
0x7e: {  	v3 =	vmax.bf16 v3, v0;
	v7 =	vld [tilespmem:s18+$0x30]  }
0x7f: {  	v1 =	vunpack.i.l.bf16.f32 v3;
	v3 =	vunpack.i.u.bf16.f32 v3;
	v8 =	vld [tilespmem:s17+$0x30]  }
0x80: {  	s16 =	simm.s32 $0xCEC0;
	[tilespmem:s31+$0xFFFFFFD0] =	vst v3;
	v3 =	vld [tilespmem:s1+$0x20]  }
0x81: {  	v4 =	vadd.bf16 v6, v4;
	v6 =	vld [tilespmem:s16+$0x20]  }
0x82: {  	v11 =	vld [tilespmem:s16+$0xFFFFFFE0];
	[tilespmem:s31+$0xFFFFFFC0] =	vst v1;
	v2 =	vadd.bf16 v2, v5  }
0x83: {  	v1 =	vld [tilespmem:s18+$0xFFFFFFF0];
	v4 =	vmax.bf16 v4, v0  }
0x84: {  	v10 =	vunpack.i.l.bf16.f32 v4;
	v5 =	vld [tilespmem:s16+$0xFFFFFFC0];
	v2 =	vmax.bf16 v2, v0  }
0x85: {  	[tilespmem:s31+$0x0] =	vst v10;
	v10 =	vld [tilespmem:s16+$0x0];
	v7 =	vadd.bf16 v8, v7;
	v12 =	vunpack.i.l.bf16.f32 v2  }
0x86: {  	v8 =	vld [tilespmem:s1+$0x0];
	v3 =	vadd.bf16 v6, v3;
	v2 =	vunpack.i.u.bf16.f32 v2;
	[tilespmem:s31+$0xFFFFFF80] =	vst v12  }
0x87: {  	v4 =	vunpack.i.u.bf16.f32 v4;
	v6 =	vld [tilespmem:s1+$0xFFFFFFC0];
	[tilespmem:s31+$0xFFFFFF90] =	vst v2;
	v2 =	vmax.bf16 v7, v0  }
0x88: {  	[tilespmem:s31+$0x10] =	vst v4;
	v3 =	vmax.bf16 v3, v0;
	v4 =	vunpack.i.u.bf16.f32 v2;
	v12 =	vld [tilespmem:s18+$0xFFFFFFD0]  }
0x89: {  	s0 =	simm.s32 $0xFF80;
	v7 =	vadd.bf16 v11, v9;
	v13 =	vld [tilespmem:s17+$0xFFFFFFD0];
	[tilespmem:s31+$0x70] =	vst v4;
	v4 =	vunpack.i.l.bf16.f32 v3  }
0x8a: {  	v9 =	vunpack.i.l.bf16.f32 v2;
	v2 =	vld [tilespmem:s18+$0x10];
	v3 =	vunpack.i.u.bf16.f32 v3;
	[tilespmem:s0+$0x40] =	vst v4  }
0x8b: {  	v7 =	vmax.bf16 v7, v0;
	v8 =	vadd.bf16 v10, v8;
	v4 =	vld [tilespmem:s17+$0xFFFFFFF0];
	[tilespmem:s0+$0x50] =	vst v3  }
0x8c: {  	[tilespmem:s31+$0x60] =	vst v9;
	v3 =	vadd.bf16 v5, v6;
	v6 =	vunpack.i.l.bf16.f32 v7;
	v5 =	vld [tilespmem:s1+$0x30]  }
0x8d: {  	v9 =	vunpack.i.u.bf16.f32 v7;
	[tilespmem:s0+$0xFFFFFFC0] =	vst v6;
	v6 =	vmax.bf16 v8, v0;
	v7 =	vld [tilespmem:s16+$0x30]  }
0x8e: {  	[tilespmem:s0+$0xFFFFFFD0] =	vst v9;
	v3 =	vmax.bf16 v3, v0;
	v8 =	vunpack.i.u.bf16.f32 v6;
	v10 =	vunpack.i.l.bf16.f32 v6;
	v6 =	vld [tilespmem:s17+$0x10]  }
0x8f: {  	s19 =	simm.s32 $0xBF40;
	s18 =	simm.s32 $0x4;
	s17 =	simm.s32 $0xCEC0;
	v9 =	vunpack.i.u.bf16.f32 v3;
	v11 =	vunpack.i.l.bf16.f32 v3;
	v3 =	vld [tilespmem:s1+$0xFFFFFFF0];
	[tilespmem:s0+$0x0] =	vst v10;
	v10 =	vadd.bf16 v13, v12  }
.LBB2_5:
0x90: {  	v12 =	vld [tilespmem:s19+$0x20];
	[tilespmem:s0+$0xFFFFFF80] =	vst v11;
	s16 =	sadd.s32 $0x80, s16;
	v1 =	vadd.bf16 v4, v1  }
0x91: {  	v4 =	vld [tilespmem:s16+$0x20];
	[tilespmem:s0+$0xFFFFFF90] =	vst v9;
	v9 =	vmax.bf16 v10, v0  }
0x92: {  	v10 =	vld [tilespmem:s16+$0xFFFFFFC0];
	[tilespmem:s0+$0x10] =	vst v8;
	v5 =	vadd.bf16 v7, v5;
	v7 =	vunpack.i.u.bf16.f32 v9;
	v11 =	vmax.bf16 v1, v0  }
0x93: {  	s18 =	sadd.s32 $0x4, s18;
	v9 =	vunpack.i.l.bf16.f32 v9;
	v8 =	vld [tilespmem:s19+$0xFFFFFFE0];
	[tilespmem:s31+$0xFFFFFFB0] =	vst v7;
	v7 =	vunpack.i.u.bf16.f32 v11;
	v2 =	vadd.bf16 v6, v2  }
0x94: {  	p1 =	slt.u32 s18, $0x7C;
	v6 =	vld [tilespmem:s16+$0xFFFFFFE0];
	v5 =	vmax.bf16 v5, v0;
	[tilespmem:s31+$0xFFFFFFA0] =	vst v9;
	v9 =	vunpack.i.l.bf16.f32 v11;
	v1 =	vmov v3  }
0x95: {  	v3 =	vld [tilespmem:s19+$0x0];
	v11 =	vunpack.i.u.bf16.f32 v5;
	v13 =	vunpack.i.l.bf16.f32 v5;
	[tilespmem:s31+$0xFFFFFFE0] =	vst v9;
	v2 =	vmax.bf16 v2, v0  }
0x96: {  	v5 =	vld [tilespmem:s16+$0x0];
	v4 =	vadd.bf16 v4, v12;
	[tilespmem:s0+$0x70] =	vst v11;
	v9 =	vunpack.i.u.bf16.f32 v2;
	v2 =	vunpack.i.l.bf16.f32 v2  }
0x97: {  	v11 =	vld [tilespmem:s19+$0xFFFFFFC0];
	[tilespmem:s31+$0xFFFFFFF0] =	vst v7  }
0x98: {  	v4 =	vmax.bf16 v4, v0;
	v12 =	vld [tilespmem:s1+$0xFFFFFFD0];
	[tilespmem:s31+$0x20] =	vst v2  }
0x99: {  	v2 =	vadd.bf16 v6, v8;
	v6 =	vunpack.i.l.bf16.f32 v4;
	v14 =	vld [tilespmem:s17+$0xFFFFFFD0];
	[tilespmem:s31+$0x30] =	vst v9;
	s31 =	smov.u32 s0;
	s0 =	sadd.s32 $0x100, s0  }
0x9a: {  	v7 =	vunpack.i.u.bf16.f32 v4;
	[tilespmem:s0+$0x40] =	vst v6;
	v4 =	vld [tilespmem:s17+$0xFFFFFFF0]  }
.Ltmp1:
0x9b: {  	v6 =	vmax.bf16 v2, v0;
	v3 =	vadd.bf16 v5, v3;
	[tilespmem:s0+$0x50] =	vst v7;
	v2 =	vld [tilespmem:s1+$0x10];
	s1 =	smov.u32 s19;
	(pc) =	sbr.rel @p1 .LBB2_5-.Ltmp1, $4  }
0x9c: {  	v8 =	vadd.bf16 v10, v11;
	v9 =	vunpack.i.u.bf16.f32 v6;
	v6 =	vunpack.i.l.bf16.f32 v6;
	v5 =	vld [tilespmem:s19+$0x30];
	[tilespmem:s31+$0x60] =	vst v13  }
0x9d: {  	[tilespmem:s0+$0xFFFFFFC0] =	vst v6;
	v3 =	vmax.bf16 v3, v0;
	v7 =	vld [tilespmem:s16+$0x30]  }
0x9e: {  	v10 =	vmax.bf16 v8, v0;
	[tilespmem:s0+$0xFFFFFFD0] =	vst v9;
	v8 =	vunpack.i.u.bf16.f32 v3;
	v13 =	vunpack.i.l.bf16.f32 v3;
	v6 =	vld [tilespmem:s17+$0x10];
	s17 =	smov.u32 s16  }
0x9f: {  	s19 =	sadd.s32 $0x80, s19;
	v9 =	vunpack.i.u.bf16.f32 v10;
	v11 =	vunpack.i.l.bf16.f32 v10;
	v3 =	vld [tilespmem:s1+$0xFFFFFFF0];
	[tilespmem:s0+$0x0] =	vst v13;
	v10 =	vadd.bf16 v14, v12  }
0xa0: {  	[tilespmem:s0+$0xFFFFFF80] =	vst v11  }
0xa1: {  	[tilespmem:s0+$0xFFFFFF90] =	vst v9  }
0xa2: {  	v1 =	vadd.bf16 v4, v1;
	v55 =	vmax.bf16 v10, v0;
	v9 =	vld [tilespmem:s1+$0xFFFFFFD0]  }
0xa3: {  	[tilespmem:s0+$0x10] =	vst v8;
	v57 =	vld [tilespmem:s17+$0xFFFFFFD0];
	v56 =	vunpack.i.u.bf16.f32 v55  }
0xa4: {  	v5 =	vadd.bf16 v7, v5;
	v1 =	vmax.bf16 v1, v0;
	v4 =	vunpack.i.l.bf16.f32 v55;
	[tilespmem:s31+$0xFFFFFFB0] =	vst v56  }
0xa5: {  	v59 =	vld [tilespmem:s17+$0xFFFFFFF0];
	[tilespmem:s31+$0xFFFFFFA0] =	vst v4;
	v58 =	vunpack.i.l.bf16.f32 v1  }
0xa6: {  	v61 =	vld [tilespmem:s1+$0x10];
	v2 =	vadd.bf16 v6, v2;
	v1 =	vunpack.i.u.bf16.f32 v1;
	v5 =	vmax.bf16 v5, v0;
	[tilespmem:s31+$0xFFFFFFE0] =	vst v58  }
0xa7: {  	v62 =	vld [tilespmem:s17+$0x10];
	[tilespmem:s31+$0xFFFFFFF0] =	vst v1;
	v60 =	vunpack.i.u.bf16.f32 v5  }
0xa8: {  	v2 =	vmax.bf16 v2, v0;
	v5 =	vunpack.i.l.bf16.f32 v5;
	[tilespmem:s0+$0x70] =	vst v60;
	v1 =	vadd.bf16 v57, v9  }
0xa9: {  	v63 =	vunpack.i.l.bf16.f32 v2;
	v2 =	vunpack.i.u.bf16.f32 v2;
	[tilespmem:s0+$0x60] =	vst v5  }
0xaa: {  	[tilespmem:s31+$0x30] =	vst v2;
	v2 =	vadd.bf16 v59, v3;
	v1 =	vmax.bf16 v1, v0  }
0xab: {  	[tilespmem:s31+$0x20] =	vst v63;
	v3 =	vunpack.i.u.bf16.f32 v1  }
0xac: {  	v2 =	vmax.bf16 v2, v0;
	v1 =	vunpack.i.l.bf16.f32 v1;
	[tilespmem:s0+$0xFFFFFFB0] =	vst v3;
	v3 =	vadd.bf16 v62, v61  }
0xad: {  	[tilespmem:s0+$0xFFFFFFA0] =	vst v1;
	v1 =	vunpack.i.l.bf16.f32 v2  }
0xae: {  	v2 =	vunpack.i.u.bf16.f32 v2;
	[tilespmem:s0+$0xFFFFFFE0] =	vst v1;
	v1 =	vmax.bf16 v3, v0  }
0xaf: {  	[tilespmem:s0+$0xFFFFFFF0] =	vst v2;
	v3 =	vunpack.i.l.bf16.f32 v1  }
0xb0: {  	v1 =	vunpack.i.u.bf16.f32 v1;
	[tilespmem:s0+$0x20] =	vst v3  }
0xb1: {  	s16 =	simm.s32 @!p0 $0xBE00;
	s1 =	simm.s32 @!p0 $0x80;
	[tilespmem:s0+$0x30] =	vst v1;
	s0 =	sadd.s32 @!p0 $0x180, s29  }
0xb2: {  	[tilespmem:s16], [sflag:$0x2] =	stream.indirect.gather @!p0 [hbm4b:s7+s1], $0x20, s0, s1, $0xb8;
	[tilespmem:$0x1BE00] =	vst v63  }
0xb3: {  	s28 =	sadd.s32 $0x1, s28;
	s0 =	sadd.s32 @!p0 $0x5080, s29;
	s16 =	simm.s32 @!p0 $0xCE00  }
0xb4: {  	[tilespmem:s16], [sflag:$0x2] =	stream.indirect.gather @!p0 [hbm4b:s8+s1], $0x20, s0, s1, $0xb8;
	[tilespmem:$0x1BE00] =	vst v63  }
0xb5: {  	p0 =	sne.s32 s28, $0x4F  }
.Ltmp2:
0xb6: {  	_ = 	snop;
	(pc) =	sbr.rel @p0 .LBB2_2-.Ltmp2, $4  }
0xb7: {  	_ =	swait.ge [sflag:s24], $0x2000  }
0xb8: {  	[sflag:s24] =	ssyncset.done $0x0  }
0xb9: {  	s31 =	sadd.s32 $0x80, s30;
	[sflag:s24] =	ssyncadd.s32 $0xFFFFE000  }
0xba: {  	[spmem:s2] =	stream.indirect.scatter.add.f32 [tilespmem:s25], [sflag:$0x3], $0x40, s31, s15, $0xb8;
	[tilespmem:$0x1BE00] =	vst v63  }
0xbb: {  	_ =	swait.ge [sflag:s24], $0x2000  }
0xbc: {  	s26 =	sadd.s32 $0x1, s26;
	[sflag:s24] =	ssyncset.done $0x0  }
0xbd: {  	p0 =	sne.s32 s26, s10;
	[sflag:s24] =	ssyncadd.s32 $0xFFFFE000  }
.Ltmp3:
0xbe: {  	[bflag:$0x0] =	sbarrier.arrive $0xFFFF;
	(pc) =	sbr.rel @p0 .LBB2_1-.Ltmp3, $4  }
0xbf: {  	[hbm:s9], [sflag:s13] =	dma.local [spmem:s14], $0x1400  }
0xc0: {  	_ =	swait.ge [sflag:s11], $0x1400  }
0xc1: {  	[sflag:s11] =	ssyncset.done $0x0  }
0xc2: {  	[sflag:s11] =	ssyncadd.s32 $0xFFFFEC00  }
0xc3: {  	_ =	sfence.sel $0x180000  }
0xc4: {  	[bflag:$0x0] =	sbarrier.arrive $0xFFFF  }
0xc5: {  	_ =	strace $0x9000004D  }
0xc6: {  	s0 =	stileid.u32;
	[bflag:$0x2] =	sbarrier.arrive $0xFFFF  }
0xc7: {  	p0 =	sne.s32 s0, $0x0;
	s0 =	rddreg [dreg:$0x2]  }
0xc8: {  	s0 =	sadd.s32 @!p0 $0x100000, s0  }
0xc9: {  	[sflag:s0] =	ssyncadd.tile.s32 @!p0 $0x1;
	_ =	shalt  }
.Lfunc_end2:
_tile_overlayer_lowered:
.L_overlay_start_2:
0xca: {  	(tag) =	ssettag $0x2  }
0xcb: {  	s0 =	rddreg [dreg:$0x0];
	s2 =	stileid.u32  }
0xcc: {  	s1 =	rddreg [dreg:$0x1];
	p0 =	sne.s32 s2, $0x0  }
0xcd: {  	s3 =	rddreg [dreg:$0x2];
	[bflag:$0x3] =	sbarrier.arrive $0xFFFF;
	s2 =	simm.s32 @!p0 $0x1C04  }
0xce: {  	[timem:s3], [sflag:s2] =	dma.local @!p0 [hbm:s0], s1  }
0xcf: {  	s0 =	simm.s32 @!p0 $0x4  }
0xd0: {  	_ =	swait.ge @!p0 [sflag:s0], s1  }
0xd1: {  	s1 =	ssub.s32 @!p0 $0x0, s1;
	[sflag:s0] =	ssyncset.done @!p0 $0x0  }
0xd2: {  	[sflag:s0] =	ssyncadd.s32 @!p0 s1  }
0xd3: {  	[bflag:$0x3] =	sbarrier.arrive $0xFFFF  }
0xd4: {  	_ =	shalt  }

// kernel: kernel.9.cloned.1.call-start
scs
__scs_entry_jumppad:
0x0: {  	(pc) =	sbr.rel $0x88, $3  }
0x1: {  	(tag) =	ssettag $0x0;
	lr =	simm.s32 $0x1  }
0x2: {  	[smem:$0x3F99] =	sst lr;
	_ =	strace $0xD0000000  }
0x3: {  	_ = 	snop  }
0x4: {  	_ = 	snop  }
0x5: {  	_ = 	snop  }
0x6: {  	_ = 	snop  }
0x7: {  	_ = 	snop  }
__scs_overlays_trampoline_lowered:
0x8: {  	[smem:$0x3FA8] =	sst s0  }
0x9: {  	[smem:$0x3FA9] =	sst s1  }
0xa: {  	[smem:$0x3FAA] =	sst s2  }
0xb: {  	[smem:$0x3FAB] =	sst s3  }
0xc: {  	[smem:$0x3FAC] =	sst s4  }
0xd: {  	[smem:$0x3FAD] =	sst s5  }
0xe: {  	[smem:$0x3FAE] =	sst s6  }
0xf: {  	[smem:$0x3FAF] =	sst s7  }
0x10: {  	[smem:$0x3FB0] =	sst s8  }
0x11: {  	[smem:$0x3FB1] =	sst s9;
	s0 =	simm.s32 @!p0 $0x0  }
0x12: {  	s1 =	sld [smem:$0x3F97];
	s0 =	simm.s32 @p0 $0x1  }
0x13: {  	[smem:$0x3FB2] =	sst s0;
	s0 =	simm.s32 @!p1 $0x0  }
0x14: {  	s2 =	sld [smem:$0x3F96];
	s0 =	simm.s32 @p1 $0x1  }
0x15: {  	[smem:$0x3FB3] =	sst s0;
	s0 =	simm.s32 @!p2 $0x0  }
0x16: {  	s3 =	sld [smem:$0x3FDB];
	s0 =	simm.s32 @p2 $0x1  }
0x17: {  	s4 =	simm.s32 $0x1BF5;
	[smem:$0x3FB5] =	sst s0  }
0x18: {  	s0 =	sld [smem:$0x3F98];
	_ =	swait.ge [sflag:s4], $0x0  }
0x19: {  	s7 =	sld [smem:$0x3F99]  }
0x1a: {  	s8 =	sadd.s32 $0xFFFFE003, lr  }
0x1b: {  	s9 =	sadd.s32 $0xFFFFFEF7, lr;
	s5 =	simm.s32 $0xFFFFFFFF;
	p2 =	slt.u32 s8, $0xFFFFF086  }
0x1c: {  	p1 =	slt.u32 s9, $0xF7A;
	s5 =	simm.s32 @!p2 $0x0  }
0x1d: {  	s5 =	simm.s32 @p1 $0x1;
	p0 =	seq.s32 s7, s2  }
0x1e: {  	s7 =	smul.u32 @!p0 $0xF7A, s2;
	p2 =	seq.s32 @!p0 s5, $0x0  }
0x1f: {  	s9 =	smul.u32 $0xF7A, s1;
	s8 =	simm.s32 @!p0 $0x1BF5;
	p2 =	por !p2, p0  }
0x20: {  	[sflag:s8] =	ssyncset.s32 @!p0 $0xFFFFF086;
	s6 =	sadd.s32 @!p0 s3, s7;
	s7 =	simm.s32 @!p0 $0x108  }
0x21: {  	s3 =	sadd.s32 s3, s9;
	s6 =	sadd.s32 @!p0 $0x88, s6;
	s7 =	simm.s32 @p2 $0x1082  }
0x22: {  	[simem:s7], [sflag:s8] =	dma.local @!p0 [hbm:s6], $0xF7A  }
0x23: {  	s9 =	sor.u32 $0xD0000000, s2;
	s6 =	simm.s32 $0x108;
	_ =	swait.ge @!p0 [sflag:s8], $0x0  }
0x24: {  	s3 =	sadd.s32 $0x88, s3;
	s6 =	simm.s32 @!p1 $0x1082;
	[sflag:s4] =	ssyncset.s32 $0xFFFFF086  }
0x25: {  	[simem:s6], [sflag:s4] =	dma.local [hbm:s3], $0xF7A  }
0x26: {  	[smem:$0x3F99] =	sst s1;
	(tag) =	ssettag s2;
	_ =	strace s9  }
0x27: {  	s1 =	sld [smem:$0x3FA9]  }
0x28: {  	s2 =	sld [smem:$0x3FAA]  }
0x29: {  	s4 =	sld [smem:$0x3FAC]  }
0x2a: {  	p0 =	seq.s32 s5, $0x0;
	s5 =	sld [smem:$0x3FAD]  }
0x2b: {  	s6 =	sld [smem:$0x3FAE]  }
0x2c: {  	s7 =	sld [smem:$0x3FAF]  }
0x2d: {  	s3 =	simm.s32 $0x108;
	s8 =	sld [smem:$0x3FB0]  }
0x2e: {  	s3 =	simm.s32 @!p0 $0x1082;
	s9 =	sld [smem:$0x3FB1]  }
0x2f: {  	lr =	sadd.s32 s0, s3;
	s0 =	sld [smem:$0x3FA8]  }
0x30: {  	s3 =	sld [smem:$0x3FAB]  }
0x31: {  	[smem:$0x3FB4] =	sst s10  }
0x32: {  	s10 =	sld [smem:$0x3FB2];
	_ =	sdelay $0x3  }
0x33: {  	p0 =	seq.s32 s10, $0x1;
	s10 =	sld [smem:$0x3FB4];
	_ =	sdelay $0x3  }
0x34: {  	[smem:$0x3FB4] =	sst s10  }
0x35: {  	s10 =	sld [smem:$0x3FB3];
	_ =	sdelay $0x3  }
0x36: {  	p1 =	seq.s32 s10, $0x1;
	s10 =	sld [smem:$0x3FB4];
	_ =	sdelay $0x3  }
0x37: {  	[smem:$0x3FB4] =	sst s10  }
0x38: {  	s10 =	sld [smem:$0x3FB5]  }
0x39: {  	_ = 	snop;
	(pc) =	sbr.ind lr, $3  }
0x3a: {  	_ = 	snop  }
0x3b: {  	_ = 	snop  }
0x3c: {  	p2 =	seq.s32 s10, $0x1;
	s10 =	sld [smem:$0x3FB4]  }
0x3d: {  	_ =	shalt  }
0x3e: {  	_ =	shalt  }
0x3f: {  	_ =	shalt  }
0x40: {  	_ =	shalt  }
0x41: {  	_ =	shalt  }
0x42: {  	_ =	shalt  }
0x43: {  	_ =	shalt  }
0x44: {  	_ =	shalt  }
0x45: {  	_ =	shalt  }
0x46: {  	_ =	shalt  }
0x47: {  	_ =	shalt  }
0x48: {  	_ =	shalt  }
0x49: {  	_ =	shalt  }
0x4a: {  	_ =	shalt  }
0x4b: {  	_ =	shalt  }
0x4c: {  	_ =	shalt  }
0x4d: {  	_ =	shalt  }
0x4e: {  	_ =	shalt  }
0x4f: {  	_ =	shalt  }
0x50: {  	_ =	shalt  }
0x51: {  	_ =	shalt  }
0x52: {  	_ =	shalt  }
0x53: {  	_ =	shalt  }
0x54: {  	_ =	shalt  }
0x55: {  	_ =	shalt  }
0x56: {  	_ =	shalt  }
0x57: {  	_ =	shalt  }
0x58: {  	_ =	shalt  }
0x59: {  	_ =	shalt  }
0x5a: {  	_ =	shalt  }
0x5b: {  	_ =	shalt  }
0x5c: {  	_ =	shalt  }
0x5d: {  	_ =	shalt  }
0x5e: {  	_ =	shalt  }
0x5f: {  	_ =	shalt  }
0x60: {  	_ =	shalt  }
0x61: {  	_ =	shalt  }
0x62: {  	_ =	shalt  }
0x63: {  	_ =	shalt  }
0x64: {  	_ =	shalt  }
0x65: {  	_ =	shalt  }
0x66: {  	_ =	shalt  }
0x67: {  	_ =	shalt  }
0x68: {  	_ =	shalt  }
0x69: {  	_ =	shalt  }
0x6a: {  	_ =	shalt  }
0x6b: {  	_ =	shalt  }
0x6c: {  	_ =	shalt  }
0x6d: {  	_ =	shalt  }
0x6e: {  	_ =	shalt  }
0x6f: {  	_ =	shalt  }
0x70: {  	_ =	shalt  }
0x71: {  	_ =	shalt  }
0x72: {  	_ =	shalt  }
0x73: {  	_ =	shalt  }
0x74: {  	_ =	shalt  }
0x75: {  	_ =	shalt  }
0x76: {  	_ =	shalt  }
0x77: {  	_ =	shalt  }
0x78: {  	_ =	shalt  }
0x79: {  	_ =	shalt  }
0x7a: {  	_ =	shalt  }
0x7b: {  	_ =	shalt  }
0x7c: {  	_ =	shalt  }
0x7d: {  	_ =	shalt  }
0x7e: {  	_ =	shalt  }
0x7f: {  	_ =	shalt  }
0x80: {  	_ =	shalt  }
0x81: {  	_ =	shalt  }
0x82: {  	_ =	shalt  }
0x83: {  	_ =	shalt  }
0x84: {  	_ =	shalt  }
0x85: {  	_ =	shalt  }
0x86: {  	_ =	shalt  }
0x87: {  	_ =	shalt  }
.Lfunc_end0:
.L_simem_size_0:
called_computation_lowered:
.L_overlay_start_0:
0x88: {  	s2 =	sld [smem:$0x3FD9]  }
0x89: {  	s3 =	sld [smem:$0x3FFE];
	_ =	sdelay $0x1  }
0x8a: {  	s1 =	srdreg.scid  }
0x8b: {  	s0 =	sand.u32 $0x1, s1  }
0x8c: {  	s16 =	sshll.u32 s0, $0xA;
	s2 =	sadd.s32 s3, s2  }
0x8d: {  	s2 =	sadd.s32 s2, s16  }
0x8e: {  	[smem:$0x3FC0] =	sst s2  }
0x8f: {  	_ = 	snop  }
0x90: {  	(tm) =	ssettm $0x1  }
0x91: {  	s17 =	sld [smem:$0x3FFB];
	_ =	sdelay $0x3  }
0x92: {  	_ =	strace s17  }
0x93: {  	s2 =	sld [smem:$0x3FFC];
	_ =	sdelay $0x3  }
0x94: {  	_ =	strace s2  }
0x95: {  	s2 =	sld [smem:$0x3FFD];
	_ =	sdelay $0x3  }
0x96: {  	_ =	strace s2  }
0x97: {  	_ =	strace $0x8FFFFFFF  }
0x98: {  	s18 =	sld [smem:$0x3FDB];
	_ =	sdelay $0x1  }
0x99: {  	s19 =	simm.s32 $_scs_section_size  }
0x9a: {  	s4 =	simm.s32 $_size__tile_overlayer_lowered;
	s5 =	simm.s32 $_tile_overlayer_lowered  }
0x9b: {  	s22 =	simm.s32 $0x1BFF;
	s21 =	sshll.u32 s5, $0x1;
	s2 =	sadd.s32 s19, s18  }
0x9c: {  	s6 =	simm.s32 $0x0;
	s20 =	sshll.u32 s4, $0x1;
	s4 =	sadd.s32 s21, s2  }
0x9d: {  	[timem:s6], [sflag:s22] =	dma.local [hbm:s4], s20  }
0x9e: {  	_ =	swait.ge [sflag:s22], s20  }
0x9f: {  	s3 =	ssub.s32 $0x0, s20;
	[sflag:s22] =	ssyncset.done $0x0  }
0xa0: {  	[sflag:s22] =	ssyncadd.s32 s3;
	_ =	sdelay $0x1  }
0xa1: {  	s23 =	simm.s32 $0x1B8B  }
0xa2: {  	_ =	swait.ge [sflag:s23], $0x1  }
0xa3: {  	[sflag:s23] =	ssyncset.done $0x0  }
0xa4: {  	s25 =	simm.s32 $0x1B8E;
	s24 =	sld [smem:$0x3FFE];
	[sflag:s23] =	ssyncadd.s32 $0xFFFFFFFF  }
0xa5: {  	s26 =	simm.s32 $execute0_lowered;
	[smem:$0x3FD2] =	sst s25  }
0xa6: {  	s4 =	sshll.u32 s26, $0x1;
	_ =	strace $0x80000046;
	[dreg:$0x1] =	wrdreg $0xFFFFFFFF  }
0xa7: {  	s28 =	simm.s32 $_size_execute0_lowered;
	s2 =	sadd.s32 s2, s4;
	[dreg:$0x0] =	wrdreg $0x0  }
0xa8: {  	s4 =	sshll.u32 s28, $0x1;
	[dreg:$0x2] =	wrdreg s2  }
0xa9: {  	[dreg:$0x3] =	wrdreg s4  }
0xaa: {  	[dreg:$0x4] =	wrdreg $0xC0  }
0xab: {  	_ =	task [dreg:s6], $0x5FFFF  }
0xac: {  	[dreg:$0x1] =	wrdreg $0xFFFFFFFF  }
0xad: {  	[dreg:$0x0] =	wrdreg $0x60  }
0xae: {  	[dreg:$0x2] =	wrdreg s24  }
0xaf: {  	[dreg:$0x3] =	wrdreg $0x11E000  }
0xb0: {  	[dreg:$0x4] =	wrdreg $0x9  }
0xb1: {  	_ =	task.clear_ibuf [dreg:s6], $0x5FFFF;
	_ =	strace $0x90000046  }
0xb2: {  	s29 =	simm.s32 $0x9;
	_ =	strace $0x80000048  }
0xb3: {  	_ =	swait.ge [sflag:s29], $0x1  }
0xb4: {  	[sflag:s29] =	ssyncadd.s32 $0xFFFFFFFF  }
0xb5: {  	_ =	strace $0x90000048  }
0xb6: {  	_ =	sfence  }
0xb7: {  	s30 =	sld [smem:$0x0];
	_ =	sdelay $0x2  }
0xb8: {  	s31 =	sshll.u32 s1, $0xD;
	s1 =	sshrl.u32 s1, $0x2  }
0xb9: {  	s3 =	sand.u32 $0x4000, s31;
	s1 =	sadd.s32 s1, s30  }
0xba: {  	s0 =	sor.u32 s3, s0;
	s1 =	sshll.u32 s1, $0x11  }
0xbb: {  	s0 =	sor.u32 s1, s0  }
0xbc: {  	s0 =	sadd.s32 $0x8F2B, s0  }
0xbd: {  	[sflag:s0] =	ssyncadd.remote.s32 $0x1  }
0xbe: {  	_ =	sfence.sel $0xFFFF  }
0xbf: {  	[dreg:$0x0] =	wrdreg $0xFFFFFFFF;
	(pc) =	sbr.abs _section_cstart, $3  }
0xc0: {  	[dreg:$0x1] =	wrdreg $0xFFFFFFFF  }
0xc1: {  	_ =	task.clear_ibuf [dreg:s6], $0x2FFFF;
	_ =	strace $0x9FFFFFFF  }
0xc2: {  	(tm) =	ssettm $0x7FFFFFFF  }
0xc3: {  	_ =	shalt  }
tec
execute0_lowered:
.L_overlay_start_1:
0x0: {  	(tag) =	ssettag $0x1  }
0x1: {  	s0 =	rddreg [dreg:$0x0];
	s12 =	stileid.u32  }
0x2: {  	s1 =	srdreg.scid;
	s2 =	rddreg [dreg:$0x1];
	s3 =	simm.s32 $0x0  }
0x3: {  	s11 =	simm.s32 $0x4;
	s15 =	simm.s32 $0x80;
	s20 =	simm.s32 $0xCE00  }
0x4: {  	s21 =	simm.s32 $0x1;
	s22 =	simm.s32 $0xDE00;
	s23 =	simm.s32 $0x2  }
0x5: {  	s24 =	simm.s32 $0x3;
	s25 =	simm.s32 $0xFE00;
	s26 =	simm.s32 $0x0  }
0x6: {  	s4 =	smul.u32 $0x9E0, s12;
	s1 =	sand.u32 $0x1, s1;
	[smem:$0x7FF] =	sst s3  }
0x7: {  	s7 =	smul.u32 $0xA000, s12;
	s31 =	sshll.u32 s12, $0x6;
	s12 =	simm.s32 $0x4F00  }
0x8: {  	s5 =	smul.u32 $0xA0000, s1;
	_ =	strace $0x80000047;
	s1 =	ssub.s32 $0x2, s1  }
0x9: {  	s13 =	sor.u32 $0x1C04, s31;
	s6 =	sadd.s32 s4, s0;
	s9 =	sshrl.u32 s1, $0x1  }
0xa: {  	s4 =	sadd.s32 $0x3E000, s0;
	s14 =	sadd.s32 s7, s2;
	s30 =	sshrl.u32 s5, $0x4  }
0xb: {  	s5 =	sadd.s32 s7, s5;
	s1 =	ssub.s32 s1, s9;
	s14 =	sshrl.u32 s14, $0x3  }
0xc: {  	s8 =	sadd.s32 s30, s0;
	s5 =	sshrl.u32 s5, $0x3;
	s10 =	smax.u32 s1, $0x1  }
0xd: {  	s0 =	sadd.s32 s5, s0;
	s5 =	sadd.s32 $0xC200, s6;
	s6 =	sadd.s32 $0x2400, s6  }
0xe: {  	v0 =	vimm.bf16 $0.0e+00;
	s7 =	sadd.s32 $0x16000, s8;
	s8 =	sadd.s32 $0x2A000, s8;
	s9 =	sadd.s32 $0x3F400, s0  }
.LBB2_1:
0xf: {  	[tilespmem:s3], [sflag:$0x4] =	stream.linear.gather [hbm4b:s5+s3], $0x4F00, $0x38;
	[tilespmem:$0x1BE00] =	vst v63  }
0x10: {  	_ =	swait.ge [sflag:s11], $0x4F00  }
0x11: {  	[sflag:s11] =	ssyncset.done $0x0  }
0x12: {  	[sflag:s11] =	ssyncadd.s32 $0xFFFFB100  }
0x13: {  	[tilespmem:s12], [sflag:$0x4] =	stream.linear.gather [hbm4b:s6+s3], $0x4F00, $0x38;
	[tilespmem:$0x1BE00] =	vst v63  }
0x14: {  	_ =	swait.ge [sflag:s11], $0x4F00  }
0x15: {  	[sflag:s11] =	ssyncset.done $0x0  }
0x16: {  	[sflag:s11] =	ssyncadd.s32 $0xFFFFB100  }
0x17: {  	[spmem:s14], [sflag:s13] =	dma.local [hbm:s4], $0x1400  }
0x18: {  	_ =	swait.ge [sflag:s11], $0x1400  }
0x19: {  	[sflag:s11] =	ssyncset.done $0x0  }
0x1a: {  	[sflag:s11] =	ssyncadd.s32 $0xFFFFEC00  }
0x1b: {  	s0 =	simm.s32 $0x9E00;
	[bflag:$0x0] =	sbarrier.arrive $0xFFFF  }
0x1c: {  	[tilespmem:s0], [sflag:$0x1] =	stream.indirect.gather [hbm4b:s7+s15], $0x20, s3, s15, $0xb8;
	[tilespmem:$0x1BE00] =	vst v63  }
0x1d: {  	s29 =	simm.s32 $0xAE00  }
0x1e: {  	[tilespmem:s29], [sflag:$0x1] =	stream.indirect.gather [hbm4b:s8+s15], $0x20, s12, s15, $0xb8;
	[tilespmem:$0x1BE00] =	vst v63  }
0x1f: {  	s30 =	simm.s32 $0xBE00  }
0x20: {  	[tilespmem:s30], [sflag:$0x2] =	stream.indirect.gather [hbm4b:s7+s15], $0x20, s15, s15, $0xb8;
	[tilespmem:$0x1BE00] =	vst v63  }
0x21: {  	s31 =	simm.s32 $0x4F80;
	s28 =	simm.s32 $0x0  }
0x22: {  	[tilespmem:s20], [sflag:$0x2] =	stream.indirect.gather [hbm4b:s8+s15], $0x20, s31, s15, $0xb8;
	[tilespmem:$0x1BE00] =	vst v63  }
.LBB2_2:
0x23: {  	_ =	swait.ge [sflag:s21], $0x1000  }
0x24: {  	[sflag:s21] =	ssyncset.done $0x0  }
0x25: {  	[sflag:s21] =	ssyncadd.s32 $0xFFFFF000  }
0x26: {  	_ =	swait.ge [sflag:s21], $0x1000  }
0x27: {  	[sflag:s21] =	ssyncset.done $0x0  }
0x28: {  	s17 =	simm.s32 $0x9E40;
	[sflag:s21] =	ssyncadd.s32 $0xFFFFF000  }
0x29: {  	s16 =	simm.s32 $0xAE40;
	v1 =	vld [tilespmem:s17+$0x20]  }
0x2a: {  	v2 =	vld [tilespmem:s16+$0x20];
	_ =	sdelay $0x2  }
0x2b: {  	v3 =	vld [tilespmem:s17+$0xFFFFFFE0]  }
0x2c: {  	v4 =	vld [tilespmem:s16+$0xFFFFFFE0]  }
0x2d: {  	v1 =	vadd.bf16 v2, v1  }
0x2e: {  	s30 =	simm.s32 $0x9EC0;
	v6 =	vld [tilespmem:s16+$0x0]  }
0x2f: {  	v9 =	vld [tilespmem:s30+$0xFFFFFFE0];
	v1 =	vmax.bf16 v1, v0  }
0x30: {  	s29 =	simm.s32 $0xDE80;
	v2 =	vld [tilespmem:s16+$0xFFFFFFC0];
	v5 =	vunpack.i.l.bf16.f32 v1  }
0x31: {  	v3 =	vadd.bf16 v4, v3;
	v4 =	vld [tilespmem:s17+$0x0];
	v1 =	vunpack.i.u.bf16.f32 v1;
	[tilespmem:s29+$0x40] =	vst v5  }
0x32: {  	v5 =	vld [tilespmem:s17+$0xFFFFFFC0];
	[tilespmem:s29+$0x50] =	vst v1  }
0x33: {  	v3 =	vmax.bf16 v3, v0;
	v7 =	vld [tilespmem:s17+$0x30]  }
0x34: {  	v1 =	vunpack.i.l.bf16.f32 v3;
	v3 =	vunpack.i.u.bf16.f32 v3;
	v8 =	vld [tilespmem:s16+$0x30]  }
0x35: {  	s0 =	simm.s32 $0xAEC0;
	[tilespmem:s29+$0xFFFFFFD0] =	vst v3;
	v3 =	vld [tilespmem:s30+$0x20]  }
0x36: {  	v4 =	vadd.bf16 v6, v4;
	v6 =	vld [tilespmem:s0+$0x20]  }
0x37: {  	v11 =	vld [tilespmem:s0+$0xFFFFFFE0];
	[tilespmem:s29+$0xFFFFFFC0] =	vst v1;
	v2 =	vadd.bf16 v2, v5  }
0x38: {  	v1 =	vld [tilespmem:s17+$0xFFFFFFF0];
	v4 =	vmax.bf16 v4, v0  }
0x39: {  	v10 =	vunpack.i.l.bf16.f32 v4;
	v5 =	vld [tilespmem:s0+$0xFFFFFFC0];
	v2 =	vmax.bf16 v2, v0  }
0x3a: {  	[tilespmem:s29+$0x0] =	vst v10;
	v10 =	vld [tilespmem:s0+$0x0];
	v7 =	vadd.bf16 v8, v7;
	v12 =	vunpack.i.l.bf16.f32 v2  }
0x3b: {  	v8 =	vld [tilespmem:s30+$0x0];
	v3 =	vadd.bf16 v6, v3;
	v2 =	vunpack.i.u.bf16.f32 v2;
	[tilespmem:s29+$0xFFFFFF80] =	vst v12  }
0x3c: {  	v4 =	vunpack.i.u.bf16.f32 v4;
	v6 =	vld [tilespmem:s30+$0xFFFFFFC0];
	[tilespmem:s29+$0xFFFFFF90] =	vst v2;
	v2 =	vmax.bf16 v7, v0  }
0x3d: {  	[tilespmem:s29+$0x10] =	vst v4;
	v3 =	vmax.bf16 v3, v0;
	v4 =	vunpack.i.u.bf16.f32 v2;
	v12 =	vld [tilespmem:s17+$0xFFFFFFD0]  }
0x3e: {  	s1 =	simm.s32 $0xDF80;
	v7 =	vadd.bf16 v11, v9;
	v13 =	vld [tilespmem:s16+$0xFFFFFFD0];
	[tilespmem:s29+$0x70] =	vst v4;
	v4 =	vunpack.i.l.bf16.f32 v3  }
0x3f: {  	v9 =	vunpack.i.l.bf16.f32 v2;
	v2 =	vld [tilespmem:s17+$0x10];
	v3 =	vunpack.i.u.bf16.f32 v3;
	[tilespmem:s1+$0x40] =	vst v4  }
0x40: {  	v7 =	vmax.bf16 v7, v0;
	v8 =	vadd.bf16 v10, v8;
	v4 =	vld [tilespmem:s16+$0xFFFFFFF0];
	[tilespmem:s1+$0x50] =	vst v3  }
0x41: {  	[tilespmem:s29+$0x60] =	vst v9;
	v3 =	vadd.bf16 v5, v6;
	v6 =	vunpack.i.l.bf16.f32 v7;
	v5 =	vld [tilespmem:s30+$0x30]  }
0x42: {  	v9 =	vunpack.i.u.bf16.f32 v7;
	[tilespmem:s1+$0xFFFFFFC0] =	vst v6;
	v6 =	vmax.bf16 v8, v0;
	v7 =	vld [tilespmem:s0+$0x30]  }
0x43: {  	[tilespmem:s1+$0xFFFFFFD0] =	vst v9;
	v3 =	vmax.bf16 v3, v0;
	v8 =	vunpack.i.u.bf16.f32 v6;
	v10 =	vunpack.i.l.bf16.f32 v6;
	v6 =	vld [tilespmem:s16+$0x10]  }
0x44: {  	s18 =	simm.s32 $0x9F40;
	s17 =	simm.s32 $0x4;
	s16 =	simm.s32 $0xAEC0;
	v9 =	vunpack.i.u.bf16.f32 v3;
	v11 =	vunpack.i.l.bf16.f32 v3;
	v3 =	vld [tilespmem:s30+$0xFFFFFFF0];
	[tilespmem:s1+$0x0] =	vst v10;
	v10 =	vadd.bf16 v13, v12  }
.LBB2_3:
0x45: {  	v12 =	vld [tilespmem:s18+$0x20];
	[tilespmem:s1+$0xFFFFFF80] =	vst v11;
	s0 =	sadd.s32 $0x80, s0;
	v1 =	vadd.bf16 v4, v1  }
0x46: {  	v4 =	vld [tilespmem:s0+$0x20];
	[tilespmem:s1+$0xFFFFFF90] =	vst v9;
	v9 =	vmax.bf16 v10, v0  }
0x47: {  	v10 =	vld [tilespmem:s0+$0xFFFFFFC0];
	[tilespmem:s1+$0x10] =	vst v8;
	v5 =	vadd.bf16 v7, v5;
	v7 =	vunpack.i.u.bf16.f32 v9;
	v11 =	vmax.bf16 v1, v0  }
0x48: {  	s17 =	sadd.s32 $0x4, s17;
	v9 =	vunpack.i.l.bf16.f32 v9;
	v8 =	vld [tilespmem:s18+$0xFFFFFFE0];
	[tilespmem:s29+$0xFFFFFFB0] =	vst v7;
	v7 =	vunpack.i.u.bf16.f32 v11;
	v2 =	vadd.bf16 v6, v2  }
0x49: {  	p0 =	slt.u32 s17, $0x7C;
	v6 =	vld [tilespmem:s0+$0xFFFFFFE0];
	v5 =	vmax.bf16 v5, v0;
	[tilespmem:s29+$0xFFFFFFA0] =	vst v9;
	v9 =	vunpack.i.l.bf16.f32 v11;
	v1 =	vmov v3  }
0x4a: {  	v3 =	vld [tilespmem:s18+$0x0];
	v11 =	vunpack.i.u.bf16.f32 v5;
	v13 =	vunpack.i.l.bf16.f32 v5;
	[tilespmem:s29+$0xFFFFFFE0] =	vst v9;
	v2 =	vmax.bf16 v2, v0  }
0x4b: {  	v5 =	vld [tilespmem:s0+$0x0];
	v4 =	vadd.bf16 v4, v12;
	[tilespmem:s1+$0x70] =	vst v11;
	v9 =	vunpack.i.u.bf16.f32 v2;
	v2 =	vunpack.i.l.bf16.f32 v2  }
0x4c: {  	v11 =	vld [tilespmem:s18+$0xFFFFFFC0];
	[tilespmem:s29+$0xFFFFFFF0] =	vst v7  }
0x4d: {  	v4 =	vmax.bf16 v4, v0;
	v12 =	vld [tilespmem:s30+$0xFFFFFFD0];
	[tilespmem:s29+$0x20] =	vst v2  }
0x4e: {  	v2 =	vadd.bf16 v6, v8;
	v6 =	vunpack.i.l.bf16.f32 v4;
	v14 =	vld [tilespmem:s16+$0xFFFFFFD0];
	[tilespmem:s29+$0x30] =	vst v9;
	s29 =	smov.u32 s1;
	s1 =	sadd.s32 $0x100, s1  }
0x4f: {  	v7 =	vunpack.i.u.bf16.f32 v4;
	[tilespmem:s1+$0x40] =	vst v6;
	v4 =	vld [tilespmem:s16+$0xFFFFFFF0]  }
.Ltmp0:
0x50: {  	v6 =	vmax.bf16 v2, v0;
	v3 =	vadd.bf16 v5, v3;
	[tilespmem:s1+$0x50] =	vst v7;
	v2 =	vld [tilespmem:s30+$0x10];
	s30 =	smov.u32 s18;
	(pc) =	sbr.rel @p0 .LBB2_3-.Ltmp0, $4  }
0x51: {  	v8 =	vadd.bf16 v10, v11;
	v9 =	vunpack.i.u.bf16.f32 v6;
	v6 =	vunpack.i.l.bf16.f32 v6;
	v5 =	vld [tilespmem:s18+$0x30];
	[tilespmem:s29+$0x60] =	vst v13  }
0x52: {  	[tilespmem:s1+$0xFFFFFFC0] =	vst v6;
	v3 =	vmax.bf16 v3, v0;
	v7 =	vld [tilespmem:s0+$0x30]  }
0x53: {  	v10 =	vmax.bf16 v8, v0;
	[tilespmem:s1+$0xFFFFFFD0] =	vst v9;
	v8 =	vunpack.i.u.bf16.f32 v3;
	v13 =	vunpack.i.l.bf16.f32 v3;
	v6 =	vld [tilespmem:s16+$0x10];
	s16 =	smov.u32 s0  }
0x54: {  	s18 =	sadd.s32 $0x80, s18;
	v9 =	vunpack.i.u.bf16.f32 v10;
	v11 =	vunpack.i.l.bf16.f32 v10;
	v3 =	vld [tilespmem:s30+$0xFFFFFFF0];
	[tilespmem:s1+$0x0] =	vst v13;
	v10 =	vadd.bf16 v14, v12  }
0x55: {  	[tilespmem:s1+$0xFFFFFF80] =	vst v11  }
0x56: {  	[tilespmem:s1+$0xFFFFFF90] =	vst v9  }
0x57: {  	v1 =	vadd.bf16 v4, v1;
	v4 =	vmax.bf16 v10, v0;
	v9 =	vld [tilespmem:s30+$0xFFFFFFD0]  }
0x58: {  	[tilespmem:s1+$0x10] =	vst v8;
	v8 =	vld [tilespmem:s16+$0xFFFFFFD0];
	v5 =	vadd.bf16 v7, v5;
	v7 =	vunpack.i.u.bf16.f32 v4  }
0x59: {  	v1 =	vmax.bf16 v1, v0;
	v4 =	vunpack.i.l.bf16.f32 v4;
	[tilespmem:s29+$0xFFFFFFB0] =	vst v7  }
0x5a: {  	v2 =	vadd.bf16 v6, v2;
	[tilespmem:s29+$0xFFFFFFA0] =	vst v4;
	v4 =	vunpack.i.l.bf16.f32 v1;
	v6 =	vld [tilespmem:s16+$0xFFFFFFF0];
	v5 =	vmax.bf16 v5, v0  }
0x5b: {  	[tilespmem:s29+$0xFFFFFFE0] =	vst v4;
	v4 =	vld [tilespmem:s30+$0x10];
	v7 =	vunpack.i.u.bf16.f32 v5  }
0x5c: {  	v1 =	vunpack.i.u.bf16.f32 v1;
	[tilespmem:s1+$0x70] =	vst v7;
	v7 =	vld [tilespmem:s16+$0x10]  }
0x5d: {  	[tilespmem:s29+$0xFFFFFFF0] =	vst v1;
	v2 =	vmax.bf16 v2, v0;
	v5 =	vunpack.i.l.bf16.f32 v5;
	v1 =	vadd.bf16 v8, v9  }
0x5e: {  	v10 =	vunpack.i.l.bf16.f32 v2;
	v2 =	vunpack.i.u.bf16.f32 v2;
	[tilespmem:s1+$0x60] =	vst v5  }
0x5f: {  	[tilespmem:s29+$0x30] =	vst v2;
	v2 =	vadd.bf16 v6, v3;
	v1 =	vmax.bf16 v1, v0  }
0x60: {  	[tilespmem:s29+$0x20] =	vst v10;
	v3 =	vunpack.i.u.bf16.f32 v1  }
0x61: {  	v1 =	vunpack.i.l.bf16.f32 v1;
	v2 =	vmax.bf16 v2, v0;
	[tilespmem:s1+$0xFFFFFFB0] =	vst v3;
	v3 =	vadd.bf16 v7, v4  }
0x62: {  	[tilespmem:s1+$0xFFFFFFA0] =	vst v1;
	v1 =	vunpack.i.l.bf16.f32 v2  }
0x63: {  	v2 =	vunpack.i.u.bf16.f32 v2;
	[tilespmem:s1+$0xFFFFFFE0] =	vst v1;
	v1 =	vmax.bf16 v3, v0  }
0x64: {  	p0 =	seq.s32 s28, $0x4E;
	[tilespmem:s1+$0xFFFFFFF0] =	vst v2;
	v3 =	vunpack.i.l.bf16.f32 v1  }
0x65: {  	p1 =	seq.s32 @!p0 s28, $0x0;
	s29 =	sshll.u32 @!p0 s28, $0x8;
	v1 =	vunpack.i.u.bf16.f32 v1;
	[tilespmem:s1+$0x20] =	vst v3  }
0x66: {  	s16 =	simm.s32 @!p0 $0x9E00;
	s0 =	sadd.s32 @!p0 $0x100, s29;
	[tilespmem:s1+$0x30] =	vst v1;
	s1 =	simm.s32 @!p0 $0x80  }
0x67: {  	[tilespmem:s16], [sflag:$0x1] =	stream.indirect.gather @!p0 [hbm4b:s7+s1], $0x20, s0, s1, $0xb8;
	[tilespmem:$0x1BE00] =	vst v63  }
0x68: {  	p1 =	por p0, !p1;
	s0 =	sadd.s32 @!p0 $0x5000, s29;
	s16 =	simm.s32 @!p0 $0xAE00  }
0x69: {  	[tilespmem:s16], [sflag:$0x1] =	stream.indirect.gather @!p0 [hbm4b:s8+s1], $0x20, s0, s1, $0xb8;
	[tilespmem:$0x1BE00] =	vst v63  }
0x6a: {  	_ =	swait.ge @p1 [sflag:s24], $0x2000  }
0x6b: {  	s19 =	sshll.u32 s28, $0x8;
	[sflag:s24] =	ssyncset.done @p1 $0x0  }
0x6c: {  	s30 =	sand.u32 $0x3FFFFF00, s19;
	[sflag:s24] =	ssyncadd.s32 @p1 $0xFFFFE000  }
0x6d: {  	[spmem:s2] =	stream.indirect.scatter.add.f32 [tilespmem:s22], [sflag:$0x3], $0x40, s30, s15, $0xb8;
	[tilespmem:$0x1BE00] =	vst v63  }
0x6e: {  	_ =	swait.ge [sflag:s23], $0x1000  }
0x6f: {  	[sflag:s23] =	ssyncset.done $0x0  }
0x70: {  	[sflag:s23] =	ssyncadd.s32 $0xFFFFF000  }
0x71: {  	_ =	swait.ge [sflag:s23], $0x1000  }
0x72: {  	[sflag:s23] =	ssyncset.done $0x0  }
0x73: {  	s18 =	simm.s32 $0xBE40;
	[sflag:s23] =	ssyncadd.s32 $0xFFFFF000  }
0x74: {  	s17 =	simm.s32 $0xCE40;
	v1 =	vld [tilespmem:s18+$0x20]  }
0x75: {  	v2 =	vld [tilespmem:s17+$0x20];
	_ =	sdelay $0x2  }
0x76: {  	v3 =	vld [tilespmem:s18+$0xFFFFFFE0]  }
0x77: {  	v4 =	vld [tilespmem:s17+$0xFFFFFFE0]  }
0x78: {  	v1 =	vadd.bf16 v2, v1  }
0x79: {  	s1 =	simm.s32 $0xBEC0;
	v6 =	vld [tilespmem:s17+$0x0]  }
0x7a: {  	v9 =	vld [tilespmem:s1+$0xFFFFFFE0];
	v1 =	vmax.bf16 v1, v0  }
0x7b: {  	s31 =	simm.s32 $0xFE80;
	v2 =	vld [tilespmem:s17+$0xFFFFFFC0];
	v5 =	vunpack.i.l.bf16.f32 v1  }
0x7c: {  	v3 =	vadd.bf16 v4, v3;
	v4 =	vld [tilespmem:s18+$0x0];
	v1 =	vunpack.i.u.bf16.f32 v1;
	[tilespmem:s31+$0x40] =	vst v5  }
0x7d: {  	v5 =	vld [tilespmem:s18+$0xFFFFFFC0];
	[tilespmem:s31+$0x50] =	vst v1  }
0x7e: {  	v3 =	vmax.bf16 v3, v0;
	v7 =	vld [tilespmem:s18+$0x30]  }
0x7f: {  	v1 =	vunpack.i.l.bf16.f32 v3;
	v3 =	vunpack.i.u.bf16.f32 v3;
	v8 =	vld [tilespmem:s17+$0x30]  }
0x80: {  	s16 =	simm.s32 $0xCEC0;
	[tilespmem:s31+$0xFFFFFFD0] =	vst v3;
	v3 =	vld [tilespmem:s1+$0x20]  }
0x81: {  	v4 =	vadd.bf16 v6, v4;
	v6 =	vld [tilespmem:s16+$0x20]  }
0x82: {  	v11 =	vld [tilespmem:s16+$0xFFFFFFE0];
	[tilespmem:s31+$0xFFFFFFC0] =	vst v1;
	v2 =	vadd.bf16 v2, v5  }
0x83: {  	v1 =	vld [tilespmem:s18+$0xFFFFFFF0];
	v4 =	vmax.bf16 v4, v0  }
0x84: {  	v10 =	vunpack.i.l.bf16.f32 v4;
	v5 =	vld [tilespmem:s16+$0xFFFFFFC0];
	v2 =	vmax.bf16 v2, v0  }
0x85: {  	[tilespmem:s31+$0x0] =	vst v10;
	v10 =	vld [tilespmem:s16+$0x0];
	v7 =	vadd.bf16 v8, v7;
	v12 =	vunpack.i.l.bf16.f32 v2  }
0x86: {  	v8 =	vld [tilespmem:s1+$0x0];
	v3 =	vadd.bf16 v6, v3;
	v2 =	vunpack.i.u.bf16.f32 v2;
	[tilespmem:s31+$0xFFFFFF80] =	vst v12  }
0x87: {  	v4 =	vunpack.i.u.bf16.f32 v4;
	v6 =	vld [tilespmem:s1+$0xFFFFFFC0];
	[tilespmem:s31+$0xFFFFFF90] =	vst v2;
	v2 =	vmax.bf16 v7, v0  }
0x88: {  	[tilespmem:s31+$0x10] =	vst v4;
	v3 =	vmax.bf16 v3, v0;
	v4 =	vunpack.i.u.bf16.f32 v2;
	v12 =	vld [tilespmem:s18+$0xFFFFFFD0]  }
0x89: {  	s0 =	simm.s32 $0xFF80;
	v7 =	vadd.bf16 v11, v9;
	v13 =	vld [tilespmem:s17+$0xFFFFFFD0];
	[tilespmem:s31+$0x70] =	vst v4;
	v4 =	vunpack.i.l.bf16.f32 v3  }
0x8a: {  	v9 =	vunpack.i.l.bf16.f32 v2;
	v2 =	vld [tilespmem:s18+$0x10];
	v3 =	vunpack.i.u.bf16.f32 v3;
	[tilespmem:s0+$0x40] =	vst v4  }
0x8b: {  	v7 =	vmax.bf16 v7, v0;
	v8 =	vadd.bf16 v10, v8;
	v4 =	vld [tilespmem:s17+$0xFFFFFFF0];
	[tilespmem:s0+$0x50] =	vst v3  }
0x8c: {  	[tilespmem:s31+$0x60] =	vst v9;
	v3 =	vadd.bf16 v5, v6;
	v6 =	vunpack.i.l.bf16.f32 v7;
	v5 =	vld [tilespmem:s1+$0x30]  }
0x8d: {  	v9 =	vunpack.i.u.bf16.f32 v7;
	[tilespmem:s0+$0xFFFFFFC0] =	vst v6;
	v6 =	vmax.bf16 v8, v0;
	v7 =	vld [tilespmem:s16+$0x30]  }
0x8e: {  	[tilespmem:s0+$0xFFFFFFD0] =	vst v9;
	v3 =	vmax.bf16 v3, v0;
	v8 =	vunpack.i.u.bf16.f32 v6;
	v10 =	vunpack.i.l.bf16.f32 v6;
	v6 =	vld [tilespmem:s17+$0x10]  }
0x8f: {  	s19 =	simm.s32 $0xBF40;
	s18 =	simm.s32 $0x4;
	s17 =	simm.s32 $0xCEC0;
	v9 =	vunpack.i.u.bf16.f32 v3;
	v11 =	vunpack.i.l.bf16.f32 v3;
	v3 =	vld [tilespmem:s1+$0xFFFFFFF0];
	[tilespmem:s0+$0x0] =	vst v10;
	v10 =	vadd.bf16 v13, v12  }
.LBB2_5:
0x90: {  	v12 =	vld [tilespmem:s19+$0x20];
	[tilespmem:s0+$0xFFFFFF80] =	vst v11;
	s16 =	sadd.s32 $0x80, s16;
	v1 =	vadd.bf16 v4, v1  }
0x91: {  	v4 =	vld [tilespmem:s16+$0x20];
	[tilespmem:s0+$0xFFFFFF90] =	vst v9;
	v9 =	vmax.bf16 v10, v0  }
0x92: {  	v10 =	vld [tilespmem:s16+$0xFFFFFFC0];
	[tilespmem:s0+$0x10] =	vst v8;
	v5 =	vadd.bf16 v7, v5;
	v7 =	vunpack.i.u.bf16.f32 v9;
	v11 =	vmax.bf16 v1, v0  }
0x93: {  	s18 =	sadd.s32 $0x4, s18;
	v9 =	vunpack.i.l.bf16.f32 v9;
	v8 =	vld [tilespmem:s19+$0xFFFFFFE0];
	[tilespmem:s31+$0xFFFFFFB0] =	vst v7;
	v7 =	vunpack.i.u.bf16.f32 v11;
	v2 =	vadd.bf16 v6, v2  }
0x94: {  	p1 =	slt.u32 s18, $0x7C;
	v6 =	vld [tilespmem:s16+$0xFFFFFFE0];
	v5 =	vmax.bf16 v5, v0;
	[tilespmem:s31+$0xFFFFFFA0] =	vst v9;
	v9 =	vunpack.i.l.bf16.f32 v11;
	v1 =	vmov v3  }
0x95: {  	v3 =	vld [tilespmem:s19+$0x0];
	v11 =	vunpack.i.u.bf16.f32 v5;
	v13 =	vunpack.i.l.bf16.f32 v5;
	[tilespmem:s31+$0xFFFFFFE0] =	vst v9;
	v2 =	vmax.bf16 v2, v0  }
0x96: {  	v5 =	vld [tilespmem:s16+$0x0];
	v4 =	vadd.bf16 v4, v12;
	[tilespmem:s0+$0x70] =	vst v11;
	v9 =	vunpack.i.u.bf16.f32 v2;
	v2 =	vunpack.i.l.bf16.f32 v2  }
0x97: {  	v11 =	vld [tilespmem:s19+$0xFFFFFFC0];
	[tilespmem:s31+$0xFFFFFFF0] =	vst v7  }
0x98: {  	v4 =	vmax.bf16 v4, v0;
	v12 =	vld [tilespmem:s1+$0xFFFFFFD0];
	[tilespmem:s31+$0x20] =	vst v2  }
0x99: {  	v2 =	vadd.bf16 v6, v8;
	v6 =	vunpack.i.l.bf16.f32 v4;
	v14 =	vld [tilespmem:s17+$0xFFFFFFD0];
	[tilespmem:s31+$0x30] =	vst v9;
	s31 =	smov.u32 s0;
	s0 =	sadd.s32 $0x100, s0  }
0x9a: {  	v7 =	vunpack.i.u.bf16.f32 v4;
	[tilespmem:s0+$0x40] =	vst v6;
	v4 =	vld [tilespmem:s17+$0xFFFFFFF0]  }
.Ltmp1:
0x9b: {  	v6 =	vmax.bf16 v2, v0;
	v3 =	vadd.bf16 v5, v3;
	[tilespmem:s0+$0x50] =	vst v7;
	v2 =	vld [tilespmem:s1+$0x10];
	s1 =	smov.u32 s19;
	(pc) =	sbr.rel @p1 .LBB2_5-.Ltmp1, $4  }
0x9c: {  	v8 =	vadd.bf16 v10, v11;
	v9 =	vunpack.i.u.bf16.f32 v6;
	v6 =	vunpack.i.l.bf16.f32 v6;
	v5 =	vld [tilespmem:s19+$0x30];
	[tilespmem:s31+$0x60] =	vst v13  }
0x9d: {  	[tilespmem:s0+$0xFFFFFFC0] =	vst v6;
	v3 =	vmax.bf16 v3, v0;
	v7 =	vld [tilespmem:s16+$0x30]  }
0x9e: {  	v10 =	vmax.bf16 v8, v0;
	[tilespmem:s0+$0xFFFFFFD0] =	vst v9;
	v8 =	vunpack.i.u.bf16.f32 v3;
	v13 =	vunpack.i.l.bf16.f32 v3;
	v6 =	vld [tilespmem:s17+$0x10];
	s17 =	smov.u32 s16  }
0x9f: {  	s19 =	sadd.s32 $0x80, s19;
	v9 =	vunpack.i.u.bf16.f32 v10;
	v11 =	vunpack.i.l.bf16.f32 v10;
	v3 =	vld [tilespmem:s1+$0xFFFFFFF0];
	[tilespmem:s0+$0x0] =	vst v13;
	v10 =	vadd.bf16 v14, v12  }
0xa0: {  	[tilespmem:s0+$0xFFFFFF80] =	vst v11  }
0xa1: {  	[tilespmem:s0+$0xFFFFFF90] =	vst v9  }
0xa2: {  	v1 =	vadd.bf16 v4, v1;
	v55 =	vmax.bf16 v10, v0;
	v9 =	vld [tilespmem:s1+$0xFFFFFFD0]  }
0xa3: {  	[tilespmem:s0+$0x10] =	vst v8;
	v57 =	vld [tilespmem:s17+$0xFFFFFFD0];
	v56 =	vunpack.i.u.bf16.f32 v55  }
0xa4: {  	v5 =	vadd.bf16 v7, v5;
	v1 =	vmax.bf16 v1, v0;
	v4 =	vunpack.i.l.bf16.f32 v55;
	[tilespmem:s31+$0xFFFFFFB0] =	vst v56  }
0xa5: {  	v59 =	vld [tilespmem:s17+$0xFFFFFFF0];
	[tilespmem:s31+$0xFFFFFFA0] =	vst v4;
	v58 =	vunpack.i.l.bf16.f32 v1  }
0xa6: {  	v61 =	vld [tilespmem:s1+$0x10];
	v2 =	vadd.bf16 v6, v2;
	v1 =	vunpack.i.u.bf16.f32 v1;
	v5 =	vmax.bf16 v5, v0;
	[tilespmem:s31+$0xFFFFFFE0] =	vst v58  }
0xa7: {  	v62 =	vld [tilespmem:s17+$0x10];
	[tilespmem:s31+$0xFFFFFFF0] =	vst v1;
	v60 =	vunpack.i.u.bf16.f32 v5  }
0xa8: {  	v2 =	vmax.bf16 v2, v0;
	v5 =	vunpack.i.l.bf16.f32 v5;
	[tilespmem:s0+$0x70] =	vst v60;
	v1 =	vadd.bf16 v57, v9  }
0xa9: {  	v63 =	vunpack.i.l.bf16.f32 v2;
	v2 =	vunpack.i.u.bf16.f32 v2;
	[tilespmem:s0+$0x60] =	vst v5  }
0xaa: {  	[tilespmem:s31+$0x30] =	vst v2;
	v2 =	vadd.bf16 v59, v3;
	v1 =	vmax.bf16 v1, v0  }
0xab: {  	[tilespmem:s31+$0x20] =	vst v63;
	v3 =	vunpack.i.u.bf16.f32 v1  }
0xac: {  	v2 =	vmax.bf16 v2, v0;
	v1 =	vunpack.i.l.bf16.f32 v1;
	[tilespmem:s0+$0xFFFFFFB0] =	vst v3;
	v3 =	vadd.bf16 v62, v61  }
0xad: {  	[tilespmem:s0+$0xFFFFFFA0] =	vst v1;
	v1 =	vunpack.i.l.bf16.f32 v2  }
0xae: {  	v2 =	vunpack.i.u.bf16.f32 v2;
	[tilespmem:s0+$0xFFFFFFE0] =	vst v1;
	v1 =	vmax.bf16 v3, v0  }
0xaf: {  	[tilespmem:s0+$0xFFFFFFF0] =	vst v2;
	v3 =	vunpack.i.l.bf16.f32 v1  }
0xb0: {  	v1 =	vunpack.i.u.bf16.f32 v1;
	[tilespmem:s0+$0x20] =	vst v3  }
0xb1: {  	s16 =	simm.s32 @!p0 $0xBE00;
	s1 =	simm.s32 @!p0 $0x80;
	[tilespmem:s0+$0x30] =	vst v1;
	s0 =	sadd.s32 @!p0 $0x180, s29  }
0xb2: {  	[tilespmem:s16], [sflag:$0x2] =	stream.indirect.gather @!p0 [hbm4b:s7+s1], $0x20, s0, s1, $0xb8;
	[tilespmem:$0x1BE00] =	vst v63  }
0xb3: {  	s28 =	sadd.s32 $0x1, s28;
	s0 =	sadd.s32 @!p0 $0x5080, s29;
	s16 =	simm.s32 @!p0 $0xCE00  }
0xb4: {  	[tilespmem:s16], [sflag:$0x2] =	stream.indirect.gather @!p0 [hbm4b:s8+s1], $0x20, s0, s1, $0xb8;
	[tilespmem:$0x1BE00] =	vst v63  }
0xb5: {  	p0 =	sne.s32 s28, $0x4F  }
.Ltmp2:
0xb6: {  	_ = 	snop;
	(pc) =	sbr.rel @p0 .LBB2_2-.Ltmp2, $4  }
0xb7: {  	_ =	swait.ge [sflag:s24], $0x2000  }
0xb8: {  	[sflag:s24] =	ssyncset.done $0x0  }
0xb9: {  	s31 =	sadd.s32 $0x80, s30;
	[sflag:s24] =	ssyncadd.s32 $0xFFFFE000  }
0xba: {  	[spmem:s2] =	stream.indirect.scatter.add.f32 [tilespmem:s25], [sflag:$0x3], $0x40, s31, s15, $0xb8;
	[tilespmem:$0x1BE00] =	vst v63  }
0xbb: {  	_ =	swait.ge [sflag:s24], $0x2000  }
0xbc: {  	s26 =	sadd.s32 $0x1, s26;
	[sflag:s24] =	ssyncset.done $0x0  }
0xbd: {  	p0 =	sne.s32 s26, s10;
	[sflag:s24] =	ssyncadd.s32 $0xFFFFE000  }
.Ltmp3:
0xbe: {  	[bflag:$0x0] =	sbarrier.arrive $0xFFFF;
	(pc) =	sbr.rel @p0 .LBB2_1-.Ltmp3, $4  }
0xbf: {  	[hbm:s9], [sflag:s13] =	dma.local [spmem:s14], $0x1400  }
0xc0: {  	_ =	swait.ge [sflag:s11], $0x1400  }
0xc1: {  	[sflag:s11] =	ssyncset.done $0x0  }
0xc2: {  	[sflag:s11] =	ssyncadd.s32 $0xFFFFEC00  }
0xc3: {  	_ =	sfence.sel $0x180000  }
0xc4: {  	[bflag:$0x0] =	sbarrier.arrive $0xFFFF  }
0xc5: {  	_ =	strace $0x90000047  }
0xc6: {  	s0 =	stileid.u32;
	[bflag:$0x2] =	sbarrier.arrive $0xFFFF  }
0xc7: {  	p0 =	sne.s32 s0, $0x0;
	s0 =	rddreg [dreg:$0x2]  }
0xc8: {  	s0 =	sadd.s32 @!p0 $0x100000, s0  }
0xc9: {  	[sflag:s0] =	ssyncadd.tile.s32 @!p0 $0x1;
	_ =	shalt  }
.Lfunc_end2:
_tile_overlayer_lowered:
.L_overlay_start_2:
0xca: {  	(tag) =	ssettag $0x2  }
0xcb: {  	s0 =	rddreg [dreg:$0x0];
	s2 =	stileid.u32  }
0xcc: {  	s1 =	rddreg [dreg:$0x1];
	p0 =	sne.s32 s2, $0x0  }
0xcd: {  	s3 =	rddreg [dreg:$0x2];
	[bflag:$0x3] =	sbarrier.arrive $0xFFFF;
	s2 =	simm.s32 @!p0 $0x1C04  }
0xce: {  	[timem:s3], [sflag:s2] =	dma.local @!p0 [hbm:s0], s1  }
0xcf: {  	s0 =	simm.s32 @!p0 $0x4  }
0xd0: {  	_ =	swait.ge @!p0 [sflag:s0], s1  }
0xd1: {  	s1 =	ssub.s32 @!p0 $0x0, s1;
	[sflag:s0] =	ssyncset.done @!p0 $0x0  }
0xd2: {  	[sflag:s0] =	ssyncadd.s32 @!p0 s1  }
0xd3: {  	[bflag:$0x3] =	sbarrier.arrive $0xFFFF  }
0xd4: {  	_ =	shalt  }

</sc_bundles>
